<compile_context>
chip_gen: v7x
topology: tpu7x:2x2x1
jax: 0.10.2.dev20260603
libtpu: 0.0.44.dev20260713+nightly
codegen_flags: <defaults>
</compile_context>

<pallas_src>
import functools

import jax
import jax.numpy as jnp
from jax import lax
from jax.experimental import pallas as pl
from jax.experimental.pallas import tpu as pltpu
from jax.experimental.pallas import tpu_sc as plsc

NC = 2
NS = 16
L = 16
NW = NC * NS

B = 16384
D = 64
BW = B // NW
NBLK = BW // L


BCH = 128


def _mf_body(u_id, i_id, user_emb, user_bias, item_emb, item_bias, mean16,
             out, ids_u, ids_i, rows2, bu, bi, mv, ob, sem):
  cid = lax.axis_index("c")
  sid = lax.axis_index("s")
  wid = sid * NC + cid
  base = wid * BW

  pltpu.sync_copy(u_id.at[pl.ds(base, BW)], ids_u)
  pltpu.sync_copy(i_id.at[pl.ds(base, BW)], ids_i)
  pltpu.sync_copy(mean16, mv)

  bcps = []
  for k in range(BW // BCH):
    sl = pl.ds(k * BCH, BCH)
    bcps.append(pltpu.async_copy(user_bias.at[ids_u.at[sl]], bu.at[sl], sem))
    bcps.append(pltpu.async_copy(item_bias.at[ids_i.at[sl]], bi.at[sl], sem))

  lanes = lax.iota(jnp.int32, L)
  zero = jnp.zeros((L,), jnp.int32)

  def fire(blk, carry):
    o = blk * L
    uvec = ids_u[pl.ds(o, L)]
    ivec = ids_i[pl.ds(o, L)]
    for l in range(L):
      m = lanes == l
      ru = lax.reduce_max_p.bind(lax.select(m, uvec, zero), axes=(0,))
      ri = lax.reduce_max_p.bind(lax.select(m, ivec, zero), axes=(0,))
      pltpu.async_copy(user_emb.at[ru], rows2.at[o + l, pl.ds(0, D)], sem)
      pltpu.async_copy(item_emb.at[ri], rows2.at[o + l, pl.ds(D, D)], sem)
    return carry

  lax.fori_loop(0, NBLK, fire, 0)

  pltpu.make_async_copy(user_emb.at[pl.ds(0, 2 * BW), :], rows2, sem).wait()
  for cp in bcps:
    cp.wait()

  mean_v = mv[...]

  def blk_step(b, carry):
    o = b * L
    pv = lanes + o
    acc = bu[pl.ds(o, L)] + bi[pl.ds(o, L)] + mean_v
    for j in range(D):
      uv = plsc.load_gather(rows2, [pv, zero + j])
      iv = plsc.load_gather(rows2, [pv, zero + (D + j)])
      acc = acc + uv * iv
    ob[pl.ds(o, L)] = acc
    return carry

  lax.fori_loop(0, NBLK, blk_step, 0)

  pltpu.sync_copy(ob, out.at[pl.ds(base, BW)])


_mf = functools.partial(
    pl.kernel,
    out_type=jax.ShapeDtypeStruct((B,), jnp.float32),
    mesh=plsc.VectorSubcoreMesh(core_axis_name="c", subcore_axis_name="s"),
    compiler_params=pltpu.CompilerParams(needs_layout_passes=False),
    scratch_types=[
        pltpu.VMEM((BW,), jnp.int32),
        pltpu.VMEM((BW,), jnp.int32),
        pltpu.VMEM((BW, 2 * D), jnp.float32),
        pltpu.VMEM((BW,), jnp.float32),
        pltpu.VMEM((BW,), jnp.float32),
        pltpu.VMEM((L,), jnp.float32),
        pltpu.VMEM((BW,), jnp.float32),
        pltpu.SemaphoreType.DMA,
    ],
)(_mf_body)


def kernel(u_id, i_id, user_emb, user_bias, item_emb, item_bias, mean):
  u32 = u_id.astype(jnp.int32)
  i32 = i_id.astype(jnp.int32)
  mean16 = jnp.broadcast_to(mean.astype(jnp.float32), (L,))
  return _mf(u32, i32, user_emb, user_bias.reshape(-1), item_emb,
             item_bias.reshape(-1), mean16)

# --- scband reference (transcript-rebuilt; emitter-appended) ---
"""Pipeline reference for scband-mf-5789615915497 (READ-ONLY COPY).

The authoritative reference and input builder live on the scoring server;
editing this copy changes nothing except your own understanding.
"""

import jax, jax.numpy as jnp
import numpy as np

NUM_USERS = 1000000
NUM_ITEMS = 1000000
EMBED_DIM = 64
BATCH = 16384
MEAN = 3.5

def setup_inputs(seed: int = 0) -> dict:
    key = jax.random.key(seed)
    k1, k2, k3, k4, k5, k6 = jax.random.split(key, 6)
    u_id = jax.random.randint(k1, (BATCH,), 0, NUM_USERS, dtype=jnp.int64) if jax.config.jax_enable_x64 else jax.random.randint(k1, (BATCH,), 0, NUM_USERS).astype(jnp.int32)
    i_id = jax.random.randint(k2, (BATCH,), 0, NUM_ITEMS).astype(u_id.dtype)
    user_emb = jax.random.uniform(k3, (NUM_USERS, EMBED_DIM), dtype=jnp.float32, minval=0.0, maxval=0.005)
    user_bias = jax.random.uniform(k4, (NUM_USERS, 1), dtype=jnp.float32, minval=-0.01, maxval=0.01)
    item_emb = jax.random.uniform(k5, (NUM_ITEMS, EMBED_DIM), dtype=jnp.float32, minval=0.0, maxval=0.005)
    item_bias = jax.random.uniform(k6, (NUM_ITEMS, 1), dtype=jnp.float32, minval=-0.01, maxval=0.01)
    mean = jnp.array([MEAN], dtype=jnp.float32)
    return {"u_id": u_id, "i_id": i_id, "user_emb": user_emb, "user_bias": user_bias, "item_emb": item_emb, "item_bias": item_bias, "mean": mean}

def reference(u_id, i_id, user_emb, user_bias, item_emb, item_bias, mean):
    U = jnp.take(user_emb, u_id, axis=0)
    b_u = jnp.take(user_bias, u_id, axis=0).squeeze(-1)
    I = jnp.take(item_emb, i_id, axis=0)
    b_i = jnp.take(item_bias, i_id, axis=0).squeeze(-1)
    return (U * I).sum(1) + b_i + b_u + mean[0]

if __name__ == "__main__":
    import jax
    _d = setup_inputs()
    print(jax.jit(kernel)(*tuple(_d.values())))

</pallas_src>

<mosaic_0001>
#map = affine_map<(d0, d1) -> (0)>
#map1 = affine_map<(d0, d1) -> (0, 0)>
module attributes {stable_mosaic.version = 14 : i64} {
  func.func @_mf_body(%arg0: i32, %arg1: i32, %arg2: memref<16384xi32, #tpu.memory_space<hbm>>, %arg3: memref<16384xi32, #tpu.memory_space<hbm>>, %arg4: memref<1000000x64xf32, #tpu.memory_space<hbm>>, %arg5: memref<1000000xf32, #tpu.memory_space<hbm>>, %arg6: memref<1000000x64xf32, #tpu.memory_space<hbm>>, %arg7: memref<1000000xf32, #tpu.memory_space<hbm>>, %arg8: memref<16xf32, #tpu.memory_space<hbm>>, %arg9: memref<16384xf32, #tpu.memory_space<hbm>>, %arg10: memref<512xi32, #tpu.memory_space<vmem>>, %arg11: memref<512xi32, #tpu.memory_space<vmem>>, %arg12: memref<512x128xf32, #tpu.memory_space<vmem>>, %arg13: memref<512xf32, #tpu.memory_space<vmem>>, %arg14: memref<512xf32, #tpu.memory_space<vmem>>, %arg15: memref<16xf32, #tpu.memory_space<vmem>>, %arg16: memref<512xf32, #tpu.memory_space<vmem>>, %arg17: memref<!tpu.dma_semaphore, #tpu.memory_space<semaphore_mem>>) attributes {dimension_semantics = [#tpu.dimension_semantics<core_parallel>, #tpu.dimension_semantics<subcore_parallel>], iteration_bounds = array<i64: 2, 16>, scalar_prefetch = 0 : i64, scratch_operands = 8 : i64, tpu.core_type = #tpu.core_type<sc_vector_subcore>, window_params = [{transform_indices = #map}, {transform_indices = #map}, {transform_indices = #map1}, {transform_indices = #map}, {transform_indices = #map1}, {transform_indices = #map}, {transform_indices = #map}, {transform_indices = #map}]} {
    %mul3A = arith.constant 2 : i32
    %mul3A_0 = arith.muli %arg1, %mul3A : i32
    %add3A = arith.addi %mul3A_0, %arg0 : i32
    %mul3A_1 = arith.constant 512 : i32
    %mul3A_2 = arith.muli %add3A, %mul3A_1 : i32
    "tpu.region"() ({
      %run_scoped3A = tpu.sem_alloc : memref<!tpu.dma_semaphore, #tpu.memory_space<semaphore_mem>>
      %dma_start3A_116 = tpu.memref_slice %arg2[%mul3A_2] : memref<16384xi32, #tpu.memory_space<hbm>> -> memref<512xi32, #tpu.memory_space<hbm>>
      %dma_start3A_117 = tpu.memref_slice %arg2[%mul3A_2] : memref<16384xi32, #tpu.memory_space<hbm>> -> memref<512xi32, #tpu.memory_space<hbm>>
      tpu.enqueue_dma source(%dma_start3A_117 : memref<512xi32, #tpu.memory_space<hbm>>) target(%arg10 : memref<512xi32, #tpu.memory_space<vmem>>) target_semaphore(%run_scoped3A : memref<!tpu.dma_semaphore, #tpu.memory_space<semaphore_mem>>)
      %dma_wait3A_118 = tpu.memref_slice %arg2[%mul3A_2] : memref<16384xi32, #tpu.memory_space<hbm>> -> memref<512xi32, #tpu.memory_space<hbm>>
      %dma_wait3A_119 = tpu.memref_slice %arg2[%mul3A_2] : memref<16384xi32, #tpu.memory_space<hbm>> -> memref<512xi32, #tpu.memory_space<hbm>>
      tpu.wait_dma2 semaphore(%run_scoped3A : memref<!tpu.dma_semaphore, #tpu.memory_space<semaphore_mem>>) src(%dma_wait3A_119 : memref<512xi32, #tpu.memory_space<hbm>>) dst(%arg10 : memref<512xi32, #tpu.memory_space<vmem>>)
      tpu.yield
    }) : () -> ()
    "tpu.region"() ({
      %run_scoped3A = tpu.sem_alloc : memref<!tpu.dma_semaphore, #tpu.memory_space<semaphore_mem>>
      %dma_start3A_116 = tpu.memref_slice %arg3[%mul3A_2] : memref<16384xi32, #tpu.memory_space<hbm>> -> memref<512xi32, #tpu.memory_space<hbm>>
      %dma_start3A_117 = tpu.memref_slice %arg3[%mul3A_2] : memref<16384xi32, #tpu.memory_space<hbm>> -> memref<512xi32, #tpu.memory_space<hbm>>
      tpu.enqueue_dma source(%dma_start3A_117 : memref<512xi32, #tpu.memory_space<hbm>>) target(%arg11 : memref<512xi32, #tpu.memory_space<vmem>>) target_semaphore(%run_scoped3A : memref<!tpu.dma_semaphore, #tpu.memory_space<semaphore_mem>>)
      %dma_wait3A_118 = tpu.memref_slice %arg3[%mul3A_2] : memref<16384xi32, #tpu.memory_space<hbm>> -> memref<512xi32, #tpu.memory_space<hbm>>
      %dma_wait3A_119 = tpu.memref_slice %arg3[%mul3A_2] : memref<16384xi32, #tpu.memory_space<hbm>> -> memref<512xi32, #tpu.memory_space<hbm>>
      tpu.wait_dma2 semaphore(%run_scoped3A : memref<!tpu.dma_semaphore, #tpu.memory_space<semaphore_mem>>) src(%dma_wait3A_119 : memref<512xi32, #tpu.memory_space<hbm>>) dst(%arg11 : memref<512xi32, #tpu.memory_space<vmem>>)
      tpu.yield
    }) : () -> ()
    "tpu.region"() ({
      %run_scoped3A = tpu.sem_alloc : memref<!tpu.dma_semaphore, #tpu.memory_space<semaphore_mem>>
      tpu.enqueue_dma source(%arg8 : memref<16xf32, #tpu.memory_space<hbm>>) target(%arg15 : memref<16xf32, #tpu.memory_space<vmem>>) target_semaphore(%run_scoped3A : memref<!tpu.dma_semaphore, #tpu.memory_space<semaphore_mem>>)
      tpu.wait_dma2 semaphore(%run_scoped3A : memref<!tpu.dma_semaphore, #tpu.memory_space<semaphore_mem>>) src(%arg8 : memref<16xf32, #tpu.memory_space<hbm>>) dst(%arg15 : memref<16xf32, #tpu.memory_space<vmem>>)
      tpu.yield
    }) : () -> ()
    %dma_start3A = arith.constant 0 : i32
    %dma_start3A_3 = tpu.memref_slice %arg13[%dma_start3A] : memref<512xf32, #tpu.memory_space<vmem>> -> memref<128xf32, #tpu.memory_space<vmem>>
    %dma_start3A_4 = arith.constant 0 : i32
    %dma_start3A_5 = tpu.memref_slice %arg10[%dma_start3A_4] : memref<512xi32, #tpu.memory_space<vmem>> -> memref<128xi32, #tpu.memory_space<vmem>>
    %dma_start3A_6 = arith.constant 0 : i32
    %dma_start3A_7 = tpu.memref_slice %arg5[%dma_start3A_6] : memref<1000000xf32, #tpu.memory_space<hbm>> -> memref<1000000xf32, #tpu.memory_space<hbm>>
    tpu.enqueue_indirect_dma source(%dma_start3A_7 : memref<1000000xf32, #tpu.memory_space<hbm>>) target(%dma_start3A_3 : memref<128xf32, #tpu.memory_space<vmem>>) offsets(%dma_start3A_5 : memref<128xi32, #tpu.memory_space<vmem>>) semaphore(%arg17 : memref<!tpu.dma_semaphore, #tpu.memory_space<semaphore_mem>>)
    %dma_start3A_8 = arith.constant 0 : i32
    %dma_start3A_9 = tpu.memref_slice %arg14[%dma_start3A_8] : memref<512xf32, #tpu.memory_space<vmem>> -> memref<128xf32, #tpu.memory_space<vmem>>
    %dma_start3A_10 = arith.constant 0 : i32
    %dma_start3A_11 = tpu.memref_slice %arg11[%dma_start3A_10] : memref<512xi32, #tpu.memory_space<vmem>> -> memref<128xi32, #tpu.memory_space<vmem>>
    %dma_start3A_12 = arith.constant 0 : i32
    %dma_start3A_13 = tpu.memref_slice %arg7[%dma_start3A_12] : memref<1000000xf32, #tpu.memory_space<hbm>> -> memref<1000000xf32, #tpu.memory_space<hbm>>
    tpu.enqueue_indirect_dma source(%dma_start3A_13 : memref<1000000xf32, #tpu.memory_space<hbm>>) target(%dma_start3A_9 : memref<128xf32, #tpu.memory_space<vmem>>) offsets(%dma_start3A_11 : memref<128xi32, #tpu.memory_space<vmem>>) semaphore(%arg17 : memref<!tpu.dma_semaphore, #tpu.memory_space<semaphore_mem>>)
    %dma_start3A_14 = arith.constant 128 : i32
    %dma_start3A_15 = tpu.memref_slice %arg13[%dma_start3A_14] : memref<512xf32, #tpu.memory_space<vmem>> -> memref<128xf32, #tpu.memory_space<vmem>>
    %dma_start3A_16 = arith.constant 128 : i32
    %dma_start3A_17 = tpu.memref_slice %arg10[%dma_start3A_16] : memref<512xi32, #tpu.memory_space<vmem>> -> memref<128xi32, #tpu.memory_space<vmem>>
    %dma_start3A_18 = arith.constant 0 : i32
    %dma_start3A_19 = tpu.memref_slice %arg5[%dma_start3A_18] : memref<1000000xf32, #tpu.memory_space<hbm>> -> memref<1000000xf32, #tpu.memory_space<hbm>>
    tpu.enqueue_indirect_dma source(%dma_start3A_19 : memref<1000000xf32, #tpu.memory_space<hbm>>) target(%dma_start3A_15 : memref<128xf32, #tpu.memory_space<vmem>>) offsets(%dma_start3A_17 : memref<128xi32, #tpu.memory_space<vmem>>) semaphore(%arg17 : memref<!tpu.dma_semaphore, #tpu.memory_space<semaphore_mem>>)
    %dma_start3A_20 = arith.constant 128 : i32
    %dma_start3A_21 = tpu.memref_slice %arg14[%dma_start3A_20] : memref<512xf32, #tpu.memory_space<vmem>> -> memref<128xf32, #tpu.memory_space<vmem>>
    %dma_start3A_22 = arith.constant 128 : i32
    %dma_start3A_23 = tpu.memref_slice %arg11[%dma_start3A_22] : memref<512xi32, #tpu.memory_space<vmem>> -> memref<128xi32, #tpu.memory_space<vmem>>
    %dma_start3A_24 = arith.constant 0 : i32
    %dma_start3A_25 = tpu.memref_slice %arg7[%dma_start3A_24] : memref<1000000xf32, #tpu.memory_space<hbm>> -> memref<1000000xf32, #tpu.memory_space<hbm>>
    tpu.enqueue_indirect_dma source(%dma_start3A_25 : memref<1000000xf32, #tpu.memory_space<hbm>>) target(%dma_start3A_21 : memref<128xf32, #tpu.memory_space<vmem>>) offsets(%dma_start3A_23 : memref<128xi32, #tpu.memory_space<vmem>>) semaphore(%arg17 : memref<!tpu.dma_semaphore, #tpu.memory_space<semaphore_mem>>)
    %dma_start3A_26 = arith.constant 256 : i32
    %dma_start3A_27 = tpu.memref_slice %arg13[%dma_start3A_26] : memref<512xf32, #tpu.memory_space<vmem>> -> memref<128xf32, #tpu.memory_space<vmem>>
    %dma_start3A_28 = arith.constant 256 : i32
    %dma_start3A_29 = tpu.memref_slice %arg10[%dma_start3A_28] : memref<512xi32, #tpu.memory_space<vmem>> -> memref<128xi32, #tpu.memory_space<vmem>>
    %dma_start3A_30 = arith.constant 0 : i32
    %dma_start3A_31 = tpu.memref_slice %arg5[%dma_start3A_30] : memref<1000000xf32, #tpu.memory_space<hbm>> -> memref<1000000xf32, #tpu.memory_space<hbm>>
    tpu.enqueue_indirect_dma source(%dma_start3A_31 : memref<1000000xf32, #tpu.memory_space<hbm>>) target(%dma_start3A_27 : memref<128xf32, #tpu.memory_space<vmem>>) offsets(%dma_start3A_29 : memref<128xi32, #tpu.memory_space<vmem>>) semaphore(%arg17 : memref<!tpu.dma_semaphore, #tpu.memory_space<semaphore_mem>>)
    %dma_start3A_32 = arith.constant 256 : i32
    %dma_start3A_33 = tpu.memref_slice %arg14[%dma_start3A_32] : memref<512xf32, #tpu.memory_space<vmem>> -> memref<128xf32, #tpu.memory_space<vmem>>
    %dma_start3A_34 = arith.constant 256 : i32
    %dma_start3A_35 = tpu.memref_slice %arg11[%dma_start3A_34] : memref<512xi32, #tpu.memory_space<vmem>> -> memref<128xi32, #tpu.memory_space<vmem>>
    %dma_start3A_36 = arith.constant 0 : i32
    %dma_start3A_37 = tpu.memref_slice %arg7[%dma_start3A_36] : memref<1000000xf32, #tpu.memory_space<hbm>> -> memref<1000000xf32, #tpu.memory_space<hbm>>
    tpu.enqueue_indirect_dma source(%dma_start3A_37 : memref<1000000xf32, #tpu.memory_space<hbm>>) target(%dma_start3A_33 : memref<128xf32, #tpu.memory_space<vmem>>) offsets(%dma_start3A_35 : memref<128xi32, #tpu.memory_space<vmem>>) semaphore(%arg17 : memref<!tpu.dma_semaphore, #tpu.memory_space<semaphore_mem>>)
    %dma_start3A_38 = arith.constant 384 : i32
    %dma_start3A_39 = tpu.memref_slice %arg13[%dma_start3A_38] : memref<512xf32, #tpu.memory_space<vmem>> -> memref<128xf32, #tpu.memory_space<vmem>>
    %dma_start3A_40 = arith.constant 384 : i32
    %dma_start3A_41 = tpu.memref_slice %arg10[%dma_start3A_40] : memref<512xi32, #tpu.memory_space<vmem>> -> memref<128xi32, #tpu.memory_space<vmem>>
    %dma_start3A_42 = arith.constant 0 : i32
    %dma_start3A_43 = tpu.memref_slice %arg5[%dma_start3A_42] : memref<1000000xf32, #tpu.memory_space<hbm>> -> memref<1000000xf32, #tpu.memory_space<hbm>>
    tpu.enqueue_indirect_dma source(%dma_start3A_43 : memref<1000000xf32, #tpu.memory_space<hbm>>) target(%dma_start3A_39 : memref<128xf32, #tpu.memory_space<vmem>>) offsets(%dma_start3A_41 : memref<128xi32, #tpu.memory_space<vmem>>) semaphore(%arg17 : memref<!tpu.dma_semaphore, #tpu.memory_space<semaphore_mem>>)
    %dma_start3A_44 = arith.constant 384 : i32
    %dma_start3A_45 = tpu.memref_slice %arg14[%dma_start3A_44] : memref<512xf32, #tpu.memory_space<vmem>> -> memref<128xf32, #tpu.memory_space<vmem>>
    %dma_start3A_46 = arith.constant 384 : i32
    %dma_start3A_47 = tpu.memref_slice %arg11[%dma_start3A_46] : memref<512xi32, #tpu.memory_space<vmem>> -> memref<128xi32, #tpu.memory_space<vmem>>
    %dma_start3A_48 = arith.constant 0 : i32
    %dma_start3A_49 = tpu.memref_slice %arg7[%dma_start3A_48] : memref<1000000xf32, #tpu.memory_space<hbm>> -> memref<1000000xf32, #tpu.memory_space<hbm>>
    tpu.enqueue_indirect_dma source(%dma_start3A_49 : memref<1000000xf32, #tpu.memory_space<hbm>>) target(%dma_start3A_45 : memref<128xf32, #tpu.memory_space<vmem>>) offsets(%dma_start3A_47 : memref<128xi32, #tpu.memory_space<vmem>>) semaphore(%arg17 : memref<!tpu.dma_semaphore, #tpu.memory_space<semaphore_mem>>)
    %iota3A = tpu.iota {dimensions = array<i32: 0>} : vector<16xi32>
    %broadcast_in_dim3A = arith.constant 0 : i32
    %broadcast_in_dim3A_50 = vector.broadcast %broadcast_in_dim3A : i32 to vector<16xi32>
    %scan3A = arith.constant 0 : i32
    %scan3A_51 = arith.constant 0 : i32
    %scan3A_52 = arith.constant 32 : i32
    %scan3A_53 = arith.addi %scan3A_51, %scan3A_52 : i32
    %scan3A_54 = arith.constant 1 : i32
    scf.for %scan3A_116 = %scan3A_51 to %scan3A_53 step %scan3A_54  : i32 {
      %mul3A_117 = arith.constant 16 : i32
      %mul3A_118 = arith.muli %scan3A_116, %mul3A_117 : i32
      %get3A_119 = arith.index_cast %mul3A_118 : i32 to index
      %get3A_120 = tpu.vector_load %arg10[%get3A_119] {strides = array<i32>} : memref<512xi32, #tpu.memory_space<vmem>>, vector<16xi32>,
      %get3A_121 = arith.index_cast %mul3A_118 : i32 to index
      %get3A_122 = tpu.vector_load %arg11[%get3A_121] {strides = array<i32>} : memref<512xi32, #tpu.memory_space<vmem>>, vector<16xi32>,
      %eq3A = arith.constant 0 : i32
      %eq3A_123 = vector.broadcast %eq3A : i32 to vector<16xi32>
      %eq3A_124 = arith.cmpi eq, %iota3A, %eq3A_123 : vector<16xi32>
      %select_n3A = arith.select %eq3A_124, %get3A_120, %broadcast_in_dim3A_50 : vector<16xi1>, vector<16xi32>
      %reduce_max3A = arith.constant true
      %reduce_max3A_125 = vector.broadcast %reduce_max3A : i1 to vector<16xi1>
      %reduce_max3A_126 = arith.constant -2147483648 : i32
      %reduce_max3A_127 = vector.broadcast %reduce_max3A_126 : i32 to vector<16xi32>
      %reduce_max3A_128 = arith.xori %select_n3A, %reduce_max3A_127 : vector<16xi32>
      %reduce_max3A_129 = tpu.scan <max>, %reduce_max3A_128 masked %reduce_max3A_125 : vector<16xi32>, vector<16xi1> -> vector<16xi32>
      %reduce_max3A_130 = arith.xori %reduce_max3A_129, %reduce_max3A_127 : vector<16xi32>
      %reduce_max3A_131 = vector.extract %reduce_max3A_130[15] : i32 from vector<16xi32>
      %select_n3A_132 = arith.select %eq3A_124, %get3A_122, %broadcast_in_dim3A_50 : vector<16xi1>, vector<16xi32>
      %reduce_max3A_133 = arith.constant true
      %reduce_max3A_134 = vector.broadcast %reduce_max3A_133 : i1 to vector<16xi1>
      %reduce_max3A_135 = arith.constant -2147483648 : i32
      %reduce_max3A_136 = vector.broadcast %reduce_max3A_135 : i32 to vector<16xi32>
      %reduce_max3A_137 = arith.xori %select_n3A_132, %reduce_max3A_136 : vector<16xi32>
      %reduce_max3A_138 = tpu.scan <max>, %reduce_max3A_137 masked %reduce_max3A_134 : vector<16xi32>, vector<16xi1> -> vector<16xi32>
      %reduce_max3A_139 = arith.xori %reduce_max3A_138, %reduce_max3A_136 : vector<16xi32>
      %reduce_max3A_140 = vector.extract %reduce_max3A_139[15] : i32 from vector<16xi32>
      %add3A_141 = arith.constant 0 : i32
      %add3A_142 = arith.addi %mul3A_118, %add3A_141 : i32
      %dma_start3A_143 = arith.constant 0 : i32
      %dma_start3A_144 = tpu.memref_slice %arg12[%add3A_142, %dma_start3A_143] : memref<512x128xf32, #tpu.memory_space<vmem>> -> memref<1x64xf32, #tpu.memory_space<vmem>>
      %dma_start3A_145 = tpu.memref_squeeze %dma_start3A_144 : memref<1x64xf32, #tpu.memory_space<vmem>> -> memref<64xf32, #tpu.memory_space<vmem>>
      %dma_start3A_146 = arith.constant 0 : i32
      %dma_start3A_147 = tpu.memref_slice %arg4[%reduce_max3A_131, %dma_start3A_146] : memref<1000000x64xf32, #tpu.memory_space<hbm>> -> memref<1x64xf32, #tpu.memory_space<hbm>>
      %dma_start3A_148 = tpu.memref_squeeze %dma_start3A_147 : memref<1x64xf32, #tpu.memory_space<hbm>> -> memref<64xf32, #tpu.memory_space<hbm>>
      %dma_start3A_149 = arith.constant 0 : i32
      %dma_start3A_150 = tpu.memref_slice %arg12[%add3A_142, %dma_start3A_149] : memref<512x128xf32, #tpu.memory_space<vmem>> -> memref<1x64xf32, #tpu.memory_space<vmem>>
      %dma_start3A_151 = tpu.memref_squeeze %dma_start3A_150 : memref<1x64xf32, #tpu.memory_space<vmem>> -> memref<64xf32, #tpu.memory_space<vmem>>
      %dma_start3A_152 = arith.constant 0 : i32
      %dma_start3A_153 = tpu.memref_slice %arg4[%reduce_max3A_131, %dma_start3A_152] : memref<1000000x64xf32, #tpu.memory_space<hbm>> -> memref<1x64xf32, #tpu.memory_space<hbm>>
      %dma_start3A_154 = tpu.memref_squeeze %dma_start3A_153 : memref<1x64xf32, #tpu.memory_space<hbm>> -> memref<64xf32, #tpu.memory_space<hbm>>
      tpu.enqueue_dma source(%dma_start3A_154 : memref<64xf32, #tpu.memory_space<hbm>>) target(%dma_start3A_151 : memref<64xf32, #tpu.memory_space<vmem>>) target_semaphore(%arg17 : memref<!tpu.dma_semaphore, #tpu.memory_space<semaphore_mem>>)
      %add3A_155 = arith.constant 0 : i32
      %add3A_156 = arith.addi %mul3A_118, %add3A_155 : i32
      %dma_start3A_157 = arith.constant 64 : i32
      %dma_start3A_158 = tpu.memref_slice %arg12[%add3A_156, %dma_start3A_157] : memref<512x128xf32, #tpu.memory_space<vmem>> -> memref<1x64xf32, #tpu.memory_space<vmem>>
      %dma_start3A_159 = tpu.memref_squeeze %dma_start3A_158 : memref<1x64xf32, #tpu.memory_space<vmem>> -> memref<64xf32, #tpu.memory_space<vmem>>
      %dma_start3A_160 = arith.constant 0 : i32
      %dma_start3A_161 = tpu.memref_slice %arg6[%reduce_max3A_140, %dma_start3A_160] : memref<1000000x64xf32, #tpu.memory_space<hbm>> -> memref<1x64xf32, #tpu.memory_space<hbm>>
      %dma_start3A_162 = tpu.memref_squeeze %dma_start3A_161 : memref<1x64xf32, #tpu.memory_space<hbm>> -> memref<64xf32, #tpu.memory_space<hbm>>
      %dma_start3A_163 = arith.constant 64 : i32
      %dma_start3A_164 = tpu.memref_slice %arg12[%add3A_156, %dma_start3A_163] : memref<512x128xf32, #tpu.memory_space<vmem>> -> memref<1x64xf32, #tpu.memory_space<vmem>>
      %dma_start3A_165 = tpu.memref_squeeze %dma_start3A_164 : memref<1x64xf32, #tpu.memory_space<vmem>> -> memref<64xf32, #tpu.memory_space<vmem>>
      %dma_start3A_166 = arith.constant 0 : i32
      %dma_start3A_167 = tpu.memref_slice %arg6[%reduce_max3A_140, %dma_start3A_166] : memref<1000000x64xf32, #tpu.memory_space<hbm>> -> memref<1x64xf32, #tpu.memory_space<hbm>>
      %dma_start3A_168 = tpu.memref_squeeze %dma_start3A_167 : memref<1x64xf32, #tpu.memory_space<hbm>> -> memref<64xf32, #tpu.memory_space<hbm>>
      tpu.enqueue_dma source(%dma_start3A_168 : memref<64xf32, #tpu.memory_space<hbm>>) target(%dma_start3A_165 : memref<64xf32, #tpu.memory_space<vmem>>) target_semaphore(%arg17 : memref<!tpu.dma_semaphore, #tpu.memory_space<semaphore_mem>>)
      %eq3A_169 = arith.constant 1 : i32
      %eq3A_170 = vector.broadcast %eq3A_169 : i32 to vector<16xi32>
      %eq3A_171 = arith.cmpi eq, %iota3A, %eq3A_170 : vector<16xi32>
      %select_n3A_172 = arith.select %eq3A_171, %get3A_120, %broadcast_in_dim3A_50 : vector<16xi1>, vector<16xi32>
      %reduce_max3A_173 = arith.constant true
      %reduce_max3A_174 = vector.broadcast %reduce_max3A_173 : i1 to vector<16xi1>
      %reduce_max3A_175 = arith.constant -2147483648 : i32
      %reduce_max3A_176 = vector.broadcast %reduce_max3A_175 : i32 to vector<16xi32>
      %reduce_max3A_177 = arith.xori %select_n3A_172, %reduce_max3A_176 : vector<16xi32>
      %reduce_max3A_178 = tpu.scan <max>, %reduce_max3A_177 masked %reduce_max3A_174 : vector<16xi32>, vector<16xi1> -> vector<16xi32>
      %reduce_max3A_179 = arith.xori %reduce_max3A_178, %reduce_max3A_176 : vector<16xi32>
      %reduce_max3A_180 = vector.extract %reduce_max3A_179[15] : i32 from vector<16xi32>
      %select_n3A_181 = arith.select %eq3A_171, %get3A_122, %broadcast_in_dim3A_50 : vector<16xi1>, vector<16xi32>
      %reduce_max3A_182 = arith.constant true
      %reduce_max3A_183 = vector.broadcast %reduce_max3A_182 : i1 to vector<16xi1>
      %reduce_max3A_184 = arith.constant -2147483648 : i32
      %reduce_max3A_185 = vector.broadcast %reduce_max3A_184 : i32 to vector<16xi32>
      %reduce_max3A_186 = arith.xori %select_n3A_181, %reduce_max3A_185 : vector<16xi32>
      %reduce_max3A_187 = tpu.scan <max>, %reduce_max3A_186 masked %reduce_max3A_183 : vector<16xi32>, vector<16xi1> -> vector<16xi32>
      %reduce_max3A_188 = arith.xori %reduce_max3A_187, %reduce_max3A_185 : vector<16xi32>
      %reduce_max3A_189 = vector.extract %reduce_max3A_188[15] : i32 from vector<16xi32>
      %add3A_190 = arith.constant 1 : i32
      %add3A_191 = arith.addi %mul3A_118, %add3A_190 : i32
      %dma_start3A_192 = arith.constant 0 : i32
      %dma_start3A_193 = tpu.memref_slice %arg12[%add3A_191, %dma_start3A_192] : memref<512x128xf32, #tpu.memory_space<vmem>> -> memref<1x64xf32, #tpu.memory_space<vmem>>
      %dma_start3A_194 = tpu.memref_squeeze %dma_start3A_193 : memref<1x64xf32, #tpu.memory_space<vmem>> -> memref<64xf32, #tpu.memory_space<vmem>>
      %dma_start3A_195 = arith.constant 0 : i32
      %dma_start3A_196 = tpu.memref_slice %arg4[%reduce_max3A_180, %dma_start3A_195] : memref<1000000x64xf32, #tpu.memory_space<hbm>> -> memref<1x64xf32, #tpu.memory_space<hbm>>
      %dma_start3A_197 = tpu.memref_squeeze %dma_start3A_196 : memref<1x64xf32, #tpu.memory_space<hbm>> -> memref<64xf32, #tpu.memory_space<hbm>>
      %dma_start3A_198 = arith.constant 0 : i32
      %dma_start3A_199 = tpu.memref_slice %arg12[%add3A_191, %dma_start3A_198] : memref<512x128xf32, #tpu.memory_space<vmem>> -> memref<1x64xf32, #tpu.memory_space<vmem>>
      %dma_start3A_200 = tpu.memref_squeeze %dma_start3A_199 : memref<1x64xf32, #tpu.memory_space<vmem>> -> memref<64xf32, #tpu.memory_space<vmem>>
      %dma_start3A_201 = arith.constant 0 : i32
      %dma_start3A_202 = tpu.memref_slice %arg4[%reduce_max3A_180, %dma_start3A_201] : memref<1000000x64xf32, #tpu.memory_space<hbm>> -> memref<1x64xf32, #tpu.memory_space<hbm>>
      %dma_start3A_203 = tpu.memref_squeeze %dma_start3A_202 : memref<1x64xf32, #tpu.memory_space<hbm>> -> memref<64xf32, #tpu.memory_space<hbm>>
      tpu.enqueue_dma source(%dma_start3A_203 : memref<64xf32, #tpu.memory_space<hbm>>) target(%dma_start3A_200 : memref<64xf32, #tpu.memory_space<vmem>>) target_semaphore(%arg17 : memref<!tpu.dma_semaphore, #tpu.memory_space<semaphore_mem>>)
      %add3A_204 = arith.constant 1 : i32
      %add3A_205 = arith.addi %mul3A_118, %add3A_204 : i32
      %dma_start3A_206 = arith.constant 64 : i32
      %dma_start3A_207 = tpu.memref_slice %arg12[%add3A_205, %dma_start3A_206] : memref<512x128xf32, #tpu.memory_space<vmem>> -> memref<1x64xf32, #tpu.memory_space<vmem>>
      %dma_start3A_208 = tpu.memref_squeeze %dma_start3A_207 : memref<1x64xf32, #tpu.memory_space<vmem>> -> memref<64xf32, #tpu.memory_space<vmem>>
      %dma_start3A_209 = arith.constant 0 : i32
      %dma_start3A_210 = tpu.memref_slice %arg6[%reduce_max3A_189, %dma_start3A_209] : memref<1000000x64xf32, #tpu.memory_space<hbm>> -> memref<1x64xf32, #tpu.memory_space<hbm>>
      %dma_start3A_211 = tpu.memref_squeeze %dma_start3A_210 : memref<1x64xf32, #tpu.memory_space<hbm>> -> memref<64xf32, #tpu.memory_space<hbm>>
      %dma_start3A_212 = arith.constant 64 : i32
      %dma_start3A_213 = tpu.memref_slice %arg12[%add3A_205, %dma_start3A_212] : memref<512x128xf32, #tpu.memory_space<vmem>> -> memref<1x64xf32, #tpu.memory_space<vmem>>
      %dma_start3A_214 = tpu.memref_squeeze %dma_start3A_213 : memref<1x64xf32, #tpu.memory_space<vmem>> -> memref<64xf32, #tpu.memory_space<vmem>>
      %dma_start3A_215 = arith.constant 0 : i32
      %dma_start3A_216 = tpu.memref_slice %arg6[%reduce_max3A_189, %dma_start3A_215] : memref<1000000x64xf32, #tpu.memory_space<hbm>> -> memref<1x64xf32, #tpu.memory_space<hbm>>
      %dma_start3A_217 = tpu.memref_squeeze %dma_start3A_216 : memref<1x64xf32, #tpu.memory_space<hbm>> -> memref<64xf32, #tpu.memory_space<hbm>>
      tpu.enqueue_dma source(%dma_start3A_217 : memref<64xf32, #tpu.memory_space<hbm>>) target(%dma_start3A_214 : memref<64xf32, #tpu.memory_space<vmem>>) target_semaphore(%arg17 : memref<!tpu.dma_semaphore, #tpu.memory_space<semaphore_mem>>)
      %eq3A_218 = arith.constant 2 : i32
      %eq3A_219 = vector.broadcast %eq3A_218 : i32 to vector<16xi32>
      %eq3A_220 = arith.cmpi eq, %iota3A, %eq3A_219 : vector<16xi32>
      %select_n3A_221 = arith.select %eq3A_220, %get3A_120, %broadcast_in_dim3A_50 : vector<16xi1>, vector<16xi32>
      %reduce_max3A_222 = arith.constant true
      %reduce_max3A_223 = vector.broadcast %reduce_max3A_222 : i1 to vector<16xi1>
      %reduce_max3A_224 = arith.constant -2147483648 : i32
      %reduce_max3A_225 = vector.broadcast %reduce_max3A_224 : i32 to vector<16xi32>
      %reduce_max3A_226 = arith.xori %select_n3A_221, %reduce_max3A_225 : vector<16xi32>
      %reduce_max3A_227 = tpu.scan <max>, %reduce_max3A_226 masked %reduce_max3A_223 : vector<16xi32>, vector<16xi1> -> vector<16xi32>
      %reduce_max3A_228 = arith.xori %reduce_max3A_227, %reduce_max3A_225 : vector<16xi32>
      %reduce_max3A_229 = vector.extract %reduce_max3A_228[15] : i32 from vector<16xi32>
      %select_n3A_230 = arith.select %eq3A_220, %get3A_122, %broadcast_in_dim3A_50 : vector<16xi1>, vector<16xi32>
      %reduce_max3A_231 = arith.constant true
      %reduce_max3A_232 = vector.broadcast %reduce_max3A_231 : i1 to vector<16xi1>
      %reduce_max3A_233 = arith.constant -2147483648 : i32
      %reduce_max3A_234 = vector.broadcast %reduce_max3A_233 : i32 to vector<16xi32>
      %reduce_max3A_235 = arith.xori %select_n3A_230, %reduce_max3A_234 : vector<16xi32>
      %reduce_max3A_236 = tpu.scan <max>, %reduce_max3A_235 masked %reduce_max3A_232 : vector<16xi32>, vector<16xi1> -> vector<16xi32>
      %reduce_max3A_237 = arith.xori %reduce_max3A_236, %reduce_max3A_234 : vector<16xi32>
      %reduce_max3A_238 = vector.extract %reduce_max3A_237[15] : i32 from vector<16xi32>
      %add3A_239 = arith.constant 2 : i32
      %add3A_240 = arith.addi %mul3A_118, %add3A_239 : i32
      %dma_start3A_241 = arith.constant 0 : i32
      %dma_start3A_242 = tpu.memref_slice %arg12[%add3A_240, %dma_start3A_241] : memref<512x128xf32, #tpu.memory_space<vmem>> -> memref<1x64xf32, #tpu.memory_space<vmem>>
      %dma_start3A_243 = tpu.memref_squeeze %dma_start3A_242 : memref<1x64xf32, #tpu.memory_space<vmem>> -> memref<64xf32, #tpu.memory_space<vmem>>
      %dma_start3A_244 = arith.constant 0 : i32
      %dma_start3A_245 = tpu.memref_slice %arg4[%reduce_max3A_229, %dma_start3A_244] : memref<1000000x64xf32, #tpu.memory_space<hbm>> -> memref<1x64xf32, #tpu.memory_space<hbm>>
      %dma_start3A_246 = tpu.memref_squeeze %dma_start3A_245 : memref<1x64xf32, #tpu.memory_space<hbm>> -> memref<64xf32, #tpu.memory_space<hbm>>
      %dma_start3A_247 = arith.constant 0 : i32
      %dma_start3A_248 = tpu.memref_slice %arg12[%add3A_240, %dma_start3A_247] : memref<512x128xf32, #tpu.memory_space<vmem>> -> memref<1x64xf32, #tpu.memory_space<vmem>>
      %dma_start3A_249 = tpu.memref_squeeze %dma_start3A_248 : memref<1x64xf32, #tpu.memory_space<vmem>> -> memref<64xf32, #tpu.memory_space<vmem>>
      %dma_start3A_250 = arith.constant 0 : i32
      %dma_start3A_251 = tpu.memref_slice %arg4[%reduce_max3A_229, %dma_start3A_250] : memref<1000000x64xf32, #tpu.memory_space<hbm>> -> memref<1x64xf32, #tpu.memory_space<hbm>>
      %dma_start3A_252 = tpu.memref_squeeze %dma_start3A_251 : memref<1x64xf32, #tpu.memory_space<hbm>> -> memref<64xf32, #tpu.memory_space<hbm>>
      tpu.enqueue_dma source(%dma_start3A_252 : memref<64xf32, #tpu.memory_space<hbm>>) target(%dma_start3A_249 : memref<64xf32, #tpu.memory_space<vmem>>) target_semaphore(%arg17 : memref<!tpu.dma_semaphore, #tpu.memory_space<semaphore_mem>>)
      %add3A_253 = arith.constant 2 : i32
      %add3A_254 = arith.addi %mul3A_118, %add3A_253 : i32
      %dma_start3A_255 = arith.constant 64 : i32
      %dma_start3A_256 = tpu.memref_slice %arg12[%add3A_254, %dma_start3A_255] : memref<512x128xf32, #tpu.memory_space<vmem>> -> memref<1x64xf32, #tpu.memory_space<vmem>>
      %dma_start3A_257 = tpu.memref_squeeze %dma_start3A_256 : memref<1x64xf32, #tpu.memory_space<vmem>> -> memref<64xf32, #tpu.memory_space<vmem>>
      %dma_start3A_258 = arith.constant 0 : i32
      %dma_start3A_259 = tpu.memref_slice %arg6[%reduce_max3A_238, %dma_start3A_258] : memref<1000000x64xf32, #tpu.memory_space<hbm>> -> memref<1x64xf32, #tpu.memory_space<hbm>>
      %dma_start3A_260 = tpu.memref_squeeze %dma_start3A_259 : memref<1x64xf32, #tpu.memory_space<hbm>> -> memref<64xf32, #tpu.memory_space<hbm>>
      %dma_start3A_261 = arith.constant 64 : i32
      %dma_start3A_262 = tpu.memref_slice %arg12[%add3A_254, %dma_start3A_261] : memref<512x128xf32, #tpu.memory_space<vmem>> -> memref<1x64xf32, #tpu.memory_space<vmem>>
      %dma_start3A_263 = tpu.memref_squeeze %dma_start3A_262 : memref<1x64xf32, #tpu.memory_space<vmem>> -> memref<64xf32, #tpu.memory_space<vmem>>
      %dma_start3A_264 = arith.constant 0 : i32
      %dma_start3A_265 = tpu.memref_slice %arg6[%reduce_max3A_238, %dma_start3A_264] : memref<1000000x64xf32, #tpu.memory_space<hbm>> -> memref<1x64xf32, #tpu.memory_space<hbm>>
      %dma_start3A_266 = tpu.memref_squeeze %dma_start3A_265 : memref<1x64xf32, #tpu.memory_space<hbm>> -> memref<64xf32, #tpu.memory_space<hbm>>
      tpu.enqueue_dma source(%dma_start3A_266 : memref<64xf32, #tpu.memory_space<hbm>>) target(%dma_start3A_263 : memref<64xf32, #tpu.memory_space<vmem>>) target_semaphore(%arg17 : memref<!tpu.dma_semaphore, #tpu.memory_space<semaphore_mem>>)
      %eq3A_267 = arith.constant 3 : i32
      %eq3A_268 = vector.broadcast %eq3A_267 : i32 to vector<16xi32>
      %eq3A_269 = arith.cmpi eq, %iota3A, %eq3A_268 : vector<16xi32>
      %select_n3A_270 = arith.select %eq3A_269, %get3A_120, %broadcast_in_dim3A_50 : vector<16xi1>, vector<16xi32>
      %reduce_max3A_271 = arith.constant true
      %reduce_max3A_272 = vector.broadcast %reduce_max3A_271 : i1 to vector<16xi1>
      %reduce_max3A_273 = arith.constant -2147483648 : i32
      %reduce_max3A_274 = vector.broadcast %reduce_max3A_273 : i32 to vector<16xi32>
      %reduce_max3A_275 = arith.xori %select_n3A_270, %reduce_max3A_274 : vector<16xi32>
      %reduce_max3A_276 = tpu.scan <max>, %reduce_max3A_275 masked %reduce_max3A_272 : vector<16xi32>, vector<16xi1> -> vector<16xi32>
      %reduce_max3A_277 = arith.xori %reduce_max3A_276, %reduce_max3A_274 : vector<16xi32>
      %reduce_max3A_278 = vector.extract %reduce_max3A_277[15] : i32 from vector<16xi32>
      %select_n3A_279 = arith.select %eq3A_269, %get3A_122, %broadcast_in_dim3A_50 : vector<16xi1>, vector<16xi32>
      %reduce_max3A_280 = arith.constant true
      %reduce_max3A_281 = vector.broadcast %reduce_max3A_280 : i1 to vector<16xi1>
      %reduce_max3A_282 = arith.constant -2147483648 : i32
      %reduce_max3A_283 = vector.broadcast %reduce_max3A_282 : i32 to vector<16xi32>
      %reduce_max3A_284 = arith.xori %select_n3A_279, %reduce_max3A_283 : vector<16xi32>
      %reduce_max3A_285 = tpu.scan <max>, %reduce_max3A_284 masked %reduce_max3A_281 : vector<16xi32>, vector<16xi1> -> vector<16xi32>
      %reduce_max3A_286 = arith.xori %reduce_max3A_285, %reduce_max3A_283 : vector<16xi32>
      %reduce_max3A_287 = vector.extract %reduce_max3A_286[15] : i32 from vector<16xi32>
      %add3A_288 = arith.constant 3 : i32
      %add3A_289 = arith.addi %mul3A_118, %add3A_288 : i32
      %dma_start3A_290 = arith.constant 0 : i32
      %dma_start3A_291 = tpu.memref_slice %arg12[%add3A_289, %dma_start3A_290] : memref<512x128xf32, #tpu.memory_space<vmem>> -> memref<1x64xf32, #tpu.memory_space<vmem>>
      %dma_start3A_292 = tpu.memref_squeeze %dma_start3A_291 : memref<1x64xf32, #tpu.memory_space<vmem>> -> memref<64xf32, #tpu.memory_space<vmem>>
      %dma_start3A_293 = arith.constant 0 : i32
      %dma_start3A_294 = tpu.memref_slice %arg4[%reduce_max3A_278, %dma_start3A_293] : memref<1000000x64xf32, #tpu.memory_space<hbm>> -> memref<1x64xf32, #tpu.memory_space<hbm>>
      %dma_start3A_295 = tpu.memref_squeeze %dma_start3A_294 : memref<1x64xf32, #tpu.memory_space<hbm>> -> memref<64xf32, #tpu.memory_space<hbm>>
      %dma_start3A_296 = arith.constant 0 : i32
      %dma_start3A_297 = tpu.memref_slice %arg12[%add3A_289, %dma_start3A_296] : memref<512x128xf32, #tpu.memory_space<vmem>> -> memref<1x64xf32, #tpu.memory_space<vmem>>
      %dma_start3A_298 = tpu.memref_squeeze %dma_start3A_297 : memref<1x64xf32, #tpu.memory_space<vmem>> -> memref<64xf32, #tpu.memory_space<vmem>>
      %dma_start3A_299 = arith.constant 0 : i32
      %dma_start3A_300 = tpu.memref_slice %arg4[%reduce_max3A_278, %dma_start3A_299] : memref<1000000x64xf32, #tpu.memory_space<hbm>> -> memref<1x64xf32, #tpu.memory_space<hbm>>
      %dma_start3A_301 = tpu.memref_squeeze %dma_start3A_300 : memref<1x64xf32, #tpu.memory_space<hbm>> -> memref<64xf32, #tpu.memory_space<hbm>>
      tpu.enqueue_dma source(%dma_start3A_301 : memref<64xf32, #tpu.memory_space<hbm>>) target(%dma_start3A_298 : memref<64xf32, #tpu.memory_space<vmem>>) target_semaphore(%arg17 : memref<!tpu.dma_semaphore, #tpu.memory_space<semaphore_mem>>)
      %add3A_302 = arith.constant 3 : i32
      %add3A_303 = arith.addi %mul3A_118, %add3A_302 : i32
      %dma_start3A_304 = arith.constant 64 : i32
      %dma_start3A_305 = tpu.memref_slice %arg12[%add3A_303, %dma_start3A_304] : memref<512x128xf32, #tpu.memory_space<vmem>> -> memref<1x64xf32, #tpu.memory_space<vmem>>
      %dma_start3A_306 = tpu.memref_squeeze %dma_start3A_305 : memref<1x64xf32, #tpu.memory_space<vmem>> -> memref<64xf32, #tpu.memory_space<vmem>>
      %dma_start3A_307 = arith.constant 0 : i32
      %dma_start3A_308 = tpu.memref_slice %arg6[%reduce_max3A_287, %dma_start3A_307] : memref<1000000x64xf32, #tpu.memory_space<hbm>> -> memref<1x64xf32, #tpu.memory_space<hbm>>
      %dma_start3A_309 = tpu.memref_squeeze %dma_start3A_308 : memref<1x64xf32, #tpu.memory_space<hbm>> -> memref<64xf32, #tpu.memory_space<hbm>>
      %dma_start3A_310 = arith.constant 64 : i32
      %dma_start3A_311 = tpu.memref_slice %arg12[%add3A_303, %dma_start3A_310] : memref<512x128xf32, #tpu.memory_space<vmem>> -> memref<1x64xf32, #tpu.memory_space<vmem>>
      %dma_start3A_312 = tpu.memref_squeeze %dma_start3A_311 : memref<1x64xf32, #tpu.memory_space<vmem>> -> memref<64xf32, #tpu.memory_space<vmem>>
      %dma_start3A_313 = arith.constant 0 : i32
      %dma_start3A_314 = tpu.memref_slice %arg6[%reduce_max3A_287, %dma_start3A_313] : memref<1000000x64xf32, #tpu.memory_space<hbm>> -> memref<1x64xf32, #tpu.memory_space<hbm>>
      %dma_start3A_315 = tpu.memref_squeeze %dma_start3A_314 : memref<1x64xf32, #tpu.memory_space<hbm>> -> memref<64xf32, #tpu.memory_space<hbm>>
      tpu.enqueue_dma source(%dma_start3A_315 : memref<64xf32, #tpu.memory_space<hbm>>) target(%dma_start3A_312 : memref<64xf32, #tpu.memory_space<vmem>>) target_semaphore(%arg17 : memref<!tpu.dma_semaphore, #tpu.memory_space<semaphore_mem>>)
      %eq3A_316 = arith.constant 4 : i32
      %eq3A_317 = vector.broadcast %eq3A_316 : i32 to vector<16xi32>
      %eq3A_318 = arith.cmpi eq, %iota3A, %eq3A_317 : vector<16xi32>
      %select_n3A_319 = arith.select %eq3A_318, %get3A_120, %broadcast_in_dim3A_50 : vector<16xi1>, vector<16xi32>
      %reduce_max3A_320 = arith.constant true
      %reduce_max3A_321 = vector.broadcast %reduce_max3A_320 : i1 to vector<16xi1>
      %reduce_max3A_322 = arith.constant -2147483648 : i32
      %reduce_max3A_323 = vector.broadcast %reduce_max3A_322 : i32 to vector<16xi32>
      %reduce_max3A_324 = arith.xori %select_n3A_319, %reduce_max3A_323 : vector<16xi32>
      %reduce_max3A_325 = tpu.scan <max>, %reduce_max3A_324 masked %reduce_max3A_321 : vector<16xi32>, vector<16xi1> -> vector<16xi32>
      %reduce_max3A_326 = arith.xori %reduce_max3A_325, %reduce_max3A_323 : vector<16xi32>
      %reduce_max3A_327 = vector.extract %reduce_max3A_326[15] : i32 from vector<16xi32>
      %select_n3A_328 = arith.select %eq3A_318, %get3A_122, %broadcast_in_dim3A_50 : vector<16xi1>, vector<16xi32>
      %reduce_max3A_329 = arith.constant true
      %reduce_max3A_330 = vector.broadcast %reduce_max3A_329 : i1 to vector<16xi1>
      %reduce_max3A_331 = arith.constant -2147483648 : i32
      %reduce_max3A_332 = vector.broadcast %reduce_max3A_331 : i32 to vector<16xi32>
      %reduce_max3A_333 = arith.xori %select_n3A_328, %reduce_max3A_332 : vector<16xi32>
      %reduce_max3A_334 = tpu.scan <max>, %reduce_max3A_333 masked %reduce_max3A_330 : vector<16xi32>, vector<16xi1> -> vector<16xi32>
      %reduce_max3A_335 = arith.xori %reduce_max3A_334, %reduce_max3A_332 : vector<16xi32>
      %reduce_max3A_336 = vector.extract %reduce_max3A_335[15] : i32 from vector<16xi32>
      %add3A_337 = arith.constant 4 : i32
      %add3A_338 = arith.addi %mul3A_118, %add3A_337 : i32
      %dma_start3A_339 = arith.constant 0 : i32
      %dma_start3A_340 = tpu.memref_slice %arg12[%add3A_338, %dma_start3A_339] : memref<512x128xf32, #tpu.memory_space<vmem>> -> memref<1x64xf32, #tpu.memory_space<vmem>>
      %dma_start3A_341 = tpu.memref_squeeze %dma_start3A_340 : memref<1x64xf32, #tpu.memory_space<vmem>> -> memref<64xf32, #tpu.memory_space<vmem>>
      %dma_start3A_342 = arith.constant 0 : i32
      %dma_start3A_343 = tpu.memref_slice %arg4[%reduce_max3A_327, %dma_start3A_342] : memref<1000000x64xf32, #tpu.memory_space<hbm>> -> memref<1x64xf32, #tpu.memory_space<hbm>>
      %dma_start3A_344 = tpu.memref_squeeze %dma_start3A_343 : memref<1x64xf32, #tpu.memory_space<hbm>> -> memref<64xf32, #tpu.memory_space<hbm>>
      %dma_start3A_345 = arith.constant 0 : i32
      %dma_start3A_346 = tpu.memref_slice %arg12[%add3A_338, %dma_start3A_345] : memref<512x128xf32, #tpu.memory_space<vmem>> -> memref<1x64xf32, #tpu.memory_space<vmem>>
      %dma_start3A_347 = tpu.memref_squeeze %dma_start3A_346 : memref<1x64xf32, #tpu.memory_space<vmem>> -> memref<64xf32, #tpu.memory_space<vmem>>
      %dma_start3A_348 = arith.constant 0 : i32
      %dma_start3A_349 = tpu.memref_slice %arg4[%reduce_max3A_327, %dma_start3A_348] : memref<1000000x64xf32, #tpu.memory_space<hbm>> -> memref<1x64xf32, #tpu.memory_space<hbm>>
      %dma_start3A_350 = tpu.memref_squeeze %dma_start3A_349 : memref<1x64xf32, #tpu.memory_space<hbm>> -> memref<64xf32, #tpu.memory_space<hbm>>
      tpu.enqueue_dma source(%dma_start3A_350 : memref<64xf32, #tpu.memory_space<hbm>>) target(%dma_start3A_347 : memref<64xf32, #tpu.memory_space<vmem>>) target_semaphore(%arg17 : memref<!tpu.dma_semaphore, #tpu.memory_space<semaphore_mem>>)
      %add3A_351 = arith.constant 4 : i32
      %add3A_352 = arith.addi %mul3A_118, %add3A_351 : i32
      %dma_start3A_353 = arith.constant 64 : i32
      %dma_start3A_354 = tpu.memref_slice %arg12[%add3A_352, %dma_start3A_353] : memref<512x128xf32, #tpu.memory_space<vmem>> -> memref<1x64xf32, #tpu.memory_space<vmem>>
      %dma_start3A_355 = tpu.memref_squeeze %dma_start3A_354 : memref<1x64xf32, #tpu.memory_space<vmem>> -> memref<64xf32, #tpu.memory_space<vmem>>
      %dma_start3A_356 = arith.constant 0 : i32
      %dma_start3A_357 = tpu.memref_slice %arg6[%reduce_max3A_336, %dma_start3A_356] : memref<1000000x64xf32, #tpu.memory_space<hbm>> -> memref<1x64xf32, #tpu.memory_space<hbm>>
      %dma_start3A_358 = tpu.memref_squeeze %dma_start3A_357 : memref<1x64xf32, #tpu.memory_space<hbm>> -> memref<64xf32, #tpu.memory_space<hbm>>
      %dma_start3A_359 = arith.constant 64 : i32
      %dma_start3A_360 = tpu.memref_slice %arg12[%add3A_352, %dma_start3A_359] : memref<512x128xf32, #tpu.memory_space<vmem>> -> memref<1x64xf32, #tpu.memory_space<vmem>>
      %dma_start3A_361 = tpu.memref_squeeze %dma_start3A_360 : memref<1x64xf32, #tpu.memory_space<vmem>> -> memref<64xf32, #tpu.memory_space<vmem>>
      %dma_start3A_362 = arith.constant 0 : i32
      %dma_start3A_363 = tpu.memref_slice %arg6[%reduce_max3A_336, %dma_start3A_362] : memref<1000000x64xf32, #tpu.memory_space<hbm>> -> memref<1x64xf32, #tpu.memory_space<hbm>>
      %dma_start3A_364 = tpu.memref_squeeze %dma_start3A_363 : memref<1x64xf32, #tpu.memory_space<hbm>> -> memref<64xf32, #tpu.memory_space<hbm>>
      tpu.enqueue_dma source(%dma_start3A_364 : memref<64xf32, #tpu.memory_space<hbm>>) target(%dma_start3A_361 : memref<64xf32, #tpu.memory_space<vmem>>) target_semaphore(%arg17 : memref<!tpu.dma_semaphore, #tpu.memory_space<semaphore_mem>>)
      %eq3A_365 = arith.constant 5 : i32
      %eq3A_366 = vector.broadcast %eq3A_365 : i32 to vector<16xi32>
      %eq3A_367 = arith.cmpi eq, %iota3A, %eq3A_366 : vector<16xi32>
      %select_n3A_368 = arith.select %eq3A_367, %get3A_120, %broadcast_in_dim3A_50 : vector<16xi1>, vector<16xi32>
      %reduce_max3A_369 = arith.constant true
      %reduce_max3A_370 = vector.broadcast %reduce_max3A_369 : i1 to vector<16xi1>
      %reduce_max3A_371 = arith.constant -2147483648 : i32
      %reduce_max3A_372 = vector.broadcast %reduce_max3A_371 : i32 to vector<16xi32>
      %reduce_max3A_373 = arith.xori %select_n3A_368, %reduce_max3A_372 : vector<16xi32>
      %reduce_max3A_374 = tpu.scan <max>, %reduce_max3A_373 masked %reduce_max3A_370 : vector<16xi32>, vector<16xi1> -> vector<16xi32>
      %reduce_max3A_375 = arith.xori %reduce_max3A_374, %reduce_max3A_372 : vector<16xi32>
      %reduce_max3A_376 = vector.extract %reduce_max3A_375[15] : i32 from vector<16xi32>
      %select_n3A_377 = arith.select %eq3A_367, %get3A_122, %broadcast_in_dim3A_50 : vector<16xi1>, vector<16xi32>
      %reduce_max3A_378 = arith.constant true
      %reduce_max3A_379 = vector.broadcast %reduce_max3A_378 : i1 to vector<16xi1>
      %reduce_max3A_380 = arith.constant -2147483648 : i32
      %reduce_max3A_381 = vector.broadcast %reduce_max3A_380 : i32 to vector<16xi32>
      %reduce_max3A_382 = arith.xori %select_n3A_377, %reduce_max3A_381 : vector<16xi32>
      %reduce_max3A_383 = tpu.scan <max>, %reduce_max3A_382 masked %reduce_max3A_379 : vector<16xi32>, vector<16xi1> -> vector<16xi32>
      %reduce_max3A_384 = arith.xori %reduce_max3A_383, %reduce_max3A_381 : vector<16xi32>
      %reduce_max3A_385 = vector.extract %reduce_max3A_384[15] : i32 from vector<16xi32>
      %add3A_386 = arith.constant 5 : i32
      %add3A_387 = arith.addi %mul3A_118, %add3A_386 : i32
      %dma_start3A_388 = arith.constant 0 : i32
      %dma_start3A_389 = tpu.memref_slice %arg12[%add3A_387, %dma_start3A_388] : memref<512x128xf32, #tpu.memory_space<vmem>> -> memref<1x64xf32, #tpu.memory_space<vmem>>
      %dma_start3A_390 = tpu.memref_squeeze %dma_start3A_389 : memref<1x64xf32, #tpu.memory_space<vmem>> -> memref<64xf32, #tpu.memory_space<vmem>>
      %dma_start3A_391 = arith.constant 0 : i32
      %dma_start3A_392 = tpu.memref_slice %arg4[%reduce_max3A_376, %dma_start3A_391] : memref<1000000x64xf32, #tpu.memory_space<hbm>> -> memref<1x64xf32, #tpu.memory_space<hbm>>
      %dma_start3A_393 = tpu.memref_squeeze %dma_start3A_392 : memref<1x64xf32, #tpu.memory_space<hbm>> -> memref<64xf32, #tpu.memory_space<hbm>>
      %dma_start3A_394 = arith.constant 0 : i32
      %dma_start3A_395 = tpu.memref_slice %arg12[%add3A_387, %dma_start3A_394] : memref<512x128xf32, #tpu.memory_space<vmem>> -> memref<1x64xf32, #tpu.memory_space<vmem>>
      %dma_start3A_396 = tpu.memref_squeeze %dma_start3A_395 : memref<1x64xf32, #tpu.memory_space<vmem>> -> memref<64xf32, #tpu.memory_space<vmem>>
      %dma_start3A_397 = arith.constant 0 : i32
      %dma_start3A_398 = tpu.memref_slice %arg4[%reduce_max3A_376, %dma_start3A_397] : memref<1000000x64xf32, #tpu.memory_space<hbm>> -> memref<1x64xf32, #tpu.memory_space<hbm>>
      %dma_start3A_399 = tpu.memref_squeeze %dma_start3A_398 : memref<1x64xf32, #tpu.memory_space<hbm>> -> memref<64xf32, #tpu.memory_space<hbm>>
      tpu.enqueue_dma source(%dma_start3A_399 : memref<64xf32, #tpu.memory_space<hbm>>) target(%dma_start3A_396 : memref<64xf32, #tpu.memory_space<vmem>>) target_semaphore(%arg17 : memref<!tpu.dma_semaphore, #tpu.memory_space<semaphore_mem>>)
      %add3A_400 = arith.constant 5 : i32
      %add3A_401 = arith.addi %mul3A_118, %add3A_400 : i32
      %dma_start3A_402 = arith.constant 64 : i32
      %dma_start3A_403 = tpu.memref_slice %arg12[%add3A_401, %dma_start3A_402] : memref<512x128xf32, #tpu.memory_space<vmem>> -> memref<1x64xf32, #tpu.memory_space<vmem>>
      %dma_start3A_404 = tpu.memref_squeeze %dma_start3A_403 : memref<1x64xf32, #tpu.memory_space<vmem>> -> memref<64xf32, #tpu.memory_space<vmem>>
      %dma_start3A_405 = arith.constant 0 : i32
      %dma_start3A_406 = tpu.memref_slice %arg6[%reduce_max3A_385, %dma_start3A_405] : memref<1000000x64xf32, #tpu.memory_space<hbm>> -> memref<1x64xf32, #tpu.memory_space<hbm>>
      %dma_start3A_407 = tpu.memref_squeeze %dma_start3A_406 : memref<1x64xf32, #tpu.memory_space<hbm>> -> memref<64xf32, #tpu.memory_space<hbm>>
      %dma_start3A_408 = arith.constant 64 : i32
      %dma_start3A_409 = tpu.memref_slice %arg12[%add3A_401, %dma_start3A_408] : memref<512x128xf32, #tpu.memory_space<vmem>> -> memref<1x64xf32, #tpu.memory_space<vmem>>
      %dma_start3A_410 = tpu.memref_squeeze %dma_start3A_409 : memref<1x64xf32, #tpu.memory_space<vmem>> -> memref<64xf32, #tpu.memory_space<vmem>>
      %dma_start3A_411 = arith.constant 0 : i32
      %dma_start3A_412 = tpu.memref_slice %arg6[%reduce_max3A_385, %dma_start3A_411] : memref<1000000x64xf32, #tpu.memory_space<hbm>> -> memref<1x64xf32, #tpu.memory_space<hbm>>
      %dma_start3A_413 = tpu.memref_squeeze %dma_start3A_412 : memref<1x64xf32, #tpu.memory_space<hbm>> -> memref<64xf32, #tpu.memory_space<hbm>>
      tpu.enqueue_dma source(%dma_start3A_413 : memref<64xf32, #tpu.memory_space<hbm>>) target(%dma_start3A_410 : memref<64xf32, #tpu.memory_space<vmem>>) target_semaphore(%arg17 : memref<!tpu.dma_semaphore, #tpu.memory_space<semaphore_mem>>)
      %eq3A_414 = arith.constant 6 : i32
      %eq3A_415 = vector.broadcast %eq3A_414 : i32 to vector<16xi32>
      %eq3A_416 = arith.cmpi eq, %iota3A, %eq3A_415 : vector<16xi32>
      %select_n3A_417 = arith.select %eq3A_416, %get3A_120, %broadcast_in_dim3A_50 : vector<16xi1>, vector<16xi32>
      %reduce_max3A_418 = arith.constant true
      %reduce_max3A_419 = vector.broadcast %reduce_max3A_418 : i1 to vector<16xi1>
      %reduce_max3A_420 = arith.constant -2147483648 : i32
      %reduce_max3A_421 = vector.broadcast %reduce_max3A_420 : i32 to vector<16xi32>
      %reduce_max3A_422 = arith.xori %select_n3A_417, %reduce_max3A_421 : vector<16xi32>
      %reduce_max3A_423 = tpu.scan <max>, %reduce_max3A_422 masked %reduce_max3A_419 : vector<16xi32>, vector<16xi1> -> vector<16xi32>
      %reduce_max3A_424 = arith.xori %reduce_max3A_423, %reduce_max3A_421 : vector<16xi32>
      %reduce_max3A_425 = vector.extract %reduce_max3A_424[15] : i32 from vector<16xi32>
      %select_n3A_426 = arith.select %eq3A_416, %get3A_122, %broadcast_in_dim3A_50 : vector<16xi1>, vector<16xi32>
      %reduce_max3A_427 = arith.constant true
      %reduce_max3A_428 = vector.broadcast %reduce_max3A_427 : i1 to vector<16xi1>
      %reduce_max3A_429 = arith.constant -2147483648 : i32
      %reduce_max3A_430 = vector.broadcast %reduce_max3A_429 : i32 to vector<16xi32>
      %reduce_max3A_431 = arith.xori %select_n3A_426, %reduce_max3A_430 : vector<16xi32>
      %reduce_max3A_432 = tpu.scan <max>, %reduce_max3A_431 masked %reduce_max3A_428 : vector<16xi32>, vector<16xi1> -> vector<16xi32>
      %reduce_max3A_433 = arith.xori %reduce_max3A_432, %reduce_max3A_430 : vector<16xi32>
      %reduce_max3A_434 = vector.extract %reduce_max3A_433[15] : i32 from vector<16xi32>
      %add3A_435 = arith.constant 6 : i32
      %add3A_436 = arith.addi %mul3A_118, %add3A_435 : i32
      %dma_start3A_437 = arith.constant 0 : i32
      %dma_start3A_438 = tpu.memref_slice %arg12[%add3A_436, %dma_start3A_437] : memref<512x128xf32, #tpu.memory_space<vmem>> -> memref<1x64xf32, #tpu.memory_space<vmem>>
      %dma_start3A_439 = tpu.memref_squeeze %dma_start3A_438 : memref<1x64xf32, #tpu.memory_space<vmem>> -> memref<64xf32, #tpu.memory_space<vmem>>
      %dma_start3A_440 = arith.constant 0 : i32
      %dma_start3A_441 = tpu.memref_slice %arg4[%reduce_max3A_425, %dma_start3A_440] : memref<1000000x64xf32, #tpu.memory_space<hbm>> -> memref<1x64xf32, #tpu.memory_space<hbm>>
      %dma_start3A_442 = tpu.memref_squeeze %dma_start3A_441 : memref<1x64xf32, #tpu.memory_space<hbm>> -> memref<64xf32, #tpu.memory_space<hbm>>
      %dma_start3A_443 = arith.constant 0 : i32
      %dma_start3A_444 = tpu.memref_slice %arg12[%add3A_436, %dma_start3A_443] : memref<512x128xf32, #tpu.memory_space<vmem>> -> memref<1x64xf32, #tpu.memory_space<vmem>>
      %dma_start3A_445 = tpu.memref_squeeze %dma_start3A_444 : memref<1x64xf32, #tpu.memory_space<vmem>> -> memref<64xf32, #tpu.memory_space<vmem>>
      %dma_start3A_446 = arith.constant 0 : i32
      %dma_start3A_447 = tpu.memref_slice %arg4[%reduce_max3A_425, %dma_start3A_446] : memref<1000000x64xf32, #tpu.memory_space<hbm>> -> memref<1x64xf32, #tpu.memory_space<hbm>>
      %dma_start3A_448 = tpu.memref_squeeze %dma_start3A_447 : memref<1x64xf32, #tpu.memory_space<hbm>> -> memref<64xf32, #tpu.memory_space<hbm>>
      tpu.enqueue_dma source(%dma_start3A_448 : memref<64xf32, #tpu.memory_space<hbm>>) target(%dma_start3A_445 : memref<64xf32, #tpu.memory_space<vmem>>) target_semaphore(%arg17 : memref<!tpu.dma_semaphore, #tpu.memory_space<semaphore_mem>>)
      %add3A_449 = arith.constant 6 : i32
      %add3A_450 = arith.addi %mul3A_118, %add3A_449 : i32
      %dma_start3A_451 = arith.constant 64 : i32
      %dma_start3A_452 = tpu.memref_slice %arg12[%add3A_450, %dma_start3A_451] : memref<512x128xf32, #tpu.memory_space<vmem>> -> memref<1x64xf32, #tpu.memory_space<vmem>>
      %dma_start3A_453 = tpu.memref_squeeze %dma_start3A_452 : memref<1x64xf32, #tpu.memory_space<vmem>> -> memref<64xf32, #tpu.memory_space<vmem>>
      %dma_start3A_454 = arith.constant 0 : i32
      %dma_start3A_455 = tpu.memref_slice %arg6[%reduce_max3A_434, %dma_start3A_454] : memref<1000000x64xf32, #tpu.memory_space<hbm>> -> memref<1x64xf32, #tpu.memory_space<hbm>>
      %dma_start3A_456 = tpu.memref_squeeze %dma_start3A_455 : memref<1x64xf32, #tpu.memory_space<hbm>> -> memref<64xf32, #tpu.memory_space<hbm>>
      %dma_start3A_457 = arith.constant 64 : i32
      %dma_start3A_458 = tpu.memref_slice %arg12[%add3A_450, %dma_start3A_457] : memref<512x128xf32, #tpu.memory_space<vmem>> -> memref<1x64xf32, #tpu.memory_space<vmem>>
      %dma_start3A_459 = tpu.memref_squeeze %dma_start3A_458 : memref<1x64xf32, #tpu.memory_space<vmem>> -> memref<64xf32, #tpu.memory_space<vmem>>
      %dma_start3A_460 = arith.constant 0 : i32
      %dma_start3A_461 = tpu.memref_slice %arg6[%reduce_max3A_434, %dma_start3A_460] : memref<1000000x64xf32, #tpu.memory_space<hbm>> -> memref<1x64xf32, #tpu.memory_space<hbm>>
      %dma_start3A_462 = tpu.memref_squeeze %dma_start3A_461 : memref<1x64xf32, #tpu.memory_space<hbm>> -> memref<64xf32, #tpu.memory_space<hbm>>
      tpu.enqueue_dma source(%dma_start3A_462 : memref<64xf32, #tpu.memory_space<hbm>>) target(%dma_start3A_459 : memref<64xf32, #tpu.memory_space<vmem>>) target_semaphore(%arg17 : memref<!tpu.dma_semaphore, #tpu.memory_space<semaphore_mem>>)
      %eq3A_463 = arith.constant 7 : i32
      %eq3A_464 = vector.broadcast %eq3A_463 : i32 to vector<16xi32>
      %eq3A_465 = arith.cmpi eq, %iota3A, %eq3A_464 : vector<16xi32>
      %select_n3A_466 = arith.select %eq3A_465, %get3A_120, %broadcast_in_dim3A_50 : vector<16xi1>, vector<16xi32>
      %reduce_max3A_467 = arith.constant true
      %reduce_max3A_468 = vector.broadcast %reduce_max3A_467 : i1 to vector<16xi1>
      %reduce_max3A_469 = arith.constant -2147483648 : i32
      %reduce_max3A_470 = vector.broadcast %reduce_max3A_469 : i32 to vector<16xi32>
      %reduce_max3A_471 = arith.xori %select_n3A_466, %reduce_max3A_470 : vector<16xi32>
      %reduce_max3A_472 = tpu.scan <max>, %reduce_max3A_471 masked %reduce_max3A_468 : vector<16xi32>, vector<16xi1> -> vector<16xi32>
      %reduce_max3A_473 = arith.xori %reduce_max3A_472, %reduce_max3A_470 : vector<16xi32>
      %reduce_max3A_474 = vector.extract %reduce_max3A_473[15] : i32 from vector<16xi32>
      %select_n3A_475 = arith.select %eq3A_465, %get3A_122, %broadcast_in_dim3A_50 : vector<16xi1>, vector<16xi32>
      %reduce_max3A_476 = arith.constant true
      %reduce_max3A_477 = vector.broadcast %reduce_max3A_476 : i1 to vector<16xi1>
      %reduce_max3A_478 = arith.constant -2147483648 : i32
      %reduce_max3A_479 = vector.broadcast %reduce_max3A_478 : i32 to vector<16xi32>
      %reduce_max3A_480 = arith.xori %select_n3A_475, %reduce_max3A_479 : vector<16xi32>
      %reduce_max3A_481 = tpu.scan <max>, %reduce_max3A_480 masked %reduce_max3A_477 : vector<16xi32>, vector<16xi1> -> vector<16xi32>
      %reduce_max3A_482 = arith.xori %reduce_max3A_481, %reduce_max3A_479 : vector<16xi32>
      %reduce_max3A_483 = vector.extract %reduce_max3A_482[15] : i32 from vector<16xi32>
      %add3A_484 = arith.constant 7 : i32
      %add3A_485 = arith.addi %mul3A_118, %add3A_484 : i32
      %dma_start3A_486 = arith.constant 0 : i32
      %dma_start3A_487 = tpu.memref_slice %arg12[%add3A_485, %dma_start3A_486] : memref<512x128xf32, #tpu.memory_space<vmem>> -> memref<1x64xf32, #tpu.memory_space<vmem>>
      %dma_start3A_488 = tpu.memref_squeeze %dma_start3A_487 : memref<1x64xf32, #tpu.memory_space<vmem>> -> memref<64xf32, #tpu.memory_space<vmem>>
      %dma_start3A_489 = arith.constant 0 : i32
      %dma_start3A_490 = tpu.memref_slice %arg4[%reduce_max3A_474, %dma_start3A_489] : memref<1000000x64xf32, #tpu.memory_space<hbm>> -> memref<1x64xf32, #tpu.memory_space<hbm>>
      %dma_start3A_491 = tpu.memref_squeeze %dma_start3A_490 : memref<1x64xf32, #tpu.memory_space<hbm>> -> memref<64xf32, #tpu.memory_space<hbm>>
      %dma_start3A_492 = arith.constant 0 : i32
      %dma_start3A_493 = tpu.memref_slice %arg12[%add3A_485, %dma_start3A_492] : memref<512x128xf32, #tpu.memory_space<vmem>> -> memref<1x64xf32, #tpu.memory_space<vmem>>
      %dma_start3A_494 = tpu.memref_squeeze %dma_start3A_493 : memref<1x64xf32, #tpu.memory_space<vmem>> -> memref<64xf32, #tpu.memory_space<vmem>>
      %dma_start3A_495 = arith.constant 0 : i32
      %dma_start3A_496 = tpu.memref_slice %arg4[%reduce_max3A_474, %dma_start3A_495] : memref<1000000x64xf32, #tpu.memory_space<hbm>> -> memref<1x64xf32, #tpu.memory_space<hbm>>
      %dma_start3A_497 = tpu.memref_squeeze %dma_start3A_496 : memref<1x64xf32, #tpu.memory_space<hbm>> -> memref<64xf32, #tpu.memory_space<hbm>>
      tpu.enqueue_dma source(%dma_start3A_497 : memref<64xf32, #tpu.memory_space<hbm>>) target(%dma_start3A_494 : memref<64xf32, #tpu.memory_space<vmem>>) target_semaphore(%arg17 : memref<!tpu.dma_semaphore, #tpu.memory_space<semaphore_mem>>)
      %add3A_498 = arith.constant 7 : i32
      %add3A_499 = arith.addi %mul3A_118, %add3A_498 : i32
      %dma_start3A_500 = arith.constant 64 : i32
      %dma_start3A_501 = tpu.memref_slice %arg12[%add3A_499, %dma_start3A_500] : memref<512x128xf32, #tpu.memory_space<vmem>> -> memref<1x64xf32, #tpu.memory_space<vmem>>
      %dma_start3A_502 = tpu.memref_squeeze %dma_start3A_501 : memref<1x64xf32, #tpu.memory_space<vmem>> -> memref<64xf32, #tpu.memory_space<vmem>>
      %dma_start3A_503 = arith.constant 0 : i32
      %dma_start3A_504 = tpu.memref_slice %arg6[%reduce_max3A_483, %dma_start3A_503] : memref<1000000x64xf32, #tpu.memory_space<hbm>> -> memref<1x64xf32, #tpu.memory_space<hbm>>
      %dma_start3A_505 = tpu.memref_squeeze %dma_start3A_504 : memref<1x64xf32, #tpu.memory_space<hbm>> -> memref<64xf32, #tpu.memory_space<hbm>>
      %dma_start3A_506 = arith.constant 64 : i32
      %dma_start3A_507 = tpu.memref_slice %arg12[%add3A_499, %dma_start3A_506] : memref<512x128xf32, #tpu.memory_space<vmem>> -> memref<1x64xf32, #tpu.memory_space<vmem>>
      %dma_start3A_508 = tpu.memref_squeeze %dma_start3A_507 : memref<1x64xf32, #tpu.memory_space<vmem>> -> memref<64xf32, #tpu.memory_space<vmem>>
      %dma_start3A_509 = arith.constant 0 : i32
      %dma_start3A_510 = tpu.memref_slice %arg6[%reduce_max3A_483, %dma_start3A_509] : memref<1000000x64xf32, #tpu.memory_space<hbm>> -> memref<1x64xf32, #tpu.memory_space<hbm>>
      %dma_start3A_511 = tpu.memref_squeeze %dma_start3A_510 : memref<1x64xf32, #tpu.memory_space<hbm>> -> memref<64xf32, #tpu.memory_space<hbm>>
      tpu.enqueue_dma source(%dma_start3A_511 : memref<64xf32, #tpu.memory_space<hbm>>) target(%dma_start3A_508 : memref<64xf32, #tpu.memory_space<vmem>>) target_semaphore(%arg17 : memref<!tpu.dma_semaphore, #tpu.memory_space<semaphore_mem>>)
      %eq3A_512 = arith.constant 8 : i32
      %eq3A_513 = vector.broadcast %eq3A_512 : i32 to vector<16xi32>
      %eq3A_514 = arith.cmpi eq, %iota3A, %eq3A_513 : vector<16xi32>
      %select_n3A_515 = arith.select %eq3A_514, %get3A_120, %broadcast_in_dim3A_50 : vector<16xi1>, vector<16xi32>
      %reduce_max3A_516 = arith.constant true
      %reduce_max3A_517 = vector.broadcast %reduce_max3A_516 : i1 to vector<16xi1>
      %reduce_max3A_518 = arith.constant -2147483648 : i32
      %reduce_max3A_519 = vector.broadcast %reduce_max3A_518 : i32 to vector<16xi32>
      %reduce_max3A_520 = arith.xori %select_n3A_515, %reduce_max3A_519 : vector<16xi32>
      %reduce_max3A_521 = tpu.scan <max>, %reduce_max3A_520 masked %reduce_max3A_517 : vector<16xi32>, vector<16xi1> -> vector<16xi32>
      %reduce_max3A_522 = arith.xori %reduce_max3A_521, %reduce_max3A_519 : vector<16xi32>
      %reduce_max3A_523 = vector.extract %reduce_max3A_522[15] : i32 from vector<16xi32>
      %select_n3A_524 = arith.select %eq3A_514, %get3A_122, %broadcast_in_dim3A_50 : vector<16xi1>, vector<16xi32>
      %reduce_max3A_525 = arith.constant true
      %reduce_max3A_526 = vector.broadcast %reduce_max3A_525 : i1 to vector<16xi1>
      %reduce_max3A_527 = arith.constant -2147483648 : i32
      %reduce_max3A_528 = vector.broadcast %reduce_max3A_527 : i32 to vector<16xi32>
      %reduce_max3A_529 = arith.xori %select_n3A_524, %reduce_max3A_528 : vector<16xi32>
      %reduce_max3A_530 = tpu.scan <max>, %reduce_max3A_529 masked %reduce_max3A_526 : vector<16xi32>, vector<16xi1> -> vector<16xi32>
      %reduce_max3A_531 = arith.xori %reduce_max3A_530, %reduce_max3A_528 : vector<16xi32>
      %reduce_max3A_532 = vector.extract %reduce_max3A_531[15] : i32 from vector<16xi32>
      %add3A_533 = arith.constant 8 : i32
      %add3A_534 = arith.addi %mul3A_118, %add3A_533 : i32
      %dma_start3A_535 = arith.constant 0 : i32
      %dma_start3A_536 = tpu.memref_slice %arg12[%add3A_534, %dma_start3A_535] : memref<512x128xf32, #tpu.memory_space<vmem>> -> memref<1x64xf32, #tpu.memory_space<vmem>>
      %dma_start3A_537 = tpu.memref_squeeze %dma_start3A_536 : memref<1x64xf32, #tpu.memory_space<vmem>> -> memref<64xf32, #tpu.memory_space<vmem>>
      %dma_start3A_538 = arith.constant 0 : i32
      %dma_start3A_539 = tpu.memref_slice %arg4[%reduce_max3A_523, %dma_start3A_538] : memref<1000000x64xf32, #tpu.memory_space<hbm>> -> memref<1x64xf32, #tpu.memory_space<hbm>>
      %dma_start3A_540 = tpu.memref_squeeze %dma_start3A_539 : memref<1x64xf32, #tpu.memory_space<hbm>> -> memref<64xf32, #tpu.memory_space<hbm>>
      %dma_start3A_541 = arith.constant 0 : i32
      %dma_start3A_542 = tpu.memref_slice %arg12[%add3A_534, %dma_start3A_541] : memref<512x128xf32, #tpu.memory_space<vmem>> -> memref<1x64xf32, #tpu.memory_space<vmem>>
      %dma_start3A_543 = tpu.memref_squeeze %dma_start3A_542 : memref<1x64xf32, #tpu.memory_space<vmem>> -> memref<64xf32, #tpu.memory_space<vmem>>
      %dma_start3A_544 = arith.constant 0 : i32
      %dma_start3A_545 = tpu.memref_slice %arg4[%reduce_max3A_523, %dma_start3A_544] : memref<1000000x64xf32, #tpu.memory_space<hbm>> -> memref<1x64xf32, #tpu.memory_space<hbm>>
      %dma_start3A_546 = tpu.memref_squeeze %dma_start3A_545 : memref<1x64xf32, #tpu.memory_space<hbm>> -> memref<64xf32, #tpu.memory_space<hbm>>
      tpu.enqueue_dma source(%dma_start3A_546 : memref<64xf32, #tpu.memory_space<hbm>>) target(%dma_start3A_543 : memref<64xf32, #tpu.memory_space<vmem>>) target_semaphore(%arg17 : memref<!tpu.dma_semaphore, #tpu.memory_space<semaphore_mem>>)
      %add3A_547 = arith.constant 8 : i32
      %add3A_548 = arith.addi %mul3A_118, %add3A_547 : i32
      %dma_start3A_549 = arith.constant 64 : i32
      %dma_start3A_550 = tpu.memref_slice %arg12[%add3A_548, %dma_start3A_549] : memref<512x128xf32, #tpu.memory_space<vmem>> -> memref<1x64xf32, #tpu.memory_space<vmem>>
      %dma_start3A_551 = tpu.memref_squeeze %dma_start3A_550 : memref<1x64xf32, #tpu.memory_space<vmem>> -> memref<64xf32, #tpu.memory_space<vmem>>
      %dma_start3A_552 = arith.constant 0 : i32
      %dma_start3A_553 = tpu.memref_slice %arg6[%reduce_max3A_532, %dma_start3A_552] : memref<1000000x64xf32, #tpu.memory_space<hbm>> -> memref<1x64xf32, #tpu.memory_space<hbm>>
      %dma_start3A_554 = tpu.memref_squeeze %dma_start3A_553 : memref<1x64xf32, #tpu.memory_space<hbm>> -> memref<64xf32, #tpu.memory_space<hbm>>
      %dma_start3A_555 = arith.constant 64 : i32
      %dma_start3A_556 = tpu.memref_slice %arg12[%add3A_548, %dma_start3A_555] : memref<512x128xf32, #tpu.memory_space<vmem>> -> memref<1x64xf32, #tpu.memory_space<vmem>>
      %dma_start3A_557 = tpu.memref_squeeze %dma_start3A_556 : memref<1x64xf32, #tpu.memory_space<vmem>> -> memref<64xf32, #tpu.memory_space<vmem>>
      %dma_start3A_558 = arith.constant 0 : i32
      %dma_start3A_559 = tpu.memref_slice %arg6[%reduce_max3A_532, %dma_start3A_558] : memref<1000000x64xf32, #tpu.memory_space<hbm>> -> memref<1x64xf32, #tpu.memory_space<hbm>>
      %dma_start3A_560 = tpu.memref_squeeze %dma_start3A_559 : memref<1x64xf32, #tpu.memory_space<hbm>> -> memref<64xf32, #tpu.memory_space<hbm>>
      tpu.enqueue_dma source(%dma_start3A_560 : memref<64xf32, #tpu.memory_space<hbm>>) target(%dma_start3A_557 : memref<64xf32, #tpu.memory_space<vmem>>) target_semaphore(%arg17 : memref<!tpu.dma_semaphore, #tpu.memory_space<semaphore_mem>>)
      %eq3A_561 = arith.constant 9 : i32
      %eq3A_562 = vector.broadcast %eq3A_561 : i32 to vector<16xi32>
      %eq3A_563 = arith.cmpi eq, %iota3A, %eq3A_562 : vector<16xi32>
      %select_n3A_564 = arith.select %eq3A_563, %get3A_120, %broadcast_in_dim3A_50 : vector<16xi1>, vector<16xi32>
      %reduce_max3A_565 = arith.constant true
      %reduce_max3A_566 = vector.broadcast %reduce_max3A_565 : i1 to vector<16xi1>
      %reduce_max3A_567 = arith.constant -2147483648 : i32
      %reduce_max3A_568 = vector.broadcast %reduce_max3A_567 : i32 to vector<16xi32>
      %reduce_max3A_569 = arith.xori %select_n3A_564, %reduce_max3A_568 : vector<16xi32>
      %reduce_max3A_570 = tpu.scan <max>, %reduce_max3A_569 masked %reduce_max3A_566 : vector<16xi32>, vector<16xi1> -> vector<16xi32>
      %reduce_max3A_571 = arith.xori %reduce_max3A_570, %reduce_max3A_568 : vector<16xi32>
      %reduce_max3A_572 = vector.extract %reduce_max3A_571[15] : i32 from vector<16xi32>
      %select_n3A_573 = arith.select %eq3A_563, %get3A_122, %broadcast_in_dim3A_50 : vector<16xi1>, vector<16xi32>
      %reduce_max3A_574 = arith.constant true
      %reduce_max3A_575 = vector.broadcast %reduce_max3A_574 : i1 to vector<16xi1>
      %reduce_max3A_576 = arith.constant -2147483648 : i32
      %reduce_max3A_577 = vector.broadcast %reduce_max3A_576 : i32 to vector<16xi32>
      %reduce_max3A_578 = arith.xori %select_n3A_573, %reduce_max3A_577 : vector<16xi32>
      %reduce_max3A_579 = tpu.scan <max>, %reduce_max3A_578 masked %reduce_max3A_575 : vector<16xi32>, vector<16xi1> -> vector<16xi32>
      %reduce_max3A_580 = arith.xori %reduce_max3A_579, %reduce_max3A_577 : vector<16xi32>
      %reduce_max3A_581 = vector.extract %reduce_max3A_580[15] : i32 from vector<16xi32>
      %add3A_582 = arith.constant 9 : i32
      %add3A_583 = arith.addi %mul3A_118, %add3A_582 : i32
      %dma_start3A_584 = arith.constant 0 : i32
      %dma_start3A_585 = tpu.memref_slice %arg12[%add3A_583, %dma_start3A_584] : memref<512x128xf32, #tpu.memory_space<vmem>> -> memref<1x64xf32, #tpu.memory_space<vmem>>
      %dma_start3A_586 = tpu.memref_squeeze %dma_start3A_585 : memref<1x64xf32, #tpu.memory_space<vmem>> -> memref<64xf32, #tpu.memory_space<vmem>>
      %dma_start3A_587 = arith.constant 0 : i32
      %dma_start3A_588 = tpu.memref_slice %arg4[%reduce_max3A_572, %dma_start3A_587] : memref<1000000x64xf32, #tpu.memory_space<hbm>> -> memref<1x64xf32, #tpu.memory_space<hbm>>
      %dma_start3A_589 = tpu.memref_squeeze %dma_start3A_588 : memref<1x64xf32, #tpu.memory_space<hbm>> -> memref<64xf32, #tpu.memory_space<hbm>>
      %dma_start3A_590 = arith.constant 0 : i32
      %dma_start3A_591 = tpu.memref_slice %arg12[%add3A_583, %dma_start3A_590] : memref<512x128xf32, #tpu.memory_space<vmem>> -> memref<1x64xf32, #tpu.memory_space<vmem>>
      %dma_start3A_592 = tpu.memref_squeeze %dma_start3A_591 : memref<1x64xf32, #tpu.memory_space<vmem>> -> memref<64xf32, #tpu.memory_space<vmem>>
      %dma_start3A_593 = arith.constant 0 : i32
      %dma_start3A_594 = tpu.memref_slice %arg4[%reduce_max3A_572, %dma_start3A_593] : memref<1000000x64xf32, #tpu.memory_space<hbm>> -> memref<1x64xf32, #tpu.memory_space<hbm>>
      %dma_start3A_595 = tpu.memref_squeeze %dma_start3A_594 : memref<1x64xf32, #tpu.memory_space<hbm>> -> memref<64xf32, #tpu.memory_space<hbm>>
      tpu.enqueue_dma source(%dma_start3A_595 : memref<64xf32, #tpu.memory_space<hbm>>) target(%dma_start3A_592 : memref<64xf32, #tpu.memory_space<vmem>>) target_semaphore(%arg17 : memref<!tpu.dma_semaphore, #tpu.memory_space<semaphore_mem>>)
      %add3A_596 = arith.constant 9 : i32
      %add3A_597 = arith.addi %mul3A_118, %add3A_596 : i32
      %dma_start3A_598 = arith.constant 64 : i32
      %dma_start3A_599 = tpu.memref_slice %arg12[%add3A_597, %dma_start3A_598] : memref<512x128xf32, #tpu.memory_space<vmem>> -> memref<1x64xf32, #tpu.memory_space<vmem>>
      %dma_start3A_600 = tpu.memref_squeeze %dma_start3A_599 : memref<1x64xf32, #tpu.memory_space<vmem>> -> memref<64xf32, #tpu.memory_space<vmem>>
      %dma_start3A_601 = arith.constant 0 : i32
      %dma_start3A_602 = tpu.memref_slice %arg6[%reduce_max3A_581, %dma_start3A_601] : memref<1000000x64xf32, #tpu.memory_space<hbm>> -> memref<1x64xf32, #tpu.memory_space<hbm>>
      %dma_start3A_603 = tpu.memref_squeeze %dma_start3A_602 : memref<1x64xf32, #tpu.memory_space<hbm>> -> memref<64xf32, #tpu.memory_space<hbm>>
      %dma_start3A_604 = arith.constant 64 : i32
      %dma_start3A_605 = tpu.memref_slice %arg12[%add3A_597, %dma_start3A_604] : memref<512x128xf32, #tpu.memory_space<vmem>> -> memref<1x64xf32, #tpu.memory_space<vmem>>
      %dma_start3A_606 = tpu.memref_squeeze %dma_start3A_605 : memref<1x64xf32, #tpu.memory_space<vmem>> -> memref<64xf32, #tpu.memory_space<vmem>>
      %dma_start3A_607 = arith.constant 0 : i32
      %dma_start3A_608 = tpu.memref_slice %arg6[%reduce_max3A_581, %dma_start3A_607] : memref<1000000x64xf32, #tpu.memory_space<hbm>> -> memref<1x64xf32, #tpu.memory_space<hbm>>
      %dma_start3A_609 = tpu.memref_squeeze %dma_start3A_608 : memref<1x64xf32, #tpu.memory_space<hbm>> -> memref<64xf32, #tpu.memory_space<hbm>>
      tpu.enqueue_dma source(%dma_start3A_609 : memref<64xf32, #tpu.memory_space<hbm>>) target(%dma_start3A_606 : memref<64xf32, #tpu.memory_space<vmem>>) target_semaphore(%arg17 : memref<!tpu.dma_semaphore, #tpu.memory_space<semaphore_mem>>)
      %eq3A_610 = arith.constant 10 : i32
      %eq3A_611 = vector.broadcast %eq3A_610 : i32 to vector<16xi32>
      %eq3A_612 = arith.cmpi eq, %iota3A, %eq3A_611 : vector<16xi32>
      %select_n3A_613 = arith.select %eq3A_612, %get3A_120, %broadcast_in_dim3A_50 : vector<16xi1>, vector<16xi32>
      %reduce_max3A_614 = arith.constant true
      %reduce_max3A_615 = vector.broadcast %reduce_max3A_614 : i1 to vector<16xi1>
      %reduce_max3A_616 = arith.constant -2147483648 : i32
      %reduce_max3A_617 = vector.broadcast %reduce_max3A_616 : i32 to vector<16xi32>
      %reduce_max3A_618 = arith.xori %select_n3A_613, %reduce_max3A_617 : vector<16xi32>
      %reduce_max3A_619 = tpu.scan <max>, %reduce_max3A_618 masked %reduce_max3A_615 : vector<16xi32>, vector<16xi1> -> vector<16xi32>
      %reduce_max3A_620 = arith.xori %reduce_max3A_619, %reduce_max3A_617 : vector<16xi32>
      %reduce_max3A_621 = vector.extract %reduce_max3A_620[15] : i32 from vector<16xi32>
      %select_n3A_622 = arith.select %eq3A_612, %get3A_122, %broadcast_in_dim3A_50 : vector<16xi1>, vector<16xi32>
      %reduce_max3A_623 = arith.constant true
      %reduce_max3A_624 = vector.broadcast %reduce_max3A_623 : i1 to vector<16xi1>
      %reduce_max3A_625 = arith.constant -2147483648 : i32
      %reduce_max3A_626 = vector.broadcast %reduce_max3A_625 : i32 to vector<16xi32>
      %reduce_max3A_627 = arith.xori %select_n3A_622, %reduce_max3A_626 : vector<16xi32>
      %reduce_max3A_628 = tpu.scan <max>, %reduce_max3A_627 masked %reduce_max3A_624 : vector<16xi32>, vector<16xi1> -> vector<16xi32>
      %reduce_max3A_629 = arith.xori %reduce_max3A_628, %reduce_max3A_626 : vector<16xi32>
      %reduce_max3A_630 = vector.extract %reduce_max3A_629[15] : i32 from vector<16xi32>
      %add3A_631 = arith.constant 10 : i32
      %add3A_632 = arith.addi %mul3A_118, %add3A_631 : i32
      %dma_start3A_633 = arith.constant 0 : i32
      %dma_start3A_634 = tpu.memref_slice %arg12[%add3A_632, %dma_start3A_633] : memref<512x128xf32, #tpu.memory_space<vmem>> -> memref<1x64xf32, #tpu.memory_space<vmem>>
      %dma_start3A_635 = tpu.memref_squeeze %dma_start3A_634 : memref<1x64xf32, #tpu.memory_space<vmem>> -> memref<64xf32, #tpu.memory_space<vmem>>
      %dma_start3A_636 = arith.constant 0 : i32
      %dma_start3A_637 = tpu.memref_slice %arg4[%reduce_max3A_621, %dma_start3A_636] : memref<1000000x64xf32, #tpu.memory_space<hbm>> -> memref<1x64xf32, #tpu.memory_space<hbm>>
      %dma_start3A_638 = tpu.memref_squeeze %dma_start3A_637 : memref<1x64xf32, #tpu.memory_space<hbm>> -> memref<64xf32, #tpu.memory_space<hbm>>
      %dma_start3A_639 = arith.constant 0 : i32
      %dma_start3A_640 = tpu.memref_slice %arg12[%add3A_632, %dma_start3A_639] : memref<512x128xf32, #tpu.memory_space<vmem>> -> memref<1x64xf32, #tpu.memory_space<vmem>>
      %dma_start3A_641 = tpu.memref_squeeze %dma_start3A_640 : memref<1x64xf32, #tpu.memory_space<vmem>> -> memref<64xf32, #tpu.memory_space<vmem>>
      %dma_start3A_642 = arith.constant 0 : i32
      %dma_start3A_643 = tpu.memref_slice %arg4[%reduce_max3A_621, %dma_start3A_642] : memref<1000000x64xf32, #tpu.memory_space<hbm>> -> memref<1x64xf32, #tpu.memory_space<hbm>>
      %dma_start3A_644 = tpu.memref_squeeze %dma_start3A_643 : memref<1x64xf32, #tpu.memory_space<hbm>> -> memref<64xf32, #tpu.memory_space<hbm>>
      tpu.enqueue_dma source(%dma_start3A_644 : memref<64xf32, #tpu.memory_space<hbm>>) target(%dma_start3A_641 : memref<64xf32, #tpu.memory_space<vmem>>) target_semaphore(%arg17 : memref<!tpu.dma_semaphore, #tpu.memory_space<semaphore_mem>>)
      %add3A_645 = arith.constant 10 : i32
      %add3A_646 = arith.addi %mul3A_118, %add3A_645 : i32
      %dma_start3A_647 = arith.constant 64 : i32
      %dma_start3A_648 = tpu.memref_slice %arg12[%add3A_646, %dma_start3A_647] : memref<512x128xf32, #tpu.memory_space<vmem>> -> memref<1x64xf32, #tpu.memory_space<vmem>>
      %dma_start3A_649 = tpu.memref_squeeze %dma_start3A_648 : memref<1x64xf32, #tpu.memory_space<vmem>> -> memref<64xf32, #tpu.memory_space<vmem>>
      %dma_start3A_650 = arith.constant 0 : i32
      %dma_start3A_651 = tpu.memref_slice %arg6[%reduce_max3A_630, %dma_start3A_650] : memref<1000000x64xf32, #tpu.memory_space<hbm>> -> memref<1x64xf32, #tpu.memory_space<hbm>>
      %dma_start3A_652 = tpu.memref_squeeze %dma_start3A_651 : memref<1x64xf32, #tpu.memory_space<hbm>> -> memref<64xf32, #tpu.memory_space<hbm>>
      %dma_start3A_653 = arith.constant 64 : i32
      %dma_start3A_654 = tpu.memref_slice %arg12[%add3A_646, %dma_start3A_653] : memref<512x128xf32, #tpu.memory_space<vmem>> -> memref<1x64xf32, #tpu.memory_space<vmem>>
      %dma_start3A_655 = tpu.memref_squeeze %dma_start3A_654 : memref<1x64xf32, #tpu.memory_space<vmem>> -> memref<64xf32, #tpu.memory_space<vmem>>
      %dma_start3A_656 = arith.constant 0 : i32
      %dma_start3A_657 = tpu.memref_slice %arg6[%reduce_max3A_630, %dma_start3A_656] : memref<1000000x64xf32, #tpu.memory_space<hbm>> -> memref<1x64xf32, #tpu.memory_space<hbm>>
      %dma_start3A_658 = tpu.memref_squeeze %dma_start3A_657 : memref<1x64xf32, #tpu.memory_space<hbm>> -> memref<64xf32, #tpu.memory_space<hbm>>
      tpu.enqueue_dma source(%dma_start3A_658 : memref<64xf32, #tpu.memory_space<hbm>>) target(%dma_start3A_655 : memref<64xf32, #tpu.memory_space<vmem>>) target_semaphore(%arg17 : memref<!tpu.dma_semaphore, #tpu.memory_space<semaphore_mem>>)
      %eq3A_659 = arith.constant 11 : i32
      %eq3A_660 = vector.broadcast %eq3A_659 : i32 to vector<16xi32>
      %eq3A_661 = arith.cmpi eq, %iota3A, %eq3A_660 : vector<16xi32>
      %select_n3A_662 = arith.select %eq3A_661, %get3A_120, %broadcast_in_dim3A_50 : vector<16xi1>, vector<16xi32>
      %reduce_max3A_663 = arith.constant true
      %reduce_max3A_664 = vector.broadcast %reduce_max3A_663 : i1 to vector<16xi1>
      %reduce_max3A_665 = arith.constant -2147483648 : i32
      %reduce_max3A_666 = vector.broadcast %reduce_max3A_665 : i32 to vector<16xi32>
      %reduce_max3A_667 = arith.xori %select_n3A_662, %reduce_max3A_666 : vector<16xi32>
      %reduce_max3A_668 = tpu.scan <max>, %reduce_max3A_667 masked %reduce_max3A_664 : vector<16xi32>, vector<16xi1> -> vector<16xi32>
      %reduce_max3A_669 = arith.xori %reduce_max3A_668, %reduce_max3A_666 : vector<16xi32>
      %reduce_max3A_670 = vector.extract %reduce_max3A_669[15] : i32 from vector<16xi32>
      %select_n3A_671 = arith.select %eq3A_661, %get3A_122, %broadcast_in_dim3A_50 : vector<16xi1>, vector<16xi32>
      %reduce_max3A_672 = arith.constant true
      %reduce_max3A_673 = vector.broadcast %reduce_max3A_672 : i1 to vector<16xi1>
      %reduce_max3A_674 = arith.constant -2147483648 : i32
      %reduce_max3A_675 = vector.broadcast %reduce_max3A_674 : i32 to vector<16xi32>
      %reduce_max3A_676 = arith.xori %select_n3A_671, %reduce_max3A_675 : vector<16xi32>
      %reduce_max3A_677 = tpu.scan <max>, %reduce_max3A_676 masked %reduce_max3A_673 : vector<16xi32>, vector<16xi1> -> vector<16xi32>
      %reduce_max3A_678 = arith.xori %reduce_max3A_677, %reduce_max3A_675 : vector<16xi32>
      %reduce_max3A_679 = vector.extract %reduce_max3A_678[15] : i32 from vector<16xi32>
      %add3A_680 = arith.constant 11 : i32
      %add3A_681 = arith.addi %mul3A_118, %add3A_680 : i32
      %dma_start3A_682 = arith.constant 0 : i32
      %dma_start3A_683 = tpu.memref_slice %arg12[%add3A_681, %dma_start3A_682] : memref<512x128xf32, #tpu.memory_space<vmem>> -> memref<1x64xf32, #tpu.memory_space<vmem>>
      %dma_start3A_684 = tpu.memref_squeeze %dma_start3A_683 : memref<1x64xf32, #tpu.memory_space<vmem>> -> memref<64xf32, #tpu.memory_space<vmem>>
      %dma_start3A_685 = arith.constant 0 : i32
      %dma_start3A_686 = tpu.memref_slice %arg4[%reduce_max3A_670, %dma_start3A_685] : memref<1000000x64xf32, #tpu.memory_space<hbm>> -> memref<1x64xf32, #tpu.memory_space<hbm>>
      %dma_start3A_687 = tpu.memref_squeeze %dma_start3A_686 : memref<1x64xf32, #tpu.memory_space<hbm>> -> memref<64xf32, #tpu.memory_space<hbm>>
      %dma_start3A_688 = arith.constant 0 : i32
      %dma_start3A_689 = tpu.memref_slice %arg12[%add3A_681, %dma_start3A_688] : memref<512x128xf32, #tpu.memory_space<vmem>> -> memref<1x64xf32, #tpu.memory_space<vmem>>
      %dma_start3A_690 = tpu.memref_squeeze %dma_start3A_689 : memref<1x64xf32, #tpu.memory_space<vmem>> -> memref<64xf32, #tpu.memory_space<vmem>>
      %dma_start3A_691 = arith.constant 0 : i32
      %dma_start3A_692 = tpu.memref_slice %arg4[%reduce_max3A_670, %dma_start3A_691] : memref<1000000x64xf32, #tpu.memory_space<hbm>> -> memref<1x64xf32, #tpu.memory_space<hbm>>
      %dma_start3A_693 = tpu.memref_squeeze %dma_start3A_692 : memref<1x64xf32, #tpu.memory_space<hbm>> -> memref<64xf32, #tpu.memory_space<hbm>>
      tpu.enqueue_dma source(%dma_start3A_693 : memref<64xf32, #tpu.memory_space<hbm>>) target(%dma_start3A_690 : memref<64xf32, #tpu.memory_space<vmem>>) target_semaphore(%arg17 : memref<!tpu.dma_semaphore, #tpu.memory_space<semaphore_mem>>)
      %add3A_694 = arith.constant 11 : i32
      %add3A_695 = arith.addi %mul3A_118, %add3A_694 : i32
      %dma_start3A_696 = arith.constant 64 : i32
      %dma_start3A_697 = tpu.memref_slice %arg12[%add3A_695, %dma_start3A_696] : memref<512x128xf32, #tpu.memory_space<vmem>> -> memref<1x64xf32, #tpu.memory_space<vmem>>
      %dma_start3A_698 = tpu.memref_squeeze %dma_start3A_697 : memref<1x64xf32, #tpu.memory_space<vmem>> -> memref<64xf32, #tpu.memory_space<vmem>>
      %dma_start3A_699 = arith.constant 0 : i32
      %dma_start3A_700 = tpu.memref_slice %arg6[%reduce_max3A_679, %dma_start3A_699] : memref<1000000x64xf32, #tpu.memory_space<hbm>> -> memref<1x64xf32, #tpu.memory_space<hbm>>
      %dma_start3A_701 = tpu.memref_squeeze %dma_start3A_700 : memref<1x64xf32, #tpu.memory_space<hbm>> -> memref<64xf32, #tpu.memory_space<hbm>>
      %dma_start3A_702 = arith.constant 64 : i32
      %dma_start3A_703 = tpu.memref_slice %arg12[%add3A_695, %dma_start3A_702] : memref<512x128xf32, #tpu.memory_space<vmem>> -> memref<1x64xf32, #tpu.memory_space<vmem>>
      %dma_start3A_704 = tpu.memref_squeeze %dma_start3A_703 : memref<1x64xf32, #tpu.memory_space<vmem>> -> memref<64xf32, #tpu.memory_space<vmem>>
      %dma_start3A_705 = arith.constant 0 : i32
      %dma_start3A_706 = tpu.memref_slice %arg6[%reduce_max3A_679, %dma_start3A_705] : memref<1000000x64xf32, #tpu.memory_space<hbm>> -> memref<1x64xf32, #tpu.memory_space<hbm>>
      %dma_start3A_707 = tpu.memref_squeeze %dma_start3A_706 : memref<1x64xf32, #tpu.memory_space<hbm>> -> memref<64xf32, #tpu.memory_space<hbm>>
      tpu.enqueue_dma source(%dma_start3A_707 : memref<64xf32, #tpu.memory_space<hbm>>) target(%dma_start3A_704 : memref<64xf32, #tpu.memory_space<vmem>>) target_semaphore(%arg17 : memref<!tpu.dma_semaphore, #tpu.memory_space<semaphore_mem>>)
      %eq3A_708 = arith.constant 12 : i32
      %eq3A_709 = vector.broadcast %eq3A_708 : i32 to vector<16xi32>
      %eq3A_710 = arith.cmpi eq, %iota3A, %eq3A_709 : vector<16xi32>
      %select_n3A_711 = arith.select %eq3A_710, %get3A_120, %broadcast_in_dim3A_50 : vector<16xi1>, vector<16xi32>
      %reduce_max3A_712 = arith.constant true
      %reduce_max3A_713 = vector.broadcast %reduce_max3A_712 : i1 to vector<16xi1>
      %reduce_max3A_714 = arith.constant -2147483648 : i32
      %reduce_max3A_715 = vector.broadcast %reduce_max3A_714 : i32 to vector<16xi32>
      %reduce_max3A_716 = arith.xori %select_n3A_711, %reduce_max3A_715 : vector<16xi32>
      %reduce_max3A_717 = tpu.scan <max>, %reduce_max3A_716 masked %reduce_max3A_713 : vector<16xi32>, vector<16xi1> -> vector<16xi32>
      %reduce_max3A_718 = arith.xori %reduce_max3A_717, %reduce_max3A_715 : vector<16xi32>
      %reduce_max3A_719 = vector.extract %reduce_max3A_718[15] : i32 from vector<16xi32>
      %select_n3A_720 = arith.select %eq3A_710, %get3A_122, %broadcast_in_dim3A_50 : vector<16xi1>, vector<16xi32>
      %reduce_max3A_721 = arith.constant true
      %reduce_max3A_722 = vector.broadcast %reduce_max3A_721 : i1 to vector<16xi1>
      %reduce_max3A_723 = arith.constant -2147483648 : i32
      %reduce_max3A_724 = vector.broadcast %reduce_max3A_723 : i32 to vector<16xi32>
      %reduce_max3A_725 = arith.xori %select_n3A_720, %reduce_max3A_724 : vector<16xi32>
      %reduce_max3A_726 = tpu.scan <max>, %reduce_max3A_725 masked %reduce_max3A_722 : vector<16xi32>, vector<16xi1> -> vector<16xi32>
      %reduce_max3A_727 = arith.xori %reduce_max3A_726, %reduce_max3A_724 : vector<16xi32>
      %reduce_max3A_728 = vector.extract %reduce_max3A_727[15] : i32 from vector<16xi32>
      %add3A_729 = arith.constant 12 : i32
      %add3A_730 = arith.addi %mul3A_118, %add3A_729 : i32
      %dma_start3A_731 = arith.constant 0 : i32
      %dma_start3A_732 = tpu.memref_slice %arg12[%add3A_730, %dma_start3A_731] : memref<512x128xf32, #tpu.memory_space<vmem>> -> memref<1x64xf32, #tpu.memory_space<vmem>>
      %dma_start3A_733 = tpu.memref_squeeze %dma_start3A_732 : memref<1x64xf32, #tpu.memory_space<vmem>> -> memref<64xf32, #tpu.memory_space<vmem>>
      %dma_start3A_734 = arith.constant 0 : i32
      %dma_start3A_735 = tpu.memref_slice %arg4[%reduce_max3A_719, %dma_start3A_734] : memref<1000000x64xf32, #tpu.memory_space<hbm>> -> memref<1x64xf32, #tpu.memory_space<hbm>>
      %dma_start3A_736 = tpu.memref_squeeze %dma_start3A_735 : memref<1x64xf32, #tpu.memory_space<hbm>> -> memref<64xf32, #tpu.memory_space<hbm>>
      %dma_start3A_737 = arith.constant 0 : i32
      %dma_start3A_738 = tpu.memref_slice %arg12[%add3A_730, %dma_start3A_737] : memref<512x128xf32, #tpu.memory_space<vmem>> -> memref<1x64xf32, #tpu.memory_space<vmem>>
      %dma_start3A_739 = tpu.memref_squeeze %dma_start3A_738 : memref<1x64xf32, #tpu.memory_space<vmem>> -> memref<64xf32, #tpu.memory_space<vmem>>
      %dma_start3A_740 = arith.constant 0 : i32
      %dma_start3A_741 = tpu.memref_slice %arg4[%reduce_max3A_719, %dma_start3A_740] : memref<1000000x64xf32, #tpu.memory_space<hbm>> -> memref<1x64xf32, #tpu.memory_space<hbm>>
      %dma_start3A_742 = tpu.memref_squeeze %dma_start3A_741 : memref<1x64xf32, #tpu.memory_space<hbm>> -> memref<64xf32, #tpu.memory_space<hbm>>
      tpu.enqueue_dma source(%dma_start3A_742 : memref<64xf32, #tpu.memory_space<hbm>>) target(%dma_start3A_739 : memref<64xf32, #tpu.memory_space<vmem>>) target_semaphore(%arg17 : memref<!tpu.dma_semaphore, #tpu.memory_space<semaphore_mem>>)
      %add3A_743 = arith.constant 12 : i32
      %add3A_744 = arith.addi %mul3A_118, %add3A_743 : i32
      %dma_start3A_745 = arith.constant 64 : i32
      %dma_start3A_746 = tpu.memref_slice %arg12[%add3A_744, %dma_start3A_745] : memref<512x128xf32, #tpu.memory_space<vmem>> -> memref<1x64xf32, #tpu.memory_space<vmem>>
      %dma_start3A_747 = tpu.memref_squeeze %dma_start3A_746 : memref<1x64xf32, #tpu.memory_space<vmem>> -> memref<64xf32, #tpu.memory_space<vmem>>
      %dma_start3A_748 = arith.constant 0 : i32
      %dma_start3A_749 = tpu.memref_slice %arg6[%reduce_max3A_728, %dma_start3A_748] : memref<1000000x64xf32, #tpu.memory_space<hbm>> -> memref<1x64xf32, #tpu.memory_space<hbm>>
      %dma_start3A_750 = tpu.memref_squeeze %dma_start3A_749 : memref<1x64xf32, #tpu.memory_space<hbm>> -> memref<64xf32, #tpu.memory_space<hbm>>
      %dma_start3A_751 = arith.constant 64 : i32
      %dma_start3A_752 = tpu.memref_slice %arg12[%add3A_744, %dma_start3A_751] : memref<512x128xf32, #tpu.memory_space<vmem>> -> memref<1x64xf32, #tpu.memory_space<vmem>>
      %dma_start3A_753 = tpu.memref_squeeze %dma_start3A_752 : memref<1x64xf32, #tpu.memory_space<vmem>> -> memref<64xf32, #tpu.memory_space<vmem>>
      %dma_start3A_754 = arith.constant 0 : i32
      %dma_start3A_755 = tpu.memref_slice %arg6[%reduce_max3A_728, %dma_start3A_754] : memref<1000000x64xf32, #tpu.memory_space<hbm>> -> memref<1x64xf32, #tpu.memory_space<hbm>>
      %dma_start3A_756 = tpu.memref_squeeze %dma_start3A_755 : memref<1x64xf32, #tpu.memory_space<hbm>> -> memref<64xf32, #tpu.memory_space<hbm>>
      tpu.enqueue_dma source(%dma_start3A_756 : memref<64xf32, #tpu.memory_space<hbm>>) target(%dma_start3A_753 : memref<64xf32, #tpu.memory_space<vmem>>) target_semaphore(%arg17 : memref<!tpu.dma_semaphore, #tpu.memory_space<semaphore_mem>>)
      %eq3A_757 = arith.constant 13 : i32
      %eq3A_758 = vector.broadcast %eq3A_757 : i32 to vector<16xi32>
      %eq3A_759 = arith.cmpi eq, %iota3A, %eq3A_758 : vector<16xi32>
      %select_n3A_760 = arith.select %eq3A_759, %get3A_120, %broadcast_in_dim3A_50 : vector<16xi1>, vector<16xi32>
      %reduce_max3A_761 = arith.constant true
      %reduce_max3A_762 = vector.broadcast %reduce_max3A_761 : i1 to vector<16xi1>
      %reduce_max3A_763 = arith.constant -2147483648 : i32
      %reduce_max3A_764 = vector.broadcast %reduce_max3A_763 : i32 to vector<16xi32>
      %reduce_max3A_765 = arith.xori %select_n3A_760, %reduce_max3A_764 : vector<16xi32>
      %reduce_max3A_766 = tpu.scan <max>, %reduce_max3A_765 masked %reduce_max3A_762 : vector<16xi32>, vector<16xi1> -> vector<16xi32>
      %reduce_max3A_767 = arith.xori %reduce_max3A_766, %reduce_max3A_764 : vector<16xi32>
      %reduce_max3A_768 = vector.extract %reduce_max3A_767[15] : i32 from vector<16xi32>
      %select_n3A_769 = arith.select %eq3A_759, %get3A_122, %broadcast_in_dim3A_50 : vector<16xi1>, vector<16xi32>
      %reduce_max3A_770 = arith.constant true
      %reduce_max3A_771 = vector.broadcast %reduce_max3A_770 : i1 to vector<16xi1>
      %reduce_max3A_772 = arith.constant -2147483648 : i32
      %reduce_max3A_773 = vector.broadcast %reduce_max3A_772 : i32 to vector<16xi32>
      %reduce_max3A_774 = arith.xori %select_n3A_769, %reduce_max3A_773 : vector<16xi32>
      %reduce_max3A_775 = tpu.scan <max>, %reduce_max3A_774 masked %reduce_max3A_771 : vector<16xi32>, vector<16xi1> -> vector<16xi32>
      %reduce_max3A_776 = arith.xori %reduce_max3A_775, %reduce_max3A_773 : vector<16xi32>
      %reduce_max3A_777 = vector.extract %reduce_max3A_776[15] : i32 from vector<16xi32>
      %add3A_778 = arith.constant 13 : i32
      %add3A_779 = arith.addi %mul3A_118, %add3A_778 : i32
      %dma_start3A_780 = arith.constant 0 : i32
      %dma_start3A_781 = tpu.memref_slice %arg12[%add3A_779, %dma_start3A_780] : memref<512x128xf32, #tpu.memory_space<vmem>> -> memref<1x64xf32, #tpu.memory_space<vmem>>
      %dma_start3A_782 = tpu.memref_squeeze %dma_start3A_781 : memref<1x64xf32, #tpu.memory_space<vmem>> -> memref<64xf32, #tpu.memory_space<vmem>>
      %dma_start3A_783 = arith.constant 0 : i32
      %dma_start3A_784 = tpu.memref_slice %arg4[%reduce_max3A_768, %dma_start3A_783] : memref<1000000x64xf32, #tpu.memory_space<hbm>> -> memref<1x64xf32, #tpu.memory_space<hbm>>
      %dma_start3A_785 = tpu.memref_squeeze %dma_start3A_784 : memref<1x64xf32, #tpu.memory_space<hbm>> -> memref<64xf32, #tpu.memory_space<hbm>>
      %dma_start3A_786 = arith.constant 0 : i32
      %dma_start3A_787 = tpu.memref_slice %arg12[%add3A_779, %dma_start3A_786] : memref<512x128xf32, #tpu.memory_space<vmem>> -> memref<1x64xf32, #tpu.memory_space<vmem>>
      %dma_start3A_788 = tpu.memref_squeeze %dma_start3A_787 : memref<1x64xf32, #tpu.memory_space<vmem>> -> memref<64xf32, #tpu.memory_space<vmem>>
      %dma_start3A_789 = arith.constant 0 : i32
      %dma_start3A_790 = tpu.memref_slice %arg4[%reduce_max3A_768, %dma_start3A_789] : memref<1000000x64xf32, #tpu.memory_space<hbm>> -> memref<1x64xf32, #tpu.memory_space<hbm>>
      %dma_start3A_791 = tpu.memref_squeeze %dma_start3A_790 : memref<1x64xf32, #tpu.memory_space<hbm>> -> memref<64xf32, #tpu.memory_space<hbm>>
      tpu.enqueue_dma source(%dma_start3A_791 : memref<64xf32, #tpu.memory_space<hbm>>) target(%dma_start3A_788 : memref<64xf32, #tpu.memory_space<vmem>>) target_semaphore(%arg17 : memref<!tpu.dma_semaphore, #tpu.memory_space<semaphore_mem>>)
      %add3A_792 = arith.constant 13 : i32
      %add3A_793 = arith.addi %mul3A_118, %add3A_792 : i32
      %dma_start3A_794 = arith.constant 64 : i32
      %dma_start3A_795 = tpu.memref_slice %arg12[%add3A_793, %dma_start3A_794] : memref<512x128xf32, #tpu.memory_space<vmem>> -> memref<1x64xf32, #tpu.memory_space<vmem>>
      %dma_start3A_796 = tpu.memref_squeeze %dma_start3A_795 : memref<1x64xf32, #tpu.memory_space<vmem>> -> memref<64xf32, #tpu.memory_space<vmem>>
      %dma_start3A_797 = arith.constant 0 : i32
      %dma_start3A_798 = tpu.memref_slice %arg6[%reduce_max3A_777, %dma_start3A_797] : memref<1000000x64xf32, #tpu.memory_space<hbm>> -> memref<1x64xf32, #tpu.memory_space<hbm>>
      %dma_start3A_799 = tpu.memref_squeeze %dma_start3A_798 : memref<1x64xf32, #tpu.memory_space<hbm>> -> memref<64xf32, #tpu.memory_space<hbm>>
      %dma_start3A_800 = arith.constant 64 : i32
      %dma_start3A_801 = tpu.memref_slice %arg12[%add3A_793, %dma_start3A_800] : memref<512x128xf32, #tpu.memory_space<vmem>> -> memref<1x64xf32, #tpu.memory_space<vmem>>
      %dma_start3A_802 = tpu.memref_squeeze %dma_start3A_801 : memref<1x64xf32, #tpu.memory_space<vmem>> -> memref<64xf32, #tpu.memory_space<vmem>>
      %dma_start3A_803 = arith.constant 0 : i32
      %dma_start3A_804 = tpu.memref_slice %arg6[%reduce_max3A_777, %dma_start3A_803] : memref<1000000x64xf32, #tpu.memory_space<hbm>> -> memref<1x64xf32, #tpu.memory_space<hbm>>
      %dma_start3A_805 = tpu.memref_squeeze %dma_start3A_804 : memref<1x64xf32, #tpu.memory_space<hbm>> -> memref<64xf32, #tpu.memory_space<hbm>>
      tpu.enqueue_dma source(%dma_start3A_805 : memref<64xf32, #tpu.memory_space<hbm>>) target(%dma_start3A_802 : memref<64xf32, #tpu.memory_space<vmem>>) target_semaphore(%arg17 : memref<!tpu.dma_semaphore, #tpu.memory_space<semaphore_mem>>)
      %eq3A_806 = arith.constant 14 : i32
      %eq3A_807 = vector.broadcast %eq3A_806 : i32 to vector<16xi32>
      %eq3A_808 = arith.cmpi eq, %iota3A, %eq3A_807 : vector<16xi32>
      %select_n3A_809 = arith.select %eq3A_808, %get3A_120, %broadcast_in_dim3A_50 : vector<16xi1>, vector<16xi32>
      %reduce_max3A_810 = arith.constant true
      %reduce_max3A_811 = vector.broadcast %reduce_max3A_810 : i1 to vector<16xi1>
      %reduce_max3A_812 = arith.constant -2147483648 : i32
      %reduce_max3A_813 = vector.broadcast %reduce_max3A_812 : i32 to vector<16xi32>
      %reduce_max3A_814 = arith.xori %select_n3A_809, %reduce_max3A_813 : vector<16xi32>
      %reduce_max3A_815 = tpu.scan <max>, %reduce_max3A_814 masked %reduce_max3A_811 : vector<16xi32>, vector<16xi1> -> vector<16xi32>
      %reduce_max3A_816 = arith.xori %reduce_max3A_815, %reduce_max3A_813 : vector<16xi32>
      %reduce_max3A_817 = vector.extract %reduce_max3A_816[15] : i32 from vector<16xi32>
      %select_n3A_818 = arith.select %eq3A_808, %get3A_122, %broadcast_in_dim3A_50 : vector<16xi1>, vector<16xi32>
      %reduce_max3A_819 = arith.constant true
      %reduce_max3A_820 = vector.broadcast %reduce_max3A_819 : i1 to vector<16xi1>
      %reduce_max3A_821 = arith.constant -2147483648 : i32
      %reduce_max3A_822 = vector.broadcast %reduce_max3A_821 : i32 to vector<16xi32>
      %reduce_max3A_823 = arith.xori %select_n3A_818, %reduce_max3A_822 : vector<16xi32>
      %reduce_max3A_824 = tpu.scan <max>, %reduce_max3A_823 masked %reduce_max3A_820 : vector<16xi32>, vector<16xi1> -> vector<16xi32>
      %reduce_max3A_825 = arith.xori %reduce_max3A_824, %reduce_max3A_822 : vector<16xi32>
      %reduce_max3A_826 = vector.extract %reduce_max3A_825[15] : i32 from vector<16xi32>
      %add3A_827 = arith.constant 14 : i32
      %add3A_828 = arith.addi %mul3A_118, %add3A_827 : i32
      %dma_start3A_829 = arith.constant 0 : i32
      %dma_start3A_830 = tpu.memref_slice %arg12[%add3A_828, %dma_start3A_829] : memref<512x128xf32, #tpu.memory_space<vmem>> -> memref<1x64xf32, #tpu.memory_space<vmem>>
      %dma_start3A_831 = tpu.memref_squeeze %dma_start3A_830 : memref<1x64xf32, #tpu.memory_space<vmem>> -> memref<64xf32, #tpu.memory_space<vmem>>
      %dma_start3A_832 = arith.constant 0 : i32
      %dma_start3A_833 = tpu.memref_slice %arg4[%reduce_max3A_817, %dma_start3A_832] : memref<1000000x64xf32, #tpu.memory_space<hbm>> -> memref<1x64xf32, #tpu.memory_space<hbm>>
      %dma_start3A_834 = tpu.memref_squeeze %dma_start3A_833 : memref<1x64xf32, #tpu.memory_space<hbm>> -> memref<64xf32, #tpu.memory_space<hbm>>
      %dma_start3A_835 = arith.constant 0 : i32
      %dma_start3A_836 = tpu.memref_slice %arg12[%add3A_828, %dma_start3A_835] : memref<512x128xf32, #tpu.memory_space<vmem>> -> memref<1x64xf32, #tpu.memory_space<vmem>>
      %dma_start3A_837 = tpu.memref_squeeze %dma_start3A_836 : memref<1x64xf32, #tpu.memory_space<vmem>> -> memref<64xf32, #tpu.memory_space<vmem>>
      %dma_start3A_838 = arith.constant 0 : i32
      %dma_start3A_839 = tpu.memref_slice %arg4[%reduce_max3A_817, %dma_start3A_838] : memref<1000000x64xf32, #tpu.memory_space<hbm>> -> memref<1x64xf32, #tpu.memory_space<hbm>>
      %dma_start3A_840 = tpu.memref_squeeze %dma_start3A_839 : memref<1x64xf32, #tpu.memory_space<hbm>> -> memref<64xf32, #tpu.memory_space<hbm>>
      tpu.enqueue_dma source(%dma_start3A_840 : memref<64xf32, #tpu.memory_space<hbm>>) target(%dma_start3A_837 : memref<64xf32, #tpu.memory_space<vmem>>) target_semaphore(%arg17 : memref<!tpu.dma_semaphore, #tpu.memory_space<semaphore_mem>>)
      %add3A_841 = arith.constant 14 : i32
      %add3A_842 = arith.addi %mul3A_118, %add3A_841 : i32
      %dma_start3A_843 = arith.constant 64 : i32
      %dma_start3A_844 = tpu.memref_slice %arg12[%add3A_842, %dma_start3A_843] : memref<512x128xf32, #tpu.memory_space<vmem>> -> memref<1x64xf32, #tpu.memory_space<vmem>>
      %dma_start3A_845 = tpu.memref_squeeze %dma_start3A_844 : memref<1x64xf32, #tpu.memory_space<vmem>> -> memref<64xf32, #tpu.memory_space<vmem>>
      %dma_start3A_846 = arith.constant 0 : i32
      %dma_start3A_847 = tpu.memref_slice %arg6[%reduce_max3A_826, %dma_start3A_846] : memref<1000000x64xf32, #tpu.memory_space<hbm>> -> memref<1x64xf32, #tpu.memory_space<hbm>>
      %dma_start3A_848 = tpu.memref_squeeze %dma_start3A_847 : memref<1x64xf32, #tpu.memory_space<hbm>> -> memref<64xf32, #tpu.memory_space<hbm>>
      %dma_start3A_849 = arith.constant 64 : i32
      %dma_start3A_850 = tpu.memref_slice %arg12[%add3A_842, %dma_start3A_849] : memref<512x128xf32, #tpu.memory_space<vmem>> -> memref<1x64xf32, #tpu.memory_space<vmem>>
      %dma_start3A_851 = tpu.memref_squeeze %dma_start3A_850 : memref<1x64xf32, #tpu.memory_space<vmem>> -> memref<64xf32, #tpu.memory_space<vmem>>
      %dma_start3A_852 = arith.constant 0 : i32
      %dma_start3A_853 = tpu.memref_slice %arg6[%reduce_max3A_826, %dma_start3A_852] : memref<1000000x64xf32, #tpu.memory_space<hbm>> -> memref<1x64xf32, #tpu.memory_space<hbm>>
      %dma_start3A_854 = tpu.memref_squeeze %dma_start3A_853 : memref<1x64xf32, #tpu.memory_space<hbm>> -> memref<64xf32, #tpu.memory_space<hbm>>
      tpu.enqueue_dma source(%dma_start3A_854 : memref<64xf32, #tpu.memory_space<hbm>>) target(%dma_start3A_851 : memref<64xf32, #tpu.memory_space<vmem>>) target_semaphore(%arg17 : memref<!tpu.dma_semaphore, #tpu.memory_space<semaphore_mem>>)
      %eq3A_855 = arith.constant 15 : i32
      %eq3A_856 = vector.broadcast %eq3A_855 : i32 to vector<16xi32>
      %eq3A_857 = arith.cmpi eq, %iota3A, %eq3A_856 : vector<16xi32>
      %select_n3A_858 = arith.select %eq3A_857, %get3A_120, %broadcast_in_dim3A_50 : vector<16xi1>, vector<16xi32>
      %reduce_max3A_859 = arith.constant true
      %reduce_max3A_860 = vector.broadcast %reduce_max3A_859 : i1 to vector<16xi1>
      %reduce_max3A_861 = arith.constant -2147483648 : i32
      %reduce_max3A_862 = vector.broadcast %reduce_max3A_861 : i32 to vector<16xi32>
      %reduce_max3A_863 = arith.xori %select_n3A_858, %reduce_max3A_862 : vector<16xi32>
      %reduce_max3A_864 = tpu.scan <max>, %reduce_max3A_863 masked %reduce_max3A_860 : vector<16xi32>, vector<16xi1> -> vector<16xi32>
      %reduce_max3A_865 = arith.xori %reduce_max3A_864, %reduce_max3A_862 : vector<16xi32>
      %reduce_max3A_866 = vector.extract %reduce_max3A_865[15] : i32 from vector<16xi32>
      %select_n3A_867 = arith.select %eq3A_857, %get3A_122, %broadcast_in_dim3A_50 : vector<16xi1>, vector<16xi32>
      %reduce_max3A_868 = arith.constant true
      %reduce_max3A_869 = vector.broadcast %reduce_max3A_868 : i1 to vector<16xi1>
      %reduce_max3A_870 = arith.constant -2147483648 : i32
      %reduce_max3A_871 = vector.broadcast %reduce_max3A_870 : i32 to vector<16xi32>
      %reduce_max3A_872 = arith.xori %select_n3A_867, %reduce_max3A_871 : vector<16xi32>
      %reduce_max3A_873 = tpu.scan <max>, %reduce_max3A_872 masked %reduce_max3A_869 : vector<16xi32>, vector<16xi1> -> vector<16xi32>
      %reduce_max3A_874 = arith.xori %reduce_max3A_873, %reduce_max3A_871 : vector<16xi32>
      %reduce_max3A_875 = vector.extract %reduce_max3A_874[15] : i32 from vector<16xi32>
      %add3A_876 = arith.constant 15 : i32
      %add3A_877 = arith.addi %mul3A_118, %add3A_876 : i32
      %dma_start3A_878 = arith.constant 0 : i32
      %dma_start3A_879 = tpu.memref_slice %arg12[%add3A_877, %dma_start3A_878] : memref<512x128xf32, #tpu.memory_space<vmem>> -> memref<1x64xf32, #tpu.memory_space<vmem>>
      %dma_start3A_880 = tpu.memref_squeeze %dma_start3A_879 : memref<1x64xf32, #tpu.memory_space<vmem>> -> memref<64xf32, #tpu.memory_space<vmem>>
      %dma_start3A_881 = arith.constant 0 : i32
      %dma_start3A_882 = tpu.memref_slice %arg4[%reduce_max3A_866, %dma_start3A_881] : memref<1000000x64xf32, #tpu.memory_space<hbm>> -> memref<1x64xf32, #tpu.memory_space<hbm>>
      %dma_start3A_883 = tpu.memref_squeeze %dma_start3A_882 : memref<1x64xf32, #tpu.memory_space<hbm>> -> memref<64xf32, #tpu.memory_space<hbm>>
      %dma_start3A_884 = arith.constant 0 : i32
      %dma_start3A_885 = tpu.memref_slice %arg12[%add3A_877, %dma_start3A_884] : memref<512x128xf32, #tpu.memory_space<vmem>> -> memref<1x64xf32, #tpu.memory_space<vmem>>
      %dma_start3A_886 = tpu.memref_squeeze %dma_start3A_885 : memref<1x64xf32, #tpu.memory_space<vmem>> -> memref<64xf32, #tpu.memory_space<vmem>>
      %dma_start3A_887 = arith.constant 0 : i32
      %dma_start3A_888 = tpu.memref_slice %arg4[%reduce_max3A_866, %dma_start3A_887] : memref<1000000x64xf32, #tpu.memory_space<hbm>> -> memref<1x64xf32, #tpu.memory_space<hbm>>
      %dma_start3A_889 = tpu.memref_squeeze %dma_start3A_888 : memref<1x64xf32, #tpu.memory_space<hbm>> -> memref<64xf32, #tpu.memory_space<hbm>>
      tpu.enqueue_dma source(%dma_start3A_889 : memref<64xf32, #tpu.memory_space<hbm>>) target(%dma_start3A_886 : memref<64xf32, #tpu.memory_space<vmem>>) target_semaphore(%arg17 : memref<!tpu.dma_semaphore, #tpu.memory_space<semaphore_mem>>)
      %add3A_890 = arith.constant 15 : i32
      %add3A_891 = arith.addi %mul3A_118, %add3A_890 : i32
      %dma_start3A_892 = arith.constant 64 : i32
      %dma_start3A_893 = tpu.memref_slice %arg12[%add3A_891, %dma_start3A_892] : memref<512x128xf32, #tpu.memory_space<vmem>> -> memref<1x64xf32, #tpu.memory_space<vmem>>
      %dma_start3A_894 = tpu.memref_squeeze %dma_start3A_893 : memref<1x64xf32, #tpu.memory_space<vmem>> -> memref<64xf32, #tpu.memory_space<vmem>>
      %dma_start3A_895 = arith.constant 0 : i32
      %dma_start3A_896 = tpu.memref_slice %arg6[%reduce_max3A_875, %dma_start3A_895] : memref<1000000x64xf32, #tpu.memory_space<hbm>> -> memref<1x64xf32, #tpu.memory_space<hbm>>
      %dma_start3A_897 = tpu.memref_squeeze %dma_start3A_896 : memref<1x64xf32, #tpu.memory_space<hbm>> -> memref<64xf32, #tpu.memory_space<hbm>>
      %dma_start3A_898 = arith.constant 64 : i32
      %dma_start3A_899 = tpu.memref_slice %arg12[%add3A_891, %dma_start3A_898] : memref<512x128xf32, #tpu.memory_space<vmem>> -> memref<1x64xf32, #tpu.memory_space<vmem>>
      %dma_start3A_900 = tpu.memref_squeeze %dma_start3A_899 : memref<1x64xf32, #tpu.memory_space<vmem>> -> memref<64xf32, #tpu.memory_space<vmem>>
      %dma_start3A_901 = arith.constant 0 : i32
      %dma_start3A_902 = tpu.memref_slice %arg6[%reduce_max3A_875, %dma_start3A_901] : memref<1000000x64xf32, #tpu.memory_space<hbm>> -> memref<1x64xf32, #tpu.memory_space<hbm>>
      %dma_start3A_903 = tpu.memref_squeeze %dma_start3A_902 : memref<1x64xf32, #tpu.memory_space<hbm>> -> memref<64xf32, #tpu.memory_space<hbm>>
      tpu.enqueue_dma source(%dma_start3A_903 : memref<64xf32, #tpu.memory_space<hbm>>) target(%dma_start3A_900 : memref<64xf32, #tpu.memory_space<vmem>>) target_semaphore(%arg17 : memref<!tpu.dma_semaphore, #tpu.memory_space<semaphore_mem>>)
    }
    %scan3A_55 = arith.constant 32 : i32
    %dma_wait3A = arith.constant 0 : i32
    %dma_wait3A_56 = arith.constant 0 : i32
    %dma_wait3A_57 = tpu.memref_slice %arg4[%dma_wait3A, %dma_wait3A_56] : memref<1000000x64xf32, #tpu.memory_space<hbm>> -> memref<1024x64xf32, #tpu.memory_space<hbm>>
    %dma_wait3A_58 = arith.constant 0 : i32
    %dma_wait3A_59 = arith.constant 0 : i32
    %dma_wait3A_60 = tpu.memref_slice %arg4[%dma_wait3A_58, %dma_wait3A_59] : memref<1000000x64xf32, #tpu.memory_space<hbm>> -> memref<1024x64xf32, #tpu.memory_space<hbm>>
    tpu.wait_dma2 semaphore(%arg17 : memref<!tpu.dma_semaphore, #tpu.memory_space<semaphore_mem>>) src(%dma_wait3A_60 : memref<1024x64xf32, #tpu.memory_space<hbm>>) dst(%arg12 : memref<512x128xf32, #tpu.memory_space<vmem>>)
    %dma_wait3A_61 = arith.constant 0 : i32
    %dma_wait3A_62 = tpu.memref_slice %arg13[%dma_wait3A_61] : memref<512xf32, #tpu.memory_space<vmem>> -> memref<128xf32, #tpu.memory_space<vmem>>
    %dma_wait3A_63 = arith.constant 0 : i32
    %dma_wait3A_64 = tpu.memref_slice %arg10[%dma_wait3A_63] : memref<512xi32, #tpu.memory_space<vmem>> -> memref<128xi32, #tpu.memory_space<vmem>>
    %dma_wait3A_65 = arith.constant 0 : i32
    %dma_wait3A_66 = tpu.memref_slice %arg5[%dma_wait3A_65] : memref<1000000xf32, #tpu.memory_space<hbm>> -> memref<1000000xf32, #tpu.memory_space<hbm>>
    tpu.wait_indirect_dma semaphore(%arg17 : memref<!tpu.dma_semaphore, #tpu.memory_space<semaphore_mem>>) src(%dma_wait3A_66 : memref<1000000xf32, #tpu.memory_space<hbm>>) dst(%dma_wait3A_62 : memref<128xf32, #tpu.memory_space<vmem>>)
    %dma_wait3A_67 = arith.constant 0 : i32
    %dma_wait3A_68 = tpu.memref_slice %arg14[%dma_wait3A_67] : memref<512xf32, #tpu.memory_space<vmem>> -> memref<128xf32, #tpu.memory_space<vmem>>
    %dma_wait3A_69 = arith.constant 0 : i32
    %dma_wait3A_70 = tpu.memref_slice %arg11[%dma_wait3A_69] : memref<512xi32, #tpu.memory_space<vmem>> -> memref<128xi32, #tpu.memory_space<vmem>>
    %dma_wait3A_71 = arith.constant 0 : i32
    %dma_wait3A_72 = tpu.memref_slice %arg7[%dma_wait3A_71] : memref<1000000xf32, #tpu.memory_space<hbm>> -> memref<1000000xf32, #tpu.memory_space<hbm>>
    tpu.wait_indirect_dma semaphore(%arg17 : memref<!tpu.dma_semaphore, #tpu.memory_space<semaphore_mem>>) src(%dma_wait3A_72 : memref<1000000xf32, #tpu.memory_space<hbm>>) dst(%dma_wait3A_68 : memref<128xf32, #tpu.memory_space<vmem>>)
    %dma_wait3A_73 = arith.constant 128 : i32
    %dma_wait3A_74 = tpu.memref_slice %arg13[%dma_wait3A_73] : memref<512xf32, #tpu.memory_space<vmem>> -> memref<128xf32, #tpu.memory_space<vmem>>
    %dma_wait3A_75 = arith.constant 128 : i32
    %dma_wait3A_76 = tpu.memref_slice %arg10[%dma_wait3A_75] : memref<512xi32, #tpu.memory_space<vmem>> -> memref<128xi32, #tpu.memory_space<vmem>>
    %dma_wait3A_77 = arith.constant 0 : i32
    %dma_wait3A_78 = tpu.memref_slice %arg5[%dma_wait3A_77] : memref<1000000xf32, #tpu.memory_space<hbm>> -> memref<1000000xf32, #tpu.memory_space<hbm>>
    tpu.wait_indirect_dma semaphore(%arg17 : memref<!tpu.dma_semaphore, #tpu.memory_space<semaphore_mem>>) src(%dma_wait3A_78 : memref<1000000xf32, #tpu.memory_space<hbm>>) dst(%dma_wait3A_74 : memref<128xf32, #tpu.memory_space<vmem>>)
    %dma_wait3A_79 = arith.constant 128 : i32
    %dma_wait3A_80 = tpu.memref_slice %arg14[%dma_wait3A_79] : memref<512xf32, #tpu.memory_space<vmem>> -> memref<128xf32, #tpu.memory_space<vmem>>
    %dma_wait3A_81 = arith.constant 128 : i32
    %dma_wait3A_82 = tpu.memref_slice %arg11[%dma_wait3A_81] : memref<512xi32, #tpu.memory_space<vmem>> -> memref<128xi32, #tpu.memory_space<vmem>>
    %dma_wait3A_83 = arith.constant 0 : i32
    %dma_wait3A_84 = tpu.memref_slice %arg7[%dma_wait3A_83] : memref<1000000xf32, #tpu.memory_space<hbm>> -> memref<1000000xf32, #tpu.memory_space<hbm>>
    tpu.wait_indirect_dma semaphore(%arg17 : memref<!tpu.dma_semaphore, #tpu.memory_space<semaphore_mem>>) src(%dma_wait3A_84 : memref<1000000xf32, #tpu.memory_space<hbm>>) dst(%dma_wait3A_80 : memref<128xf32, #tpu.memory_space<vmem>>)
    %dma_wait3A_85 = arith.constant 256 : i32
    %dma_wait3A_86 = tpu.memref_slice %arg13[%dma_wait3A_85] : memref<512xf32, #tpu.memory_space<vmem>> -> memref<128xf32, #tpu.memory_space<vmem>>
    %dma_wait3A_87 = arith.constant 256 : i32
    %dma_wait3A_88 = tpu.memref_slice %arg10[%dma_wait3A_87] : memref<512xi32, #tpu.memory_space<vmem>> -> memref<128xi32, #tpu.memory_space<vmem>>
    %dma_wait3A_89 = arith.constant 0 : i32
    %dma_wait3A_90 = tpu.memref_slice %arg5[%dma_wait3A_89] : memref<1000000xf32, #tpu.memory_space<hbm>> -> memref<1000000xf32, #tpu.memory_space<hbm>>
    tpu.wait_indirect_dma semaphore(%arg17 : memref<!tpu.dma_semaphore, #tpu.memory_space<semaphore_mem>>) src(%dma_wait3A_90 : memref<1000000xf32, #tpu.memory_space<hbm>>) dst(%dma_wait3A_86 : memref<128xf32, #tpu.memory_space<vmem>>)
    %dma_wait3A_91 = arith.constant 256 : i32
    %dma_wait3A_92 = tpu.memref_slice %arg14[%dma_wait3A_91] : memref<512xf32, #tpu.memory_space<vmem>> -> memref<128xf32, #tpu.memory_space<vmem>>
    %dma_wait3A_93 = arith.constant 256 : i32
    %dma_wait3A_94 = tpu.memref_slice %arg11[%dma_wait3A_93] : memref<512xi32, #tpu.memory_space<vmem>> -> memref<128xi32, #tpu.memory_space<vmem>>
    %dma_wait3A_95 = arith.constant 0 : i32
    %dma_wait3A_96 = tpu.memref_slice %arg7[%dma_wait3A_95] : memref<1000000xf32, #tpu.memory_space<hbm>> -> memref<1000000xf32, #tpu.memory_space<hbm>>
    tpu.wait_indirect_dma semaphore(%arg17 : memref<!tpu.dma_semaphore, #tpu.memory_space<semaphore_mem>>) src(%dma_wait3A_96 : memref<1000000xf32, #tpu.memory_space<hbm>>) dst(%dma_wait3A_92 : memref<128xf32, #tpu.memory_space<vmem>>)
    %dma_wait3A_97 = arith.constant 384 : i32
    %dma_wait3A_98 = tpu.memref_slice %arg13[%dma_wait3A_97] : memref<512xf32, #tpu.memory_space<vmem>> -> memref<128xf32, #tpu.memory_space<vmem>>
    %dma_wait3A_99 = arith.constant 384 : i32
    %dma_wait3A_100 = tpu.memref_slice %arg10[%dma_wait3A_99] : memref<512xi32, #tpu.memory_space<vmem>> -> memref<128xi32, #tpu.memory_space<vmem>>
    %dma_wait3A_101 = arith.constant 0 : i32
    %dma_wait3A_102 = tpu.memref_slice %arg5[%dma_wait3A_101] : memref<1000000xf32, #tpu.memory_space<hbm>> -> memref<1000000xf32, #tpu.memory_space<hbm>>
    tpu.wait_indirect_dma semaphore(%arg17 : memref<!tpu.dma_semaphore, #tpu.memory_space<semaphore_mem>>) src(%dma_wait3A_102 : memref<1000000xf32, #tpu.memory_space<hbm>>) dst(%dma_wait3A_98 : memref<128xf32, #tpu.memory_space<vmem>>)
    %dma_wait3A_103 = arith.constant 384 : i32
    %dma_wait3A_104 = tpu.memref_slice %arg14[%dma_wait3A_103] : memref<512xf32, #tpu.memory_space<vmem>> -> memref<128xf32, #tpu.memory_space<vmem>>
    %dma_wait3A_105 = arith.constant 384 : i32
    %dma_wait3A_106 = tpu.memref_slice %arg11[%dma_wait3A_105] : memref<512xi32, #tpu.memory_space<vmem>> -> memref<128xi32, #tpu.memory_space<vmem>>
    %dma_wait3A_107 = arith.constant 0 : i32
    %dma_wait3A_108 = tpu.memref_slice %arg7[%dma_wait3A_107] : memref<1000000xf32, #tpu.memory_space<hbm>> -> memref<1000000xf32, #tpu.memory_space<hbm>>
    tpu.wait_indirect_dma semaphore(%arg17 : memref<!tpu.dma_semaphore, #tpu.memory_space<semaphore_mem>>) src(%dma_wait3A_108 : memref<1000000xf32, #tpu.memory_space<hbm>>) dst(%dma_wait3A_104 : memref<128xf32, #tpu.memory_space<vmem>>)
    %get3A = arith.constant 0 : index
    %get3A_109 = tpu.vector_load %arg15[%get3A] {strides = array<i32>} : memref<16xf32, #tpu.memory_space<vmem>>, vector<16xf32>,
    %scan3A_110 = arith.constant 0 : i32
    %scan3A_111 = arith.constant 0 : i32
    %scan3A_112 = arith.constant 32 : i32
    %scan3A_113 = arith.addi %scan3A_111, %scan3A_112 : i32
    %scan3A_114 = arith.constant 1 : i32
    scf.for %scan3A_116 = %scan3A_111 to %scan3A_113 step %scan3A_114  : i32 {
      %mul3A_117 = arith.constant 16 : i32
      %mul3A_118 = arith.muli %scan3A_116, %mul3A_117 : i32
      %add3A_119 = vector.broadcast %mul3A_118 : i32 to vector<16xi32>
      %add3A_120 = arith.addi %iota3A, %add3A_119 : vector<16xi32>
      %get3A_121 = arith.index_cast %mul3A_118 : i32 to index
      %get3A_122 = tpu.vector_load %arg13[%get3A_121] {strides = array<i32>} : memref<512xf32, #tpu.memory_space<vmem>>, vector<16xf32>,
      %get3A_123 = arith.index_cast %mul3A_118 : i32 to index
      %get3A_124 = tpu.vector_load %arg14[%get3A_123] {strides = array<i32>} : memref<512xf32, #tpu.memory_space<vmem>>, vector<16xf32>,
      %add3A_125 = arith.addf %get3A_122, %get3A_124 : vector<16xf32>
      %add3A_126 = arith.addf %add3A_125, %get3A_109 : vector<16xf32>
      %add3A_127 = arith.constant 0 : i32
      %add3A_128 = vector.broadcast %add3A_127 : i32 to vector<16xi32>
      %add3A_129 = arith.addi %broadcast_in_dim3A_50, %add3A_128 : vector<16xi32>
      %gather3A = tpu.vector_load_idx %arg12[%add3A_120, %add3A_129] : memref<512x128xf32, #tpu.memory_space<vmem>>[vector<16xi32>, vector<16xi32>], vector<16xf32>,
      %add3A_130 = arith.constant 64 : i32
      %add3A_131 = vector.broadcast %add3A_130 : i32 to vector<16xi32>
      %add3A_132 = arith.addi %broadcast_in_dim3A_50, %add3A_131 : vector<16xi32>
      %gather3A_133 = tpu.vector_load_idx %arg12[%add3A_120, %add3A_132] : memref<512x128xf32, #tpu.memory_space<vmem>>[vector<16xi32>, vector<16xi32>], vector<16xf32>,
      %mul3A_134 = arith.mulf %gather3A, %gather3A_133 : vector<16xf32>
      %add3A_135 = arith.addf %add3A_126, %mul3A_134 : vector<16xf32>
      %add3A_136 = arith.constant 1 : i32
      %add3A_137 = vector.broadcast %add3A_136 : i32 to vector<16xi32>
      %add3A_138 = arith.addi %broadcast_in_dim3A_50, %add3A_137 : vector<16xi32>
      %gather3A_139 = tpu.vector_load_idx %arg12[%add3A_120, %add3A_138] : memref<512x128xf32, #tpu.memory_space<vmem>>[vector<16xi32>, vector<16xi32>], vector<16xf32>,
      %add3A_140 = arith.constant 65 : i32
      %add3A_141 = vector.broadcast %add3A_140 : i32 to vector<16xi32>
      %add3A_142 = arith.addi %broadcast_in_dim3A_50, %add3A_141 : vector<16xi32>
      %gather3A_143 = tpu.vector_load_idx %arg12[%add3A_120, %add3A_142] : memref<512x128xf32, #tpu.memory_space<vmem>>[vector<16xi32>, vector<16xi32>], vector<16xf32>,
      %mul3A_144 = arith.mulf %gather3A_139, %gather3A_143 : vector<16xf32>
      %add3A_145 = arith.addf %add3A_135, %mul3A_144 : vector<16xf32>
      %add3A_146 = arith.constant 2 : i32
      %add3A_147 = vector.broadcast %add3A_146 : i32 to vector<16xi32>
      %add3A_148 = arith.addi %broadcast_in_dim3A_50, %add3A_147 : vector<16xi32>
      %gather3A_149 = tpu.vector_load_idx %arg12[%add3A_120, %add3A_148] : memref<512x128xf32, #tpu.memory_space<vmem>>[vector<16xi32>, vector<16xi32>], vector<16xf32>,
      %add3A_150 = arith.constant 66 : i32
      %add3A_151 = vector.broadcast %add3A_150 : i32 to vector<16xi32>
      %add3A_152 = arith.addi %broadcast_in_dim3A_50, %add3A_151 : vector<16xi32>
      %gather3A_153 = tpu.vector_load_idx %arg12[%add3A_120, %add3A_152] : memref<512x128xf32, #tpu.memory_space<vmem>>[vector<16xi32>, vector<16xi32>], vector<16xf32>,
      %mul3A_154 = arith.mulf %gather3A_149, %gather3A_153 : vector<16xf32>
      %add3A_155 = arith.addf %add3A_145, %mul3A_154 : vector<16xf32>
      %add3A_156 = arith.constant 3 : i32
      %add3A_157 = vector.broadcast %add3A_156 : i32 to vector<16xi32>
      %add3A_158 = arith.addi %broadcast_in_dim3A_50, %add3A_157 : vector<16xi32>
      %gather3A_159 = tpu.vector_load_idx %arg12[%add3A_120, %add3A_158] : memref<512x128xf32, #tpu.memory_space<vmem>>[vector<16xi32>, vector<16xi32>], vector<16xf32>,
      %add3A_160 = arith.constant 67 : i32
      %add3A_161 = vector.broadcast %add3A_160 : i32 to vector<16xi32>
      %add3A_162 = arith.addi %broadcast_in_dim3A_50, %add3A_161 : vector<16xi32>
      %gather3A_163 = tpu.vector_load_idx %arg12[%add3A_120, %add3A_162] : memref<512x128xf32, #tpu.memory_space<vmem>>[vector<16xi32>, vector<16xi32>], vector<16xf32>,
      %mul3A_164 = arith.mulf %gather3A_159, %gather3A_163 : vector<16xf32>
      %add3A_165 = arith.addf %add3A_155, %mul3A_164 : vector<16xf32>
      %add3A_166 = arith.constant 4 : i32
      %add3A_167 = vector.broadcast %add3A_166 : i32 to vector<16xi32>
      %add3A_168 = arith.addi %broadcast_in_dim3A_50, %add3A_167 : vector<16xi32>
      %gather3A_169 = tpu.vector_load_idx %arg12[%add3A_120, %add3A_168] : memref<512x128xf32, #tpu.memory_space<vmem>>[vector<16xi32>, vector<16xi32>], vector<16xf32>,
      %add3A_170 = arith.constant 68 : i32
      %add3A_171 = vector.broadcast %add3A_170 : i32 to vector<16xi32>
      %add3A_172 = arith.addi %broadcast_in_dim3A_50, %add3A_171 : vector<16xi32>
      %gather3A_173 = tpu.vector_load_idx %arg12[%add3A_120, %add3A_172] : memref<512x128xf32, #tpu.memory_space<vmem>>[vector<16xi32>, vector<16xi32>], vector<16xf32>,
      %mul3A_174 = arith.mulf %gather3A_169, %gather3A_173 : vector<16xf32>
      %add3A_175 = arith.addf %add3A_165, %mul3A_174 : vector<16xf32>
      %add3A_176 = arith.constant 5 : i32
      %add3A_177 = vector.broadcast %add3A_176 : i32 to vector<16xi32>
      %add3A_178 = arith.addi %broadcast_in_dim3A_50, %add3A_177 : vector<16xi32>
      %gather3A_179 = tpu.vector_load_idx %arg12[%add3A_120, %add3A_178] : memref<512x128xf32, #tpu.memory_space<vmem>>[vector<16xi32>, vector<16xi32>], vector<16xf32>,
      %add3A_180 = arith.constant 69 : i32
      %add3A_181 = vector.broadcast %add3A_180 : i32 to vector<16xi32>
      %add3A_182 = arith.addi %broadcast_in_dim3A_50, %add3A_181 : vector<16xi32>
      %gather3A_183 = tpu.vector_load_idx %arg12[%add3A_120, %add3A_182] : memref<512x128xf32, #tpu.memory_space<vmem>>[vector<16xi32>, vector<16xi32>], vector<16xf32>,
      %mul3A_184 = arith.mulf %gather3A_179, %gather3A_183 : vector<16xf32>
      %add3A_185 = arith.addf %add3A_175, %mul3A_184 : vector<16xf32>
      %add3A_186 = arith.constant 6 : i32
      %add3A_187 = vector.broadcast %add3A_186 : i32 to vector<16xi32>
      %add3A_188 = arith.addi %broadcast_in_dim3A_50, %add3A_187 : vector<16xi32>
      %gather3A_189 = tpu.vector_load_idx %arg12[%add3A_120, %add3A_188] : memref<512x128xf32, #tpu.memory_space<vmem>>[vector<16xi32>, vector<16xi32>], vector<16xf32>,
      %add3A_190 = arith.constant 70 : i32
      %add3A_191 = vector.broadcast %add3A_190 : i32 to vector<16xi32>
      %add3A_192 = arith.addi %broadcast_in_dim3A_50, %add3A_191 : vector<16xi32>
      %gather3A_193 = tpu.vector_load_idx %arg12[%add3A_120, %add3A_192] : memref<512x128xf32, #tpu.memory_space<vmem>>[vector<16xi32>, vector<16xi32>], vector<16xf32>,
      %mul3A_194 = arith.mulf %gather3A_189, %gather3A_193 : vector<16xf32>
      %add3A_195 = arith.addf %add3A_185, %mul3A_194 : vector<16xf32>
      %add3A_196 = arith.constant 7 : i32
      %add3A_197 = vector.broadcast %add3A_196 : i32 to vector<16xi32>
      %add3A_198 = arith.addi %broadcast_in_dim3A_50, %add3A_197 : vector<16xi32>
      %gather3A_199 = tpu.vector_load_idx %arg12[%add3A_120, %add3A_198] : memref<512x128xf32, #tpu.memory_space<vmem>>[vector<16xi32>, vector<16xi32>], vector<16xf32>,
      %add3A_200 = arith.constant 71 : i32
      %add3A_201 = vector.broadcast %add3A_200 : i32 to vector<16xi32>
      %add3A_202 = arith.addi %broadcast_in_dim3A_50, %add3A_201 : vector<16xi32>
      %gather3A_203 = tpu.vector_load_idx %arg12[%add3A_120, %add3A_202] : memref<512x128xf32, #tpu.memory_space<vmem>>[vector<16xi32>, vector<16xi32>], vector<16xf32>,
      %mul3A_204 = arith.mulf %gather3A_199, %gather3A_203 : vector<16xf32>
      %add3A_205 = arith.addf %add3A_195, %mul3A_204 : vector<16xf32>
      %add3A_206 = arith.constant 8 : i32
      %add3A_207 = vector.broadcast %add3A_206 : i32 to vector<16xi32>
      %add3A_208 = arith.addi %broadcast_in_dim3A_50, %add3A_207 : vector<16xi32>
      %gather3A_209 = tpu.vector_load_idx %arg12[%add3A_120, %add3A_208] : memref<512x128xf32, #tpu.memory_space<vmem>>[vector<16xi32>, vector<16xi32>], vector<16xf32>,
      %add3A_210 = arith.constant 72 : i32
      %add3A_211 = vector.broadcast %add3A_210 : i32 to vector<16xi32>
      %add3A_212 = arith.addi %broadcast_in_dim3A_50, %add3A_211 : vector<16xi32>
      %gather3A_213 = tpu.vector_load_idx %arg12[%add3A_120, %add3A_212] : memref<512x128xf32, #tpu.memory_space<vmem>>[vector<16xi32>, vector<16xi32>], vector<16xf32>,
      %mul3A_214 = arith.mulf %gather3A_209, %gather3A_213 : vector<16xf32>
      %add3A_215 = arith.addf %add3A_205, %mul3A_214 : vector<16xf32>
      %add3A_216 = arith.constant 9 : i32
      %add3A_217 = vector.broadcast %add3A_216 : i32 to vector<16xi32>
      %add3A_218 = arith.addi %broadcast_in_dim3A_50, %add3A_217 : vector<16xi32>
      %gather3A_219 = tpu.vector_load_idx %arg12[%add3A_120, %add3A_218] : memref<512x128xf32, #tpu.memory_space<vmem>>[vector<16xi32>, vector<16xi32>], vector<16xf32>,
      %add3A_220 = arith.constant 73 : i32
      %add3A_221 = vector.broadcast %add3A_220 : i32 to vector<16xi32>
      %add3A_222 = arith.addi %broadcast_in_dim3A_50, %add3A_221 : vector<16xi32>
      %gather3A_223 = tpu.vector_load_idx %arg12[%add3A_120, %add3A_222] : memref<512x128xf32, #tpu.memory_space<vmem>>[vector<16xi32>, vector<16xi32>], vector<16xf32>,
      %mul3A_224 = arith.mulf %gather3A_219, %gather3A_223 : vector<16xf32>
      %add3A_225 = arith.addf %add3A_215, %mul3A_224 : vector<16xf32>
      %add3A_226 = arith.constant 10 : i32
      %add3A_227 = vector.broadcast %add3A_226 : i32 to vector<16xi32>
      %add3A_228 = arith.addi %broadcast_in_dim3A_50, %add3A_227 : vector<16xi32>
      %gather3A_229 = tpu.vector_load_idx %arg12[%add3A_120, %add3A_228] : memref<512x128xf32, #tpu.memory_space<vmem>>[vector<16xi32>, vector<16xi32>], vector<16xf32>,
      %add3A_230 = arith.constant 74 : i32
      %add3A_231 = vector.broadcast %add3A_230 : i32 to vector<16xi32>
      %add3A_232 = arith.addi %broadcast_in_dim3A_50, %add3A_231 : vector<16xi32>
      %gather3A_233 = tpu.vector_load_idx %arg12[%add3A_120, %add3A_232] : memref<512x128xf32, #tpu.memory_space<vmem>>[vector<16xi32>, vector<16xi32>], vector<16xf32>,
      %mul3A_234 = arith.mulf %gather3A_229, %gather3A_233 : vector<16xf32>
      %add3A_235 = arith.addf %add3A_225, %mul3A_234 : vector<16xf32>
      %add3A_236 = arith.constant 11 : i32
      %add3A_237 = vector.broadcast %add3A_236 : i32 to vector<16xi32>
      %add3A_238 = arith.addi %broadcast_in_dim3A_50, %add3A_237 : vector<16xi32>
      %gather3A_239 = tpu.vector_load_idx %arg12[%add3A_120, %add3A_238] : memref<512x128xf32, #tpu.memory_space<vmem>>[vector<16xi32>, vector<16xi32>], vector<16xf32>,
      %add3A_240 = arith.constant 75 : i32
      %add3A_241 = vector.broadcast %add3A_240 : i32 to vector<16xi32>
      %add3A_242 = arith.addi %broadcast_in_dim3A_50, %add3A_241 : vector<16xi32>
      %gather3A_243 = tpu.vector_load_idx %arg12[%add3A_120, %add3A_242] : memref<512x128xf32, #tpu.memory_space<vmem>>[vector<16xi32>, vector<16xi32>], vector<16xf32>,
      %mul3A_244 = arith.mulf %gather3A_239, %gather3A_243 : vector<16xf32>
      %add3A_245 = arith.addf %add3A_235, %mul3A_244 : vector<16xf32>
      %add3A_246 = arith.constant 12 : i32
      %add3A_247 = vector.broadcast %add3A_246 : i32 to vector<16xi32>
      %add3A_248 = arith.addi %broadcast_in_dim3A_50, %add3A_247 : vector<16xi32>
      %gather3A_249 = tpu.vector_load_idx %arg12[%add3A_120, %add3A_248] : memref<512x128xf32, #tpu.memory_space<vmem>>[vector<16xi32>, vector<16xi32>], vector<16xf32>,
      %add3A_250 = arith.constant 76 : i32
      %add3A_251 = vector.broadcast %add3A_250 : i32 to vector<16xi32>
      %add3A_252 = arith.addi %broadcast_in_dim3A_50, %add3A_251 : vector<16xi32>
      %gather3A_253 = tpu.vector_load_idx %arg12[%add3A_120, %add3A_252] : memref<512x128xf32, #tpu.memory_space<vmem>>[vector<16xi32>, vector<16xi32>], vector<16xf32>,
      %mul3A_254 = arith.mulf %gather3A_249, %gather3A_253 : vector<16xf32>
      %add3A_255 = arith.addf %add3A_245, %mul3A_254 : vector<16xf32>
      %add3A_256 = arith.constant 13 : i32
      %add3A_257 = vector.broadcast %add3A_256 : i32 to vector<16xi32>
      %add3A_258 = arith.addi %broadcast_in_dim3A_50, %add3A_257 : vector<16xi32>
      %gather3A_259 = tpu.vector_load_idx %arg12[%add3A_120, %add3A_258] : memref<512x128xf32, #tpu.memory_space<vmem>>[vector<16xi32>, vector<16xi32>], vector<16xf32>,
      %add3A_260 = arith.constant 77 : i32
      %add3A_261 = vector.broadcast %add3A_260 : i32 to vector<16xi32>
      %add3A_262 = arith.addi %broadcast_in_dim3A_50, %add3A_261 : vector<16xi32>
      %gather3A_263 = tpu.vector_load_idx %arg12[%add3A_120, %add3A_262] : memref<512x128xf32, #tpu.memory_space<vmem>>[vector<16xi32>, vector<16xi32>], vector<16xf32>,
      %mul3A_264 = arith.mulf %gather3A_259, %gather3A_263 : vector<16xf32>
      %add3A_265 = arith.addf %add3A_255, %mul3A_264 : vector<16xf32>
      %add3A_266 = arith.constant 14 : i32
      %add3A_267 = vector.broadcast %add3A_266 : i32 to vector<16xi32>
      %add3A_268 = arith.addi %broadcast_in_dim3A_50, %add3A_267 : vector<16xi32>
      %gather3A_269 = tpu.vector_load_idx %arg12[%add3A_120, %add3A_268] : memref<512x128xf32, #tpu.memory_space<vmem>>[vector<16xi32>, vector<16xi32>], vector<16xf32>,
      %add3A_270 = arith.constant 78 : i32
      %add3A_271 = vector.broadcast %add3A_270 : i32 to vector<16xi32>
      %add3A_272 = arith.addi %broadcast_in_dim3A_50, %add3A_271 : vector<16xi32>
      %gather3A_273 = tpu.vector_load_idx %arg12[%add3A_120, %add3A_272] : memref<512x128xf32, #tpu.memory_space<vmem>>[vector<16xi32>, vector<16xi32>], vector<16xf32>,
      %mul3A_274 = arith.mulf %gather3A_269, %gather3A_273 : vector<16xf32>
      %add3A_275 = arith.addf %add3A_265, %mul3A_274 : vector<16xf32>
      %add3A_276 = arith.constant 15 : i32
      %add3A_277 = vector.broadcast %add3A_276 : i32 to vector<16xi32>
      %add3A_278 = arith.addi %broadcast_in_dim3A_50, %add3A_277 : vector<16xi32>
      %gather3A_279 = tpu.vector_load_idx %arg12[%add3A_120, %add3A_278] : memref<512x128xf32, #tpu.memory_space<vmem>>[vector<16xi32>, vector<16xi32>], vector<16xf32>,
      %add3A_280 = arith.constant 79 : i32
      %add3A_281 = vector.broadcast %add3A_280 : i32 to vector<16xi32>
      %add3A_282 = arith.addi %broadcast_in_dim3A_50, %add3A_281 : vector<16xi32>
      %gather3A_283 = tpu.vector_load_idx %arg12[%add3A_120, %add3A_282] : memref<512x128xf32, #tpu.memory_space<vmem>>[vector<16xi32>, vector<16xi32>], vector<16xf32>,
      %mul3A_284 = arith.mulf %gather3A_279, %gather3A_283 : vector<16xf32>
      %add3A_285 = arith.addf %add3A_275, %mul3A_284 : vector<16xf32>
      %add3A_286 = arith.constant 16 : i32
      %add3A_287 = vector.broadcast %add3A_286 : i32 to vector<16xi32>
      %add3A_288 = arith.addi %broadcast_in_dim3A_50, %add3A_287 : vector<16xi32>
      %gather3A_289 = tpu.vector_load_idx %arg12[%add3A_120, %add3A_288] : memref<512x128xf32, #tpu.memory_space<vmem>>[vector<16xi32>, vector<16xi32>], vector<16xf32>,
      %add3A_290 = arith.constant 80 : i32
      %add3A_291 = vector.broadcast %add3A_290 : i32 to vector<16xi32>
      %add3A_292 = arith.addi %broadcast_in_dim3A_50, %add3A_291 : vector<16xi32>
      %gather3A_293 = tpu.vector_load_idx %arg12[%add3A_120, %add3A_292] : memref<512x128xf32, #tpu.memory_space<vmem>>[vector<16xi32>, vector<16xi32>], vector<16xf32>,
      %mul3A_294 = arith.mulf %gather3A_289, %gather3A_293 : vector<16xf32>
      %add3A_295 = arith.addf %add3A_285, %mul3A_294 : vector<16xf32>
      %add3A_296 = arith.constant 17 : i32
      %add3A_297 = vector.broadcast %add3A_296 : i32 to vector<16xi32>
      %add3A_298 = arith.addi %broadcast_in_dim3A_50, %add3A_297 : vector<16xi32>
      %gather3A_299 = tpu.vector_load_idx %arg12[%add3A_120, %add3A_298] : memref<512x128xf32, #tpu.memory_space<vmem>>[vector<16xi32>, vector<16xi32>], vector<16xf32>,
      %add3A_300 = arith.constant 81 : i32
      %add3A_301 = vector.broadcast %add3A_300 : i32 to vector<16xi32>
      %add3A_302 = arith.addi %broadcast_in_dim3A_50, %add3A_301 : vector<16xi32>
      %gather3A_303 = tpu.vector_load_idx %arg12[%add3A_120, %add3A_302] : memref<512x128xf32, #tpu.memory_space<vmem>>[vector<16xi32>, vector<16xi32>], vector<16xf32>,
      %mul3A_304 = arith.mulf %gather3A_299, %gather3A_303 : vector<16xf32>
      %add3A_305 = arith.addf %add3A_295, %mul3A_304 : vector<16xf32>
      %add3A_306 = arith.constant 18 : i32
      %add3A_307 = vector.broadcast %add3A_306 : i32 to vector<16xi32>
      %add3A_308 = arith.addi %broadcast_in_dim3A_50, %add3A_307 : vector<16xi32>
      %gather3A_309 = tpu.vector_load_idx %arg12[%add3A_120, %add3A_308] : memref<512x128xf32, #tpu.memory_space<vmem>>[vector<16xi32>, vector<16xi32>], vector<16xf32>,
      %add3A_310 = arith.constant 82 : i32
      %add3A_311 = vector.broadcast %add3A_310 : i32 to vector<16xi32>
      %add3A_312 = arith.addi %broadcast_in_dim3A_50, %add3A_311 : vector<16xi32>
      %gather3A_313 = tpu.vector_load_idx %arg12[%add3A_120, %add3A_312] : memref<512x128xf32, #tpu.memory_space<vmem>>[vector<16xi32>, vector<16xi32>], vector<16xf32>,
      %mul3A_314 = arith.mulf %gather3A_309, %gather3A_313 : vector<16xf32>
      %add3A_315 = arith.addf %add3A_305, %mul3A_314 : vector<16xf32>
      %add3A_316 = arith.constant 19 : i32
      %add3A_317 = vector.broadcast %add3A_316 : i32 to vector<16xi32>
      %add3A_318 = arith.addi %broadcast_in_dim3A_50, %add3A_317 : vector<16xi32>
      %gather3A_319 = tpu.vector_load_idx %arg12[%add3A_120, %add3A_318] : memref<512x128xf32, #tpu.memory_space<vmem>>[vector<16xi32>, vector<16xi32>], vector<16xf32>,
      %add3A_320 = arith.constant 83 : i32
      %add3A_321 = vector.broadcast %add3A_320 : i32 to vector<16xi32>
      %add3A_322 = arith.addi %broadcast_in_dim3A_50, %add3A_321 : vector<16xi32>
      %gather3A_323 = tpu.vector_load_idx %arg12[%add3A_120, %add3A_322] : memref<512x128xf32, #tpu.memory_space<vmem>>[vector<16xi32>, vector<16xi32>], vector<16xf32>,
      %mul3A_324 = arith.mulf %gather3A_319, %gather3A_323 : vector<16xf32>
      %add3A_325 = arith.addf %add3A_315, %mul3A_324 : vector<16xf32>
      %add3A_326 = arith.constant 20 : i32
      %add3A_327 = vector.broadcast %add3A_326 : i32 to vector<16xi32>
      %add3A_328 = arith.addi %broadcast_in_dim3A_50, %add3A_327 : vector<16xi32>
      %gather3A_329 = tpu.vector_load_idx %arg12[%add3A_120, %add3A_328] : memref<512x128xf32, #tpu.memory_space<vmem>>[vector<16xi32>, vector<16xi32>], vector<16xf32>,
      %add3A_330 = arith.constant 84 : i32
      %add3A_331 = vector.broadcast %add3A_330 : i32 to vector<16xi32>
      %add3A_332 = arith.addi %broadcast_in_dim3A_50, %add3A_331 : vector<16xi32>
      %gather3A_333 = tpu.vector_load_idx %arg12[%add3A_120, %add3A_332] : memref<512x128xf32, #tpu.memory_space<vmem>>[vector<16xi32>, vector<16xi32>], vector<16xf32>,
      %mul3A_334 = arith.mulf %gather3A_329, %gather3A_333 : vector<16xf32>
      %add3A_335 = arith.addf %add3A_325, %mul3A_334 : vector<16xf32>
      %add3A_336 = arith.constant 21 : i32
      %add3A_337 = vector.broadcast %add3A_336 : i32 to vector<16xi32>
      %add3A_338 = arith.addi %broadcast_in_dim3A_50, %add3A_337 : vector<16xi32>
      %gather3A_339 = tpu.vector_load_idx %arg12[%add3A_120, %add3A_338] : memref<512x128xf32, #tpu.memory_space<vmem>>[vector<16xi32>, vector<16xi32>], vector<16xf32>,
      %add3A_340 = arith.constant 85 : i32
      %add3A_341 = vector.broadcast %add3A_340 : i32 to vector<16xi32>
      %add3A_342 = arith.addi %broadcast_in_dim3A_50, %add3A_341 : vector<16xi32>
      %gather3A_343 = tpu.vector_load_idx %arg12[%add3A_120, %add3A_342] : memref<512x128xf32, #tpu.memory_space<vmem>>[vector<16xi32>, vector<16xi32>], vector<16xf32>,
      %mul3A_344 = arith.mulf %gather3A_339, %gather3A_343 : vector<16xf32>
      %add3A_345 = arith.addf %add3A_335, %mul3A_344 : vector<16xf32>
      %add3A_346 = arith.constant 22 : i32
      %add3A_347 = vector.broadcast %add3A_346 : i32 to vector<16xi32>
      %add3A_348 = arith.addi %broadcast_in_dim3A_50, %add3A_347 : vector<16xi32>
      %gather3A_349 = tpu.vector_load_idx %arg12[%add3A_120, %add3A_348] : memref<512x128xf32, #tpu.memory_space<vmem>>[vector<16xi32>, vector<16xi32>], vector<16xf32>,
      %add3A_350 = arith.constant 86 : i32
      %add3A_351 = vector.broadcast %add3A_350 : i32 to vector<16xi32>
      %add3A_352 = arith.addi %broadcast_in_dim3A_50, %add3A_351 : vector<16xi32>
      %gather3A_353 = tpu.vector_load_idx %arg12[%add3A_120, %add3A_352] : memref<512x128xf32, #tpu.memory_space<vmem>>[vector<16xi32>, vector<16xi32>], vector<16xf32>,
      %mul3A_354 = arith.mulf %gather3A_349, %gather3A_353 : vector<16xf32>
      %add3A_355 = arith.addf %add3A_345, %mul3A_354 : vector<16xf32>
      %add3A_356 = arith.constant 23 : i32
      %add3A_357 = vector.broadcast %add3A_356 : i32 to vector<16xi32>
      %add3A_358 = arith.addi %broadcast_in_dim3A_50, %add3A_357 : vector<16xi32>
      %gather3A_359 = tpu.vector_load_idx %arg12[%add3A_120, %add3A_358] : memref<512x128xf32, #tpu.memory_space<vmem>>[vector<16xi32>, vector<16xi32>], vector<16xf32>,
      %add3A_360 = arith.constant 87 : i32
      %add3A_361 = vector.broadcast %add3A_360 : i32 to vector<16xi32>
      %add3A_362 = arith.addi %broadcast_in_dim3A_50, %add3A_361 : vector<16xi32>
      %gather3A_363 = tpu.vector_load_idx %arg12[%add3A_120, %add3A_362] : memref<512x128xf32, #tpu.memory_space<vmem>>[vector<16xi32>, vector<16xi32>], vector<16xf32>,
      %mul3A_364 = arith.mulf %gather3A_359, %gather3A_363 : vector<16xf32>
      %add3A_365 = arith.addf %add3A_355, %mul3A_364 : vector<16xf32>
      %add3A_366 = arith.constant 24 : i32
      %add3A_367 = vector.broadcast %add3A_366 : i32 to vector<16xi32>
      %add3A_368 = arith.addi %broadcast_in_dim3A_50, %add3A_367 : vector<16xi32>
      %gather3A_369 = tpu.vector_load_idx %arg12[%add3A_120, %add3A_368] : memref<512x128xf32, #tpu.memory_space<vmem>>[vector<16xi32>, vector<16xi32>], vector<16xf32>,
      %add3A_370 = arith.constant 88 : i32
      %add3A_371 = vector.broadcast %add3A_370 : i32 to vector<16xi32>
      %add3A_372 = arith.addi %broadcast_in_dim3A_50, %add3A_371 : vector<16xi32>
      %gather3A_373 = tpu.vector_load_idx %arg12[%add3A_120, %add3A_372] : memref<512x128xf32, #tpu.memory_space<vmem>>[vector<16xi32>, vector<16xi32>], vector<16xf32>,
      %mul3A_374 = arith.mulf %gather3A_369, %gather3A_373 : vector<16xf32>
      %add3A_375 = arith.addf %add3A_365, %mul3A_374 : vector<16xf32>
      %add3A_376 = arith.constant 25 : i32
      %add3A_377 = vector.broadcast %add3A_376 : i32 to vector<16xi32>
      %add3A_378 = arith.addi %broadcast_in_dim3A_50, %add3A_377 : vector<16xi32>
      %gather3A_379 = tpu.vector_load_idx %arg12[%add3A_120, %add3A_378] : memref<512x128xf32, #tpu.memory_space<vmem>>[vector<16xi32>, vector<16xi32>], vector<16xf32>,
      %add3A_380 = arith.constant 89 : i32
      %add3A_381 = vector.broadcast %add3A_380 : i32 to vector<16xi32>
      %add3A_382 = arith.addi %broadcast_in_dim3A_50, %add3A_381 : vector<16xi32>
      %gather3A_383 = tpu.vector_load_idx %arg12[%add3A_120, %add3A_382] : memref<512x128xf32, #tpu.memory_space<vmem>>[vector<16xi32>, vector<16xi32>], vector<16xf32>,
      %mul3A_384 = arith.mulf %gather3A_379, %gather3A_383 : vector<16xf32>
      %add3A_385 = arith.addf %add3A_375, %mul3A_384 : vector<16xf32>
      %add3A_386 = arith.constant 26 : i32
      %add3A_387 = vector.broadcast %add3A_386 : i32 to vector<16xi32>
      %add3A_388 = arith.addi %broadcast_in_dim3A_50, %add3A_387 : vector<16xi32>
      %gather3A_389 = tpu.vector_load_idx %arg12[%add3A_120, %add3A_388] : memref<512x128xf32, #tpu.memory_space<vmem>>[vector<16xi32>, vector<16xi32>], vector<16xf32>,
      %add3A_390 = arith.constant 90 : i32
      %add3A_391 = vector.broadcast %add3A_390 : i32 to vector<16xi32>
      %add3A_392 = arith.addi %broadcast_in_dim3A_50, %add3A_391 : vector<16xi32>
      %gather3A_393 = tpu.vector_load_idx %arg12[%add3A_120, %add3A_392] : memref<512x128xf32, #tpu.memory_space<vmem>>[vector<16xi32>, vector<16xi32>], vector<16xf32>,
      %mul3A_394 = arith.mulf %gather3A_389, %gather3A_393 : vector<16xf32>
      %add3A_395 = arith.addf %add3A_385, %mul3A_394 : vector<16xf32>
      %add3A_396 = arith.constant 27 : i32
      %add3A_397 = vector.broadcast %add3A_396 : i32 to vector<16xi32>
      %add3A_398 = arith.addi %broadcast_in_dim3A_50, %add3A_397 : vector<16xi32>
      %gather3A_399 = tpu.vector_load_idx %arg12[%add3A_120, %add3A_398] : memref<512x128xf32, #tpu.memory_space<vmem>>[vector<16xi32>, vector<16xi32>], vector<16xf32>,
      %add3A_400 = arith.constant 91 : i32
      %add3A_401 = vector.broadcast %add3A_400 : i32 to vector<16xi32>
      %add3A_402 = arith.addi %broadcast_in_dim3A_50, %add3A_401 : vector<16xi32>
      %gather3A_403 = tpu.vector_load_idx %arg12[%add3A_120, %add3A_402] : memref<512x128xf32, #tpu.memory_space<vmem>>[vector<16xi32>, vector<16xi32>], vector<16xf32>,
      %mul3A_404 = arith.mulf %gather3A_399, %gather3A_403 : vector<16xf32>
      %add3A_405 = arith.addf %add3A_395, %mul3A_404 : vector<16xf32>
      %add3A_406 = arith.constant 28 : i32
      %add3A_407 = vector.broadcast %add3A_406 : i32 to vector<16xi32>
      %add3A_408 = arith.addi %broadcast_in_dim3A_50, %add3A_407 : vector<16xi32>
      %gather3A_409 = tpu.vector_load_idx %arg12[%add3A_120, %add3A_408] : memref<512x128xf32, #tpu.memory_space<vmem>>[vector<16xi32>, vector<16xi32>], vector<16xf32>,
      %add3A_410 = arith.constant 92 : i32
      %add3A_411 = vector.broadcast %add3A_410 : i32 to vector<16xi32>
      %add3A_412 = arith.addi %broadcast_in_dim3A_50, %add3A_411 : vector<16xi32>
      %gather3A_413 = tpu.vector_load_idx %arg12[%add3A_120, %add3A_412] : memref<512x128xf32, #tpu.memory_space<vmem>>[vector<16xi32>, vector<16xi32>], vector<16xf32>,
      %mul3A_414 = arith.mulf %gather3A_409, %gather3A_413 : vector<16xf32>
      %add3A_415 = arith.addf %add3A_405, %mul3A_414 : vector<16xf32>
      %add3A_416 = arith.constant 29 : i32
      %add3A_417 = vector.broadcast %add3A_416 : i32 to vector<16xi32>
      %add3A_418 = arith.addi %broadcast_in_dim3A_50, %add3A_417 : vector<16xi32>
      %gather3A_419 = tpu.vector_load_idx %arg12[%add3A_120, %add3A_418] : memref<512x128xf32, #tpu.memory_space<vmem>>[vector<16xi32>, vector<16xi32>], vector<16xf32>,
      %add3A_420 = arith.constant 93 : i32
      %add3A_421 = vector.broadcast %add3A_420 : i32 to vector<16xi32>
      %add3A_422 = arith.addi %broadcast_in_dim3A_50, %add3A_421 : vector<16xi32>
      %gather3A_423 = tpu.vector_load_idx %arg12[%add3A_120, %add3A_422] : memref<512x128xf32, #tpu.memory_space<vmem>>[vector<16xi32>, vector<16xi32>], vector<16xf32>,
      %mul3A_424 = arith.mulf %gather3A_419, %gather3A_423 : vector<16xf32>
      %add3A_425 = arith.addf %add3A_415, %mul3A_424 : vector<16xf32>
      %add3A_426 = arith.constant 30 : i32
      %add3A_427 = vector.broadcast %add3A_426 : i32 to vector<16xi32>
      %add3A_428 = arith.addi %broadcast_in_dim3A_50, %add3A_427 : vector<16xi32>
      %gather3A_429 = tpu.vector_load_idx %arg12[%add3A_120, %add3A_428] : memref<512x128xf32, #tpu.memory_space<vmem>>[vector<16xi32>, vector<16xi32>], vector<16xf32>,
      %add3A_430 = arith.constant 94 : i32
      %add3A_431 = vector.broadcast %add3A_430 : i32 to vector<16xi32>
      %add3A_432 = arith.addi %broadcast_in_dim3A_50, %add3A_431 : vector<16xi32>
      %gather3A_433 = tpu.vector_load_idx %arg12[%add3A_120, %add3A_432] : memref<512x128xf32, #tpu.memory_space<vmem>>[vector<16xi32>, vector<16xi32>], vector<16xf32>,
      %mul3A_434 = arith.mulf %gather3A_429, %gather3A_433 : vector<16xf32>
      %add3A_435 = arith.addf %add3A_425, %mul3A_434 : vector<16xf32>
      %add3A_436 = arith.constant 31 : i32
      %add3A_437 = vector.broadcast %add3A_436 : i32 to vector<16xi32>
      %add3A_438 = arith.addi %broadcast_in_dim3A_50, %add3A_437 : vector<16xi32>
      %gather3A_439 = tpu.vector_load_idx %arg12[%add3A_120, %add3A_438] : memref<512x128xf32, #tpu.memory_space<vmem>>[vector<16xi32>, vector<16xi32>], vector<16xf32>,
      %add3A_440 = arith.constant 95 : i32
      %add3A_441 = vector.broadcast %add3A_440 : i32 to vector<16xi32>
      %add3A_442 = arith.addi %broadcast_in_dim3A_50, %add3A_441 : vector<16xi32>
      %gather3A_443 = tpu.vector_load_idx %arg12[%add3A_120, %add3A_442] : memref<512x128xf32, #tpu.memory_space<vmem>>[vector<16xi32>, vector<16xi32>], vector<16xf32>,
      %mul3A_444 = arith.mulf %gather3A_439, %gather3A_443 : vector<16xf32>
      %add3A_445 = arith.addf %add3A_435, %mul3A_444 : vector<16xf32>
      %add3A_446 = arith.constant 32 : i32
      %add3A_447 = vector.broadcast %add3A_446 : i32 to vector<16xi32>
      %add3A_448 = arith.addi %broadcast_in_dim3A_50, %add3A_447 : vector<16xi32>
      %gather3A_449 = tpu.vector_load_idx %arg12[%add3A_120, %add3A_448] : memref<512x128xf32, #tpu.memory_space<vmem>>[vector<16xi32>, vector<16xi32>], vector<16xf32>,
      %add3A_450 = arith.constant 96 : i32
      %add3A_451 = vector.broadcast %add3A_450 : i32 to vector<16xi32>
      %add3A_452 = arith.addi %broadcast_in_dim3A_50, %add3A_451 : vector<16xi32>
      %gather3A_453 = tpu.vector_load_idx %arg12[%add3A_120, %add3A_452] : memref<512x128xf32, #tpu.memory_space<vmem>>[vector<16xi32>, vector<16xi32>], vector<16xf32>,
      %mul3A_454 = arith.mulf %gather3A_449, %gather3A_453 : vector<16xf32>
      %add3A_455 = arith.addf %add3A_445, %mul3A_454 : vector<16xf32>
      %add3A_456 = arith.constant 33 : i32
      %add3A_457 = vector.broadcast %add3A_456 : i32 to vector<16xi32>
      %add3A_458 = arith.addi %broadcast_in_dim3A_50, %add3A_457 : vector<16xi32>
      %gather3A_459 = tpu.vector_load_idx %arg12[%add3A_120, %add3A_458] : memref<512x128xf32, #tpu.memory_space<vmem>>[vector<16xi32>, vector<16xi32>], vector<16xf32>,
      %add3A_460 = arith.constant 97 : i32
      %add3A_461 = vector.broadcast %add3A_460 : i32 to vector<16xi32>
      %add3A_462 = arith.addi %broadcast_in_dim3A_50, %add3A_461 : vector<16xi32>
      %gather3A_463 = tpu.vector_load_idx %arg12[%add3A_120, %add3A_462] : memref<512x128xf32, #tpu.memory_space<vmem>>[vector<16xi32>, vector<16xi32>], vector<16xf32>,
      %mul3A_464 = arith.mulf %gather3A_459, %gather3A_463 : vector<16xf32>
      %add3A_465 = arith.addf %add3A_455, %mul3A_464 : vector<16xf32>
      %add3A_466 = arith.constant 34 : i32
      %add3A_467 = vector.broadcast %add3A_466 : i32 to vector<16xi32>
      %add3A_468 = arith.addi %broadcast_in_dim3A_50, %add3A_467 : vector<16xi32>
      %gather3A_469 = tpu.vector_load_idx %arg12[%add3A_120, %add3A_468] : memref<512x128xf32, #tpu.memory_space<vmem>>[vector<16xi32>, vector<16xi32>], vector<16xf32>,
      %add3A_470 = arith.constant 98 : i32
      %add3A_471 = vector.broadcast %add3A_470 : i32 to vector<16xi32>
      %add3A_472 = arith.addi %broadcast_in_dim3A_50, %add3A_471 : vector<16xi32>
      %gather3A_473 = tpu.vector_load_idx %arg12[%add3A_120, %add3A_472] : memref<512x128xf32, #tpu.memory_space<vmem>>[vector<16xi32>, vector<16xi32>], vector<16xf32>,
      %mul3A_474 = arith.mulf %gather3A_469, %gather3A_473 : vector<16xf32>
      %add3A_475 = arith.addf %add3A_465, %mul3A_474 : vector<16xf32>
      %add3A_476 = arith.constant 35 : i32
      %add3A_477 = vector.broadcast %add3A_476 : i32 to vector<16xi32>
      %add3A_478 = arith.addi %broadcast_in_dim3A_50, %add3A_477 : vector<16xi32>
      %gather3A_479 = tpu.vector_load_idx %arg12[%add3A_120, %add3A_478] : memref<512x128xf32, #tpu.memory_space<vmem>>[vector<16xi32>, vector<16xi32>], vector<16xf32>,
      %add3A_480 = arith.constant 99 : i32
      %add3A_481 = vector.broadcast %add3A_480 : i32 to vector<16xi32>
      %add3A_482 = arith.addi %broadcast_in_dim3A_50, %add3A_481 : vector<16xi32>
      %gather3A_483 = tpu.vector_load_idx %arg12[%add3A_120, %add3A_482] : memref<512x128xf32, #tpu.memory_space<vmem>>[vector<16xi32>, vector<16xi32>], vector<16xf32>,
      %mul3A_484 = arith.mulf %gather3A_479, %gather3A_483 : vector<16xf32>
      %add3A_485 = arith.addf %add3A_475, %mul3A_484 : vector<16xf32>
      %add3A_486 = arith.constant 36 : i32
      %add3A_487 = vector.broadcast %add3A_486 : i32 to vector<16xi32>
      %add3A_488 = arith.addi %broadcast_in_dim3A_50, %add3A_487 : vector<16xi32>
      %gather3A_489 = tpu.vector_load_idx %arg12[%add3A_120, %add3A_488] : memref<512x128xf32, #tpu.memory_space<vmem>>[vector<16xi32>, vector<16xi32>], vector<16xf32>,
      %add3A_490 = arith.constant 100 : i32
      %add3A_491 = vector.broadcast %add3A_490 : i32 to vector<16xi32>
      %add3A_492 = arith.addi %broadcast_in_dim3A_50, %add3A_491 : vector<16xi32>
      %gather3A_493 = tpu.vector_load_idx %arg12[%add3A_120, %add3A_492] : memref<512x128xf32, #tpu.memory_space<vmem>>[vector<16xi32>, vector<16xi32>], vector<16xf32>,
      %mul3A_494 = arith.mulf %gather3A_489, %gather3A_493 : vector<16xf32>
      %add3A_495 = arith.addf %add3A_485, %mul3A_494 : vector<16xf32>
      %add3A_496 = arith.constant 37 : i32
      %add3A_497 = vector.broadcast %add3A_496 : i32 to vector<16xi32>
      %add3A_498 = arith.addi %broadcast_in_dim3A_50, %add3A_497 : vector<16xi32>
      %gather3A_499 = tpu.vector_load_idx %arg12[%add3A_120, %add3A_498] : memref<512x128xf32, #tpu.memory_space<vmem>>[vector<16xi32>, vector<16xi32>], vector<16xf32>,
      %add3A_500 = arith.constant 101 : i32
      %add3A_501 = vector.broadcast %add3A_500 : i32 to vector<16xi32>
      %add3A_502 = arith.addi %broadcast_in_dim3A_50, %add3A_501 : vector<16xi32>
      %gather3A_503 = tpu.vector_load_idx %arg12[%add3A_120, %add3A_502] : memref<512x128xf32, #tpu.memory_space<vmem>>[vector<16xi32>, vector<16xi32>], vector<16xf32>,
      %mul3A_504 = arith.mulf %gather3A_499, %gather3A_503 : vector<16xf32>
      %add3A_505 = arith.addf %add3A_495, %mul3A_504 : vector<16xf32>
      %add3A_506 = arith.constant 38 : i32
      %add3A_507 = vector.broadcast %add3A_506 : i32 to vector<16xi32>
      %add3A_508 = arith.addi %broadcast_in_dim3A_50, %add3A_507 : vector<16xi32>
      %gather3A_509 = tpu.vector_load_idx %arg12[%add3A_120, %add3A_508] : memref<512x128xf32, #tpu.memory_space<vmem>>[vector<16xi32>, vector<16xi32>], vector<16xf32>,
      %add3A_510 = arith.constant 102 : i32
      %add3A_511 = vector.broadcast %add3A_510 : i32 to vector<16xi32>
      %add3A_512 = arith.addi %broadcast_in_dim3A_50, %add3A_511 : vector<16xi32>
      %gather3A_513 = tpu.vector_load_idx %arg12[%add3A_120, %add3A_512] : memref<512x128xf32, #tpu.memory_space<vmem>>[vector<16xi32>, vector<16xi32>], vector<16xf32>,
      %mul3A_514 = arith.mulf %gather3A_509, %gather3A_513 : vector<16xf32>
      %add3A_515 = arith.addf %add3A_505, %mul3A_514 : vector<16xf32>
      %add3A_516 = arith.constant 39 : i32
      %add3A_517 = vector.broadcast %add3A_516 : i32 to vector<16xi32>
      %add3A_518 = arith.addi %broadcast_in_dim3A_50, %add3A_517 : vector<16xi32>
      %gather3A_519 = tpu.vector_load_idx %arg12[%add3A_120, %add3A_518] : memref<512x128xf32, #tpu.memory_space<vmem>>[vector<16xi32>, vector<16xi32>], vector<16xf32>,
      %add3A_520 = arith.constant 103 : i32
      %add3A_521 = vector.broadcast %add3A_520 : i32 to vector<16xi32>
      %add3A_522 = arith.addi %broadcast_in_dim3A_50, %add3A_521 : vector<16xi32>
      %gather3A_523 = tpu.vector_load_idx %arg12[%add3A_120, %add3A_522] : memref<512x128xf32, #tpu.memory_space<vmem>>[vector<16xi32>, vector<16xi32>], vector<16xf32>,
      %mul3A_524 = arith.mulf %gather3A_519, %gather3A_523 : vector<16xf32>
      %add3A_525 = arith.addf %add3A_515, %mul3A_524 : vector<16xf32>
      %add3A_526 = arith.constant 40 : i32
      %add3A_527 = vector.broadcast %add3A_526 : i32 to vector<16xi32>
      %add3A_528 = arith.addi %broadcast_in_dim3A_50, %add3A_527 : vector<16xi32>
      %gather3A_529 = tpu.vector_load_idx %arg12[%add3A_120, %add3A_528] : memref<512x128xf32, #tpu.memory_space<vmem>>[vector<16xi32>, vector<16xi32>], vector<16xf32>,
      %add3A_530 = arith.constant 104 : i32
      %add3A_531 = vector.broadcast %add3A_530 : i32 to vector<16xi32>
      %add3A_532 = arith.addi %broadcast_in_dim3A_50, %add3A_531 : vector<16xi32>
      %gather3A_533 = tpu.vector_load_idx %arg12[%add3A_120, %add3A_532] : memref<512x128xf32, #tpu.memory_space<vmem>>[vector<16xi32>, vector<16xi32>], vector<16xf32>,
      %mul3A_534 = arith.mulf %gather3A_529, %gather3A_533 : vector<16xf32>
      %add3A_535 = arith.addf %add3A_525, %mul3A_534 : vector<16xf32>
      %add3A_536 = arith.constant 41 : i32
      %add3A_537 = vector.broadcast %add3A_536 : i32 to vector<16xi32>
      %add3A_538 = arith.addi %broadcast_in_dim3A_50, %add3A_537 : vector<16xi32>
      %gather3A_539 = tpu.vector_load_idx %arg12[%add3A_120, %add3A_538] : memref<512x128xf32, #tpu.memory_space<vmem>>[vector<16xi32>, vector<16xi32>], vector<16xf32>,
      %add3A_540 = arith.constant 105 : i32
      %add3A_541 = vector.broadcast %add3A_540 : i32 to vector<16xi32>
      %add3A_542 = arith.addi %broadcast_in_dim3A_50, %add3A_541 : vector<16xi32>
      %gather3A_543 = tpu.vector_load_idx %arg12[%add3A_120, %add3A_542] : memref<512x128xf32, #tpu.memory_space<vmem>>[vector<16xi32>, vector<16xi32>], vector<16xf32>,
      %mul3A_544 = arith.mulf %gather3A_539, %gather3A_543 : vector<16xf32>
      %add3A_545 = arith.addf %add3A_535, %mul3A_544 : vector<16xf32>
      %add3A_546 = arith.constant 42 : i32
      %add3A_547 = vector.broadcast %add3A_546 : i32 to vector<16xi32>
      %add3A_548 = arith.addi %broadcast_in_dim3A_50, %add3A_547 : vector<16xi32>
      %gather3A_549 = tpu.vector_load_idx %arg12[%add3A_120, %add3A_548] : memref<512x128xf32, #tpu.memory_space<vmem>>[vector<16xi32>, vector<16xi32>], vector<16xf32>,
      %add3A_550 = arith.constant 106 : i32
      %add3A_551 = vector.broadcast %add3A_550 : i32 to vector<16xi32>
      %add3A_552 = arith.addi %broadcast_in_dim3A_50, %add3A_551 : vector<16xi32>
      %gather3A_553 = tpu.vector_load_idx %arg12[%add3A_120, %add3A_552] : memref<512x128xf32, #tpu.memory_space<vmem>>[vector<16xi32>, vector<16xi32>], vector<16xf32>,
      %mul3A_554 = arith.mulf %gather3A_549, %gather3A_553 : vector<16xf32>
      %add3A_555 = arith.addf %add3A_545, %mul3A_554 : vector<16xf32>
      %add3A_556 = arith.constant 43 : i32
      %add3A_557 = vector.broadcast %add3A_556 : i32 to vector<16xi32>
      %add3A_558 = arith.addi %broadcast_in_dim3A_50, %add3A_557 : vector<16xi32>
      %gather3A_559 = tpu.vector_load_idx %arg12[%add3A_120, %add3A_558] : memref<512x128xf32, #tpu.memory_space<vmem>>[vector<16xi32>, vector<16xi32>], vector<16xf32>,
      %add3A_560 = arith.constant 107 : i32
      %add3A_561 = vector.broadcast %add3A_560 : i32 to vector<16xi32>
      %add3A_562 = arith.addi %broadcast_in_dim3A_50, %add3A_561 : vector<16xi32>
      %gather3A_563 = tpu.vector_load_idx %arg12[%add3A_120, %add3A_562] : memref<512x128xf32, #tpu.memory_space<vmem>>[vector<16xi32>, vector<16xi32>], vector<16xf32>,
      %mul3A_564 = arith.mulf %gather3A_559, %gather3A_563 : vector<16xf32>
      %add3A_565 = arith.addf %add3A_555, %mul3A_564 : vector<16xf32>
      %add3A_566 = arith.constant 44 : i32
      %add3A_567 = vector.broadcast %add3A_566 : i32 to vector<16xi32>
      %add3A_568 = arith.addi %broadcast_in_dim3A_50, %add3A_567 : vector<16xi32>
      %gather3A_569 = tpu.vector_load_idx %arg12[%add3A_120, %add3A_568] : memref<512x128xf32, #tpu.memory_space<vmem>>[vector<16xi32>, vector<16xi32>], vector<16xf32>,
      %add3A_570 = arith.constant 108 : i32
      %add3A_571 = vector.broadcast %add3A_570 : i32 to vector<16xi32>
      %add3A_572 = arith.addi %broadcast_in_dim3A_50, %add3A_571 : vector<16xi32>
      %gather3A_573 = tpu.vector_load_idx %arg12[%add3A_120, %add3A_572] : memref<512x128xf32, #tpu.memory_space<vmem>>[vector<16xi32>, vector<16xi32>], vector<16xf32>,
      %mul3A_574 = arith.mulf %gather3A_569, %gather3A_573 : vector<16xf32>
      %add3A_575 = arith.addf %add3A_565, %mul3A_574 : vector<16xf32>
      %add3A_576 = arith.constant 45 : i32
      %add3A_577 = vector.broadcast %add3A_576 : i32 to vector<16xi32>
      %add3A_578 = arith.addi %broadcast_in_dim3A_50, %add3A_577 : vector<16xi32>
      %gather3A_579 = tpu.vector_load_idx %arg12[%add3A_120, %add3A_578] : memref<512x128xf32, #tpu.memory_space<vmem>>[vector<16xi32>, vector<16xi32>], vector<16xf32>,
      %add3A_580 = arith.constant 109 : i32
      %add3A_581 = vector.broadcast %add3A_580 : i32 to vector<16xi32>
      %add3A_582 = arith.addi %broadcast_in_dim3A_50, %add3A_581 : vector<16xi32>
      %gather3A_583 = tpu.vector_load_idx %arg12[%add3A_120, %add3A_582] : memref<512x128xf32, #tpu.memory_space<vmem>>[vector<16xi32>, vector<16xi32>], vector<16xf32>,
      %mul3A_584 = arith.mulf %gather3A_579, %gather3A_583 : vector<16xf32>
      %add3A_585 = arith.addf %add3A_575, %mul3A_584 : vector<16xf32>
      %add3A_586 = arith.constant 46 : i32
      %add3A_587 = vector.broadcast %add3A_586 : i32 to vector<16xi32>
      %add3A_588 = arith.addi %broadcast_in_dim3A_50, %add3A_587 : vector<16xi32>
      %gather3A_589 = tpu.vector_load_idx %arg12[%add3A_120, %add3A_588] : memref<512x128xf32, #tpu.memory_space<vmem>>[vector<16xi32>, vector<16xi32>], vector<16xf32>,
      %add3A_590 = arith.constant 110 : i32
      %add3A_591 = vector.broadcast %add3A_590 : i32 to vector<16xi32>
      %add3A_592 = arith.addi %broadcast_in_dim3A_50, %add3A_591 : vector<16xi32>
      %gather3A_593 = tpu.vector_load_idx %arg12[%add3A_120, %add3A_592] : memref<512x128xf32, #tpu.memory_space<vmem>>[vector<16xi32>, vector<16xi32>], vector<16xf32>,
      %mul3A_594 = arith.mulf %gather3A_589, %gather3A_593 : vector<16xf32>
      %add3A_595 = arith.addf %add3A_585, %mul3A_594 : vector<16xf32>
      %add3A_596 = arith.constant 47 : i32
      %add3A_597 = vector.broadcast %add3A_596 : i32 to vector<16xi32>
      %add3A_598 = arith.addi %broadcast_in_dim3A_50, %add3A_597 : vector<16xi32>
      %gather3A_599 = tpu.vector_load_idx %arg12[%add3A_120, %add3A_598] : memref<512x128xf32, #tpu.memory_space<vmem>>[vector<16xi32>, vector<16xi32>], vector<16xf32>,
      %add3A_600 = arith.constant 111 : i32
      %add3A_601 = vector.broadcast %add3A_600 : i32 to vector<16xi32>
      %add3A_602 = arith.addi %broadcast_in_dim3A_50, %add3A_601 : vector<16xi32>
      %gather3A_603 = tpu.vector_load_idx %arg12[%add3A_120, %add3A_602] : memref<512x128xf32, #tpu.memory_space<vmem>>[vector<16xi32>, vector<16xi32>], vector<16xf32>,
      %mul3A_604 = arith.mulf %gather3A_599, %gather3A_603 : vector<16xf32>
      %add3A_605 = arith.addf %add3A_595, %mul3A_604 : vector<16xf32>
      %add3A_606 = arith.constant 48 : i32
      %add3A_607 = vector.broadcast %add3A_606 : i32 to vector<16xi32>
      %add3A_608 = arith.addi %broadcast_in_dim3A_50, %add3A_607 : vector<16xi32>
      %gather3A_609 = tpu.vector_load_idx %arg12[%add3A_120, %add3A_608] : memref<512x128xf32, #tpu.memory_space<vmem>>[vector<16xi32>, vector<16xi32>], vector<16xf32>,
      %add3A_610 = arith.constant 112 : i32
      %add3A_611 = vector.broadcast %add3A_610 : i32 to vector<16xi32>
      %add3A_612 = arith.addi %broadcast_in_dim3A_50, %add3A_611 : vector<16xi32>
      %gather3A_613 = tpu.vector_load_idx %arg12[%add3A_120, %add3A_612] : memref<512x128xf32, #tpu.memory_space<vmem>>[vector<16xi32>, vector<16xi32>], vector<16xf32>,
      %mul3A_614 = arith.mulf %gather3A_609, %gather3A_613 : vector<16xf32>
      %add3A_615 = arith.addf %add3A_605, %mul3A_614 : vector<16xf32>
      %add3A_616 = arith.constant 49 : i32
      %add3A_617 = vector.broadcast %add3A_616 : i32 to vector<16xi32>
      %add3A_618 = arith.addi %broadcast_in_dim3A_50, %add3A_617 : vector<16xi32>
      %gather3A_619 = tpu.vector_load_idx %arg12[%add3A_120, %add3A_618] : memref<512x128xf32, #tpu.memory_space<vmem>>[vector<16xi32>, vector<16xi32>], vector<16xf32>,
      %add3A_620 = arith.constant 113 : i32
      %add3A_621 = vector.broadcast %add3A_620 : i32 to vector<16xi32>
      %add3A_622 = arith.addi %broadcast_in_dim3A_50, %add3A_621 : vector<16xi32>
      %gather3A_623 = tpu.vector_load_idx %arg12[%add3A_120, %add3A_622] : memref<512x128xf32, #tpu.memory_space<vmem>>[vector<16xi32>, vector<16xi32>], vector<16xf32>,
      %mul3A_624 = arith.mulf %gather3A_619, %gather3A_623 : vector<16xf32>
      %add3A_625 = arith.addf %add3A_615, %mul3A_624 : vector<16xf32>
      %add3A_626 = arith.constant 50 : i32
      %add3A_627 = vector.broadcast %add3A_626 : i32 to vector<16xi32>
      %add3A_628 = arith.addi %broadcast_in_dim3A_50, %add3A_627 : vector<16xi32>
      %gather3A_629 = tpu.vector_load_idx %arg12[%add3A_120, %add3A_628] : memref<512x128xf32, #tpu.memory_space<vmem>>[vector<16xi32>, vector<16xi32>], vector<16xf32>,
      %add3A_630 = arith.constant 114 : i32
      %add3A_631 = vector.broadcast %add3A_630 : i32 to vector<16xi32>
      %add3A_632 = arith.addi %broadcast_in_dim3A_50, %add3A_631 : vector<16xi32>
      %gather3A_633 = tpu.vector_load_idx %arg12[%add3A_120, %add3A_632] : memref<512x128xf32, #tpu.memory_space<vmem>>[vector<16xi32>, vector<16xi32>], vector<16xf32>,
      %mul3A_634 = arith.mulf %gather3A_629, %gather3A_633 : vector<16xf32>
      %add3A_635 = arith.addf %add3A_625, %mul3A_634 : vector<16xf32>
      %add3A_636 = arith.constant 51 : i32
      %add3A_637 = vector.broadcast %add3A_636 : i32 to vector<16xi32>
      %add3A_638 = arith.addi %broadcast_in_dim3A_50, %add3A_637 : vector<16xi32>
      %gather3A_639 = tpu.vector_load_idx %arg12[%add3A_120, %add3A_638] : memref<512x128xf32, #tpu.memory_space<vmem>>[vector<16xi32>, vector<16xi32>], vector<16xf32>,
      %add3A_640 = arith.constant 115 : i32
      %add3A_641 = vector.broadcast %add3A_640 : i32 to vector<16xi32>
      %add3A_642 = arith.addi %broadcast_in_dim3A_50, %add3A_641 : vector<16xi32>
      %gather3A_643 = tpu.vector_load_idx %arg12[%add3A_120, %add3A_642] : memref<512x128xf32, #tpu.memory_space<vmem>>[vector<16xi32>, vector<16xi32>], vector<16xf32>,
      %mul3A_644 = arith.mulf %gather3A_639, %gather3A_643 : vector<16xf32>
      %add3A_645 = arith.addf %add3A_635, %mul3A_644 : vector<16xf32>
      %add3A_646 = arith.constant 52 : i32
      %add3A_647 = vector.broadcast %add3A_646 : i32 to vector<16xi32>
      %add3A_648 = arith.addi %broadcast_in_dim3A_50, %add3A_647 : vector<16xi32>
      %gather3A_649 = tpu.vector_load_idx %arg12[%add3A_120, %add3A_648] : memref<512x128xf32, #tpu.memory_space<vmem>>[vector<16xi32>, vector<16xi32>], vector<16xf32>,
      %add3A_650 = arith.constant 116 : i32
      %add3A_651 = vector.broadcast %add3A_650 : i32 to vector<16xi32>
      %add3A_652 = arith.addi %broadcast_in_dim3A_50, %add3A_651 : vector<16xi32>
      %gather3A_653 = tpu.vector_load_idx %arg12[%add3A_120, %add3A_652] : memref<512x128xf32, #tpu.memory_space<vmem>>[vector<16xi32>, vector<16xi32>], vector<16xf32>,
      %mul3A_654 = arith.mulf %gather3A_649, %gather3A_653 : vector<16xf32>
      %add3A_655 = arith.addf %add3A_645, %mul3A_654 : vector<16xf32>
      %add3A_656 = arith.constant 53 : i32
      %add3A_657 = vector.broadcast %add3A_656 : i32 to vector<16xi32>
      %add3A_658 = arith.addi %broadcast_in_dim3A_50, %add3A_657 : vector<16xi32>
      %gather3A_659 = tpu.vector_load_idx %arg12[%add3A_120, %add3A_658] : memref<512x128xf32, #tpu.memory_space<vmem>>[vector<16xi32>, vector<16xi32>], vector<16xf32>,
      %add3A_660 = arith.constant 117 : i32
      %add3A_661 = vector.broadcast %add3A_660 : i32 to vector<16xi32>
      %add3A_662 = arith.addi %broadcast_in_dim3A_50, %add3A_661 : vector<16xi32>
      %gather3A_663 = tpu.vector_load_idx %arg12[%add3A_120, %add3A_662] : memref<512x128xf32, #tpu.memory_space<vmem>>[vector<16xi32>, vector<16xi32>], vector<16xf32>,
      %mul3A_664 = arith.mulf %gather3A_659, %gather3A_663 : vector<16xf32>
      %add3A_665 = arith.addf %add3A_655, %mul3A_664 : vector<16xf32>
      %add3A_666 = arith.constant 54 : i32
      %add3A_667 = vector.broadcast %add3A_666 : i32 to vector<16xi32>
      %add3A_668 = arith.addi %broadcast_in_dim3A_50, %add3A_667 : vector<16xi32>
      %gather3A_669 = tpu.vector_load_idx %arg12[%add3A_120, %add3A_668] : memref<512x128xf32, #tpu.memory_space<vmem>>[vector<16xi32>, vector<16xi32>], vector<16xf32>,
      %add3A_670 = arith.constant 118 : i32
      %add3A_671 = vector.broadcast %add3A_670 : i32 to vector<16xi32>
      %add3A_672 = arith.addi %broadcast_in_dim3A_50, %add3A_671 : vector<16xi32>
      %gather3A_673 = tpu.vector_load_idx %arg12[%add3A_120, %add3A_672] : memref<512x128xf32, #tpu.memory_space<vmem>>[vector<16xi32>, vector<16xi32>], vector<16xf32>,
      %mul3A_674 = arith.mulf %gather3A_669, %gather3A_673 : vector<16xf32>
      %add3A_675 = arith.addf %add3A_665, %mul3A_674 : vector<16xf32>
      %add3A_676 = arith.constant 55 : i32
      %add3A_677 = vector.broadcast %add3A_676 : i32 to vector<16xi32>
      %add3A_678 = arith.addi %broadcast_in_dim3A_50, %add3A_677 : vector<16xi32>
      %gather3A_679 = tpu.vector_load_idx %arg12[%add3A_120, %add3A_678] : memref<512x128xf32, #tpu.memory_space<vmem>>[vector<16xi32>, vector<16xi32>], vector<16xf32>,
      %add3A_680 = arith.constant 119 : i32
      %add3A_681 = vector.broadcast %add3A_680 : i32 to vector<16xi32>
      %add3A_682 = arith.addi %broadcast_in_dim3A_50, %add3A_681 : vector<16xi32>
      %gather3A_683 = tpu.vector_load_idx %arg12[%add3A_120, %add3A_682] : memref<512x128xf32, #tpu.memory_space<vmem>>[vector<16xi32>, vector<16xi32>], vector<16xf32>,
      %mul3A_684 = arith.mulf %gather3A_679, %gather3A_683 : vector<16xf32>
      %add3A_685 = arith.addf %add3A_675, %mul3A_684 : vector<16xf32>
      %add3A_686 = arith.constant 56 : i32
      %add3A_687 = vector.broadcast %add3A_686 : i32 to vector<16xi32>
      %add3A_688 = arith.addi %broadcast_in_dim3A_50, %add3A_687 : vector<16xi32>
      %gather3A_689 = tpu.vector_load_idx %arg12[%add3A_120, %add3A_688] : memref<512x128xf32, #tpu.memory_space<vmem>>[vector<16xi32>, vector<16xi32>], vector<16xf32>,
      %add3A_690 = arith.constant 120 : i32
      %add3A_691 = vector.broadcast %add3A_690 : i32 to vector<16xi32>
      %add3A_692 = arith.addi %broadcast_in_dim3A_50, %add3A_691 : vector<16xi32>
      %gather3A_693 = tpu.vector_load_idx %arg12[%add3A_120, %add3A_692] : memref<512x128xf32, #tpu.memory_space<vmem>>[vector<16xi32>, vector<16xi32>], vector<16xf32>,
      %mul3A_694 = arith.mulf %gather3A_689, %gather3A_693 : vector<16xf32>
      %add3A_695 = arith.addf %add3A_685, %mul3A_694 : vector<16xf32>
      %add3A_696 = arith.constant 57 : i32
      %add3A_697 = vector.broadcast %add3A_696 : i32 to vector<16xi32>
      %add3A_698 = arith.addi %broadcast_in_dim3A_50, %add3A_697 : vector<16xi32>
      %gather3A_699 = tpu.vector_load_idx %arg12[%add3A_120, %add3A_698] : memref<512x128xf32, #tpu.memory_space<vmem>>[vector<16xi32>, vector<16xi32>], vector<16xf32>,
      %add3A_700 = arith.constant 121 : i32
      %add3A_701 = vector.broadcast %add3A_700 : i32 to vector<16xi32>
      %add3A_702 = arith.addi %broadcast_in_dim3A_50, %add3A_701 : vector<16xi32>
      %gather3A_703 = tpu.vector_load_idx %arg12[%add3A_120, %add3A_702] : memref<512x128xf32, #tpu.memory_space<vmem>>[vector<16xi32>, vector<16xi32>], vector<16xf32>,
      %mul3A_704 = arith.mulf %gather3A_699, %gather3A_703 : vector<16xf32>
      %add3A_705 = arith.addf %add3A_695, %mul3A_704 : vector<16xf32>
      %add3A_706 = arith.constant 58 : i32
      %add3A_707 = vector.broadcast %add3A_706 : i32 to vector<16xi32>
      %add3A_708 = arith.addi %broadcast_in_dim3A_50, %add3A_707 : vector<16xi32>
      %gather3A_709 = tpu.vector_load_idx %arg12[%add3A_120, %add3A_708] : memref<512x128xf32, #tpu.memory_space<vmem>>[vector<16xi32>, vector<16xi32>], vector<16xf32>,
      %add3A_710 = arith.constant 122 : i32
      %add3A_711 = vector.broadcast %add3A_710 : i32 to vector<16xi32>
      %add3A_712 = arith.addi %broadcast_in_dim3A_50, %add3A_711 : vector<16xi32>
      %gather3A_713 = tpu.vector_load_idx %arg12[%add3A_120, %add3A_712] : memref<512x128xf32, #tpu.memory_space<vmem>>[vector<16xi32>, vector<16xi32>], vector<16xf32>,
      %mul3A_714 = arith.mulf %gather3A_709, %gather3A_713 : vector<16xf32>
      %add3A_715 = arith.addf %add3A_705, %mul3A_714 : vector<16xf32>
      %add3A_716 = arith.constant 59 : i32
      %add3A_717 = vector.broadcast %add3A_716 : i32 to vector<16xi32>
      %add3A_718 = arith.addi %broadcast_in_dim3A_50, %add3A_717 : vector<16xi32>
      %gather3A_719 = tpu.vector_load_idx %arg12[%add3A_120, %add3A_718] : memref<512x128xf32, #tpu.memory_space<vmem>>[vector<16xi32>, vector<16xi32>], vector<16xf32>,
      %add3A_720 = arith.constant 123 : i32
      %add3A_721 = vector.broadcast %add3A_720 : i32 to vector<16xi32>
      %add3A_722 = arith.addi %broadcast_in_dim3A_50, %add3A_721 : vector<16xi32>
      %gather3A_723 = tpu.vector_load_idx %arg12[%add3A_120, %add3A_722] : memref<512x128xf32, #tpu.memory_space<vmem>>[vector<16xi32>, vector<16xi32>], vector<16xf32>,
      %mul3A_724 = arith.mulf %gather3A_719, %gather3A_723 : vector<16xf32>
      %add3A_725 = arith.addf %add3A_715, %mul3A_724 : vector<16xf32>
      %add3A_726 = arith.constant 60 : i32
      %add3A_727 = vector.broadcast %add3A_726 : i32 to vector<16xi32>
      %add3A_728 = arith.addi %broadcast_in_dim3A_50, %add3A_727 : vector<16xi32>
      %gather3A_729 = tpu.vector_load_idx %arg12[%add3A_120, %add3A_728] : memref<512x128xf32, #tpu.memory_space<vmem>>[vector<16xi32>, vector<16xi32>], vector<16xf32>,
      %add3A_730 = arith.constant 124 : i32
      %add3A_731 = vector.broadcast %add3A_730 : i32 to vector<16xi32>
      %add3A_732 = arith.addi %broadcast_in_dim3A_50, %add3A_731 : vector<16xi32>
      %gather3A_733 = tpu.vector_load_idx %arg12[%add3A_120, %add3A_732] : memref<512x128xf32, #tpu.memory_space<vmem>>[vector<16xi32>, vector<16xi32>], vector<16xf32>,
      %mul3A_734 = arith.mulf %gather3A_729, %gather3A_733 : vector<16xf32>
      %add3A_735 = arith.addf %add3A_725, %mul3A_734 : vector<16xf32>
      %add3A_736 = arith.constant 61 : i32
      %add3A_737 = vector.broadcast %add3A_736 : i32 to vector<16xi32>
      %add3A_738 = arith.addi %broadcast_in_dim3A_50, %add3A_737 : vector<16xi32>
      %gather3A_739 = tpu.vector_load_idx %arg12[%add3A_120, %add3A_738] : memref<512x128xf32, #tpu.memory_space<vmem>>[vector<16xi32>, vector<16xi32>], vector<16xf32>,
      %add3A_740 = arith.constant 125 : i32
      %add3A_741 = vector.broadcast %add3A_740 : i32 to vector<16xi32>
      %add3A_742 = arith.addi %broadcast_in_dim3A_50, %add3A_741 : vector<16xi32>
      %gather3A_743 = tpu.vector_load_idx %arg12[%add3A_120, %add3A_742] : memref<512x128xf32, #tpu.memory_space<vmem>>[vector<16xi32>, vector<16xi32>], vector<16xf32>,
      %mul3A_744 = arith.mulf %gather3A_739, %gather3A_743 : vector<16xf32>
      %add3A_745 = arith.addf %add3A_735, %mul3A_744 : vector<16xf32>
      %add3A_746 = arith.constant 62 : i32
      %add3A_747 = vector.broadcast %add3A_746 : i32 to vector<16xi32>
      %add3A_748 = arith.addi %broadcast_in_dim3A_50, %add3A_747 : vector<16xi32>
      %gather3A_749 = tpu.vector_load_idx %arg12[%add3A_120, %add3A_748] : memref<512x128xf32, #tpu.memory_space<vmem>>[vector<16xi32>, vector<16xi32>], vector<16xf32>,
      %add3A_750 = arith.constant 126 : i32
      %add3A_751 = vector.broadcast %add3A_750 : i32 to vector<16xi32>
      %add3A_752 = arith.addi %broadcast_in_dim3A_50, %add3A_751 : vector<16xi32>
      %gather3A_753 = tpu.vector_load_idx %arg12[%add3A_120, %add3A_752] : memref<512x128xf32, #tpu.memory_space<vmem>>[vector<16xi32>, vector<16xi32>], vector<16xf32>,
      %mul3A_754 = arith.mulf %gather3A_749, %gather3A_753 : vector<16xf32>
      %add3A_755 = arith.addf %add3A_745, %mul3A_754 : vector<16xf32>
      %add3A_756 = arith.constant 63 : i32
      %add3A_757 = vector.broadcast %add3A_756 : i32 to vector<16xi32>
      %add3A_758 = arith.addi %broadcast_in_dim3A_50, %add3A_757 : vector<16xi32>
      %gather3A_759 = tpu.vector_load_idx %arg12[%add3A_120, %add3A_758] : memref<512x128xf32, #tpu.memory_space<vmem>>[vector<16xi32>, vector<16xi32>], vector<16xf32>,
      %add3A_760 = arith.constant 127 : i32
      %add3A_761 = vector.broadcast %add3A_760 : i32 to vector<16xi32>
      %add3A_762 = arith.addi %broadcast_in_dim3A_50, %add3A_761 : vector<16xi32>
      %gather3A_763 = tpu.vector_load_idx %arg12[%add3A_120, %add3A_762] : memref<512x128xf32, #tpu.memory_space<vmem>>[vector<16xi32>, vector<16xi32>], vector<16xf32>,
      %mul3A_764 = arith.mulf %gather3A_759, %gather3A_763 : vector<16xf32>
      %add3A_765 = arith.addf %add3A_755, %mul3A_764 : vector<16xf32>
      %swap3A = arith.index_cast %mul3A_118 : i32 to index
      %swap3A_766 = tpu.vector_load %arg16[%swap3A] {strides = array<i32>} : memref<512xf32, #tpu.memory_space<vmem>>, vector<16xf32>,
      tpu.vector_store %arg16[%swap3A], %add3A_765 {strides = array<i32>} : memref<512xf32, #tpu.memory_space<vmem>>, vector<16xf32>,
    }
    %scan3A_115 = arith.constant 32 : i32
    "tpu.region"() ({
      %run_scoped3A = tpu.sem_alloc : memref<!tpu.dma_semaphore, #tpu.memory_space<semaphore_mem>>
      %dma_start3A_116 = tpu.memref_slice %arg9[%mul3A_2] : memref<16384xf32, #tpu.memory_space<hbm>> -> memref<512xf32, #tpu.memory_space<hbm>>
      %dma_start3A_117 = tpu.memref_slice %arg9[%mul3A_2] : memref<16384xf32, #tpu.memory_space<hbm>> -> memref<512xf32, #tpu.memory_space<hbm>>
      tpu.enqueue_dma source(%arg16 : memref<512xf32, #tpu.memory_space<vmem>>) target(%dma_start3A_117 : memref<512xf32, #tpu.memory_space<hbm>>) target_semaphore(%run_scoped3A : memref<!tpu.dma_semaphore, #tpu.memory_space<semaphore_mem>>)
      %dma_wait3A_118 = tpu.memref_slice %arg9[%mul3A_2] : memref<16384xf32, #tpu.memory_space<hbm>> -> memref<512xf32, #tpu.memory_space<hbm>>
      %dma_wait3A_119 = tpu.memref_slice %arg9[%mul3A_2] : memref<16384xf32, #tpu.memory_space<hbm>> -> memref<512xf32, #tpu.memory_space<hbm>>
      tpu.wait_dma2 semaphore(%run_scoped3A : memref<!tpu.dma_semaphore, #tpu.memory_space<semaphore_mem>>) src(%arg16 : memref<512xf32, #tpu.memory_space<vmem>>) dst(%dma_wait3A_119 : memref<512xf32, #tpu.memory_space<hbm>>)
      tpu.yield
    }) : () -> ()
    return
  }
}

</mosaic_0001>

<sc_bundles>
// kernel: kernel.3.cloned.1.call-start
scs
__scs_entry_jumppad:
0x0: {  	(pc) =	sbr.rel $0x88, $3  }
0x1: {  	(tag) =	ssettag $0x0;
	lr =	simm.s32 $0x1  }
0x2: {  	[smem:$0x3F9A] =	sst lr;
	_ =	strace $0xD0000000  }
0x3: {  	_ = 	snop  }
0x4: {  	_ = 	snop  }
0x5: {  	_ = 	snop  }
0x6: {  	_ = 	snop  }
0x7: {  	_ = 	snop  }
__scs_overlays_trampoline_lowered:
0x8: {  	[smem:$0x3FA9] =	sst s0  }
0x9: {  	[smem:$0x3FAA] =	sst s1  }
0xa: {  	[smem:$0x3FAB] =	sst s2  }
0xb: {  	[smem:$0x3FAC] =	sst s3  }
0xc: {  	[smem:$0x3FAD] =	sst s4  }
0xd: {  	[smem:$0x3FAE] =	sst s5  }
0xe: {  	[smem:$0x3FAF] =	sst s6  }
0xf: {  	[smem:$0x3FB0] =	sst s7  }
0x10: {  	[smem:$0x3FB1] =	sst s8  }
0x11: {  	[smem:$0x3FB2] =	sst s9;
	s0 =	simm.s32 @!p0 $0x0  }
0x12: {  	s1 =	sld [smem:$0x3F98];
	s0 =	simm.s32 @p0 $0x1  }
0x13: {  	[smem:$0x3FB3] =	sst s0;
	s0 =	simm.s32 @!p1 $0x0  }
0x14: {  	s2 =	sld [smem:$0x3F97];
	s0 =	simm.s32 @p1 $0x1  }
0x15: {  	[smem:$0x3FB4] =	sst s0;
	s0 =	simm.s32 @!p2 $0x0  }
0x16: {  	s3 =	sld [smem:$0x3FDB];
	s0 =	simm.s32 @p2 $0x1  }
0x17: {  	s4 =	simm.s32 $0x1BF5;
	[smem:$0x3FB6] =	sst s0  }
0x18: {  	s0 =	sld [smem:$0x3F99];
	_ =	swait.ge [sflag:s4], $0x0  }
0x19: {  	s7 =	sld [smem:$0x3F9A]  }
0x1a: {  	s8 =	sadd.s32 $0xFFFFE003, lr  }
0x1b: {  	s9 =	sadd.s32 $0xFFFFFEF7, lr;
	s5 =	simm.s32 $0xFFFFFFFF;
	p2 =	slt.u32 s8, $0xFFFFF086  }
0x1c: {  	p1 =	slt.u32 s9, $0xF7A;
	s5 =	simm.s32 @!p2 $0x0  }
0x1d: {  	s5 =	simm.s32 @p1 $0x1;
	p0 =	seq.s32 s7, s2  }
0x1e: {  	s7 =	smul.u32 @!p0 $0xF7A, s2;
	p2 =	seq.s32 @!p0 s5, $0x0  }
0x1f: {  	s9 =	smul.u32 $0xF7A, s1;
	s8 =	simm.s32 @!p0 $0x1BF5;
	p2 =	por !p2, p0  }
0x20: {  	[sflag:s8] =	ssyncset.s32 @!p0 $0xFFFFF086;
	s6 =	sadd.s32 @!p0 s3, s7;
	s7 =	simm.s32 @!p0 $0x108  }
0x21: {  	s3 =	sadd.s32 s3, s9;
	s6 =	sadd.s32 @!p0 $0x88, s6;
	s7 =	simm.s32 @p2 $0x1082  }
0x22: {  	[simem:s7], [sflag:s8] =	dma.local @!p0 [hbm:s6], $0xF7A  }
0x23: {  	s9 =	sor.u32 $0xD0000000, s2;
	s6 =	simm.s32 $0x108;
	_ =	swait.ge @!p0 [sflag:s8], $0x0  }
0x24: {  	s3 =	sadd.s32 $0x88, s3;
	s6 =	simm.s32 @!p1 $0x1082;
	[sflag:s4] =	ssyncset.s32 $0xFFFFF086  }
0x25: {  	[simem:s6], [sflag:s4] =	dma.local [hbm:s3], $0xF7A  }
0x26: {  	[smem:$0x3F9A] =	sst s1;
	(tag) =	ssettag s2;
	_ =	strace s9  }
0x27: {  	s1 =	sld [smem:$0x3FAA]  }
0x28: {  	s2 =	sld [smem:$0x3FAB]  }
0x29: {  	s4 =	sld [smem:$0x3FAD]  }
0x2a: {  	p0 =	seq.s32 s5, $0x0;
	s5 =	sld [smem:$0x3FAE]  }
0x2b: {  	s6 =	sld [smem:$0x3FAF]  }
0x2c: {  	s7 =	sld [smem:$0x3FB0]  }
0x2d: {  	s3 =	simm.s32 $0x108;
	s8 =	sld [smem:$0x3FB1]  }
0x2e: {  	s3 =	simm.s32 @!p0 $0x1082;
	s9 =	sld [smem:$0x3FB2]  }
0x2f: {  	lr =	sadd.s32 s0, s3;
	s0 =	sld [smem:$0x3FA9]  }
0x30: {  	s3 =	sld [smem:$0x3FAC]  }
0x31: {  	[smem:$0x3FB5] =	sst s10  }
0x32: {  	s10 =	sld [smem:$0x3FB3];
	_ =	sdelay $0x3  }
0x33: {  	p0 =	seq.s32 s10, $0x1;
	s10 =	sld [smem:$0x3FB5];
	_ =	sdelay $0x3  }
0x34: {  	[smem:$0x3FB5] =	sst s10  }
0x35: {  	s10 =	sld [smem:$0x3FB4];
	_ =	sdelay $0x3  }
0x36: {  	p1 =	seq.s32 s10, $0x1;
	s10 =	sld [smem:$0x3FB5];
	_ =	sdelay $0x3  }
0x37: {  	[smem:$0x3FB5] =	sst s10  }
0x38: {  	s10 =	sld [smem:$0x3FB6]  }
0x39: {  	_ = 	snop;
	(pc) =	sbr.ind lr, $3  }
0x3a: {  	_ = 	snop  }
0x3b: {  	_ = 	snop  }
0x3c: {  	p2 =	seq.s32 s10, $0x1;
	s10 =	sld [smem:$0x3FB5]  }
0x3d: {  	_ =	shalt  }
0x3e: {  	_ =	shalt  }
0x3f: {  	_ =	shalt  }
0x40: {  	_ =	shalt  }
0x41: {  	_ =	shalt  }
0x42: {  	_ =	shalt  }
0x43: {  	_ =	shalt  }
0x44: {  	_ =	shalt  }
0x45: {  	_ =	shalt  }
0x46: {  	_ =	shalt  }
0x47: {  	_ =	shalt  }
0x48: {  	_ =	shalt  }
0x49: {  	_ =	shalt  }
0x4a: {  	_ =	shalt  }
0x4b: {  	_ =	shalt  }
0x4c: {  	_ =	shalt  }
0x4d: {  	_ =	shalt  }
0x4e: {  	_ =	shalt  }
0x4f: {  	_ =	shalt  }
0x50: {  	_ =	shalt  }
0x51: {  	_ =	shalt  }
0x52: {  	_ =	shalt  }
0x53: {  	_ =	shalt  }
0x54: {  	_ =	shalt  }
0x55: {  	_ =	shalt  }
0x56: {  	_ =	shalt  }
0x57: {  	_ =	shalt  }
0x58: {  	_ =	shalt  }
0x59: {  	_ =	shalt  }
0x5a: {  	_ =	shalt  }
0x5b: {  	_ =	shalt  }
0x5c: {  	_ =	shalt  }
0x5d: {  	_ =	shalt  }
0x5e: {  	_ =	shalt  }
0x5f: {  	_ =	shalt  }
0x60: {  	_ =	shalt  }
0x61: {  	_ =	shalt  }
0x62: {  	_ =	shalt  }
0x63: {  	_ =	shalt  }
0x64: {  	_ =	shalt  }
0x65: {  	_ =	shalt  }
0x66: {  	_ =	shalt  }
0x67: {  	_ =	shalt  }
0x68: {  	_ =	shalt  }
0x69: {  	_ =	shalt  }
0x6a: {  	_ =	shalt  }
0x6b: {  	_ =	shalt  }
0x6c: {  	_ =	shalt  }
0x6d: {  	_ =	shalt  }
0x6e: {  	_ =	shalt  }
0x6f: {  	_ =	shalt  }
0x70: {  	_ =	shalt  }
0x71: {  	_ =	shalt  }
0x72: {  	_ =	shalt  }
0x73: {  	_ =	shalt  }
0x74: {  	_ =	shalt  }
0x75: {  	_ =	shalt  }
0x76: {  	_ =	shalt  }
0x77: {  	_ =	shalt  }
0x78: {  	_ =	shalt  }
0x79: {  	_ =	shalt  }
0x7a: {  	_ =	shalt  }
0x7b: {  	_ =	shalt  }
0x7c: {  	_ =	shalt  }
0x7d: {  	_ =	shalt  }
0x7e: {  	_ =	shalt  }
0x7f: {  	_ =	shalt  }
0x80: {  	_ =	shalt  }
0x81: {  	_ =	shalt  }
0x82: {  	_ =	shalt  }
0x83: {  	_ =	shalt  }
0x84: {  	_ =	shalt  }
0x85: {  	_ =	shalt  }
0x86: {  	_ =	shalt  }
0x87: {  	_ =	shalt  }
.Lfunc_end0:
.L_simem_size_0:
called_computation_lowered:
.L_overlay_start_0:
0x88: {  	s2 =	sld [smem:$0x3FD9]  }
0x89: {  	s3 =	sld [smem:$0x3FFE];
	_ =	sdelay $0x1  }
0x8a: {  	s1 =	srdreg.scid  }
0x8b: {  	s0 =	sand.u32 $0x1, s1  }
0x8c: {  	s17 =	sshll.u32 s0, $0xA;
	s2 =	sadd.s32 s3, s2  }
0x8d: {  	s2 =	sadd.s32 s2, s17  }
0x8e: {  	[smem:$0x3FC1] =	sst s2  }
0x8f: {  	_ = 	snop  }
0x90: {  	s2 =	sld [smem:$0x3FC9]  }
0x91: {  	s18 =	sld [smem:$0x3FC8]  }
0x92: {  	s4 =	sld [smem:$0x3FD0];
	(tm) =	ssettm $0x1  }
0x93: {  	s5 =	sld [smem:$0x3FFB];
	_ =	sdelay $0x3  }
0x94: {  	_ =	strace s5  }
0x95: {  	s5 =	sld [smem:$0x3FFC];
	_ =	sdelay $0x3  }
0x96: {  	_ =	strace s5  }
0x97: {  	s5 =	sld [smem:$0x3FFD];
	_ =	sdelay $0x3  }
0x98: {  	_ =	strace s5  }
0x99: {  	_ =	strace $0x8FFFFFFF  }
0x9a: {  	s19 =	sld [smem:$0x3FDB];
	_ =	sdelay $0x1  }
0x9b: {  	s6 =	simm.s32 $_scs_section_size  }
0x9c: {  	s7 =	simm.s32 $_size__tile_overlayer_lowered;
	s8 =	simm.s32 $_tile_overlayer_lowered  }
0x9d: {  	s22 =	simm.s32 $0x1BFF;
	s21 =	sshll.u32 s8, $0x1;
	s5 =	sadd.s32 s6, s19  }
0x9e: {  	s9 =	simm.s32 $0x0;
	s20 =	sshll.u32 s7, $0x1;
	s7 =	sadd.s32 s21, s5  }
0x9f: {  	[timem:s9], [sflag:s22] =	dma.local [hbm:s7], s20  }
0xa0: {  	_ =	swait.ge [sflag:s22], s20  }
0xa1: {  	s6 =	ssub.s32 $0x0, s20;
	[sflag:s22] =	ssyncset.done $0x0  }
0xa2: {  	[sflag:s22] =	ssyncadd.s32 s6;
	_ =	sdelay $0x1  }
0xa3: {  	s23 =	simm.s32 $0x1B8B  }
0xa4: {  	_ =	swait.ge [sflag:s23], $0x1  }
0xa5: {  	[sflag:s23] =	ssyncset.done $0x0  }
0xa6: {  	s25 =	simm.s32 $0x1B8E;
	s24 =	sld [smem:$0x3FFE];
	[sflag:s23] =	ssyncadd.s32 $0xFFFFFFFF  }
0xa7: {  	s26 =	simm.s32 $execute0_lowered;
	[smem:$0x3FD2] =	sst s25  }
0xa8: {  	s7 =	sshll.u32 s26, $0x1;
	_ =	strace $0x80000046;
	[dreg:$0x1] =	wrdreg $0xFFFFFFFF  }
0xa9: {  	s28 =	simm.s32 $_size_execute0_lowered;
	s5 =	sadd.s32 s5, s7;
	[dreg:$0x0] =	wrdreg $0x0  }
0xaa: {  	s7 =	sshll.u32 s28, $0x1;
	[dreg:$0x2] =	wrdreg s5  }
0xab: {  	[dreg:$0x3] =	wrdreg s7  }
0xac: {  	[dreg:$0x4] =	wrdreg $0xC0  }
0xad: {  	_ =	task [dreg:s9], $0x5FFFF  }
0xae: {  	[dreg:$0x1] =	wrdreg $0xFFFFFFFF  }
0xaf: {  	[dreg:$0x0] =	wrdreg $0x60  }
0xb0: {  	[dreg:$0x2] =	wrdreg s2  }
0xb1: {  	[dreg:$0x3] =	wrdreg s18  }
0xb2: {  	[dreg:$0x4] =	wrdreg s24  }
0xb3: {  	[dreg:$0x5] =	wrdreg s4  }
0xb4: {  	[dreg:$0x6] =	wrdreg $0x9  }
0xb5: {  	_ =	task.clear_ibuf [dreg:s9], $0x7FFFF;
	_ =	strace $0x90000046  }
0xb6: {  	s29 =	simm.s32 $0x9;
	_ =	strace $0x80000048  }
0xb7: {  	_ =	swait.ge [sflag:s29], $0x1  }
0xb8: {  	[sflag:s29] =	ssyncadd.s32 $0xFFFFFFFF  }
0xb9: {  	_ =	strace $0x90000048  }
0xba: {  	_ =	sfence  }
0xbb: {  	s30 =	sld [smem:$0x0];
	_ =	sdelay $0x2  }
0xbc: {  	s31 =	sshll.u32 s1, $0xD;
	s1 =	sshrl.u32 s1, $0x2  }
0xbd: {  	s3 =	sand.u32 $0x4000, s31;
	s1 =	sadd.s32 s1, s30  }
0xbe: {  	s0 =	sor.u32 s3, s0;
	s1 =	sshll.u32 s1, $0x11  }
0xbf: {  	s0 =	sor.u32 s1, s0  }
0xc0: {  	s0 =	sadd.s32 $0x8F2B, s0  }
0xc1: {  	[sflag:s0] =	ssyncadd.remote.s32 $0x1  }
0xc2: {  	_ =	sfence.sel $0xFFFF  }
0xc3: {  	[dreg:$0x0] =	wrdreg $0xFFFFFFFF;
	(pc) =	sbr.abs _section_cstart, $3  }
0xc4: {  	[dreg:$0x1] =	wrdreg $0xFFFFFFFF  }
0xc5: {  	_ =	task.clear_ibuf [dreg:s9], $0x2FFFF;
	_ =	strace $0x9FFFFFFF  }
0xc6: {  	(tm) =	ssettm $0x7FFFFFFF  }
0xc7: {  	_ =	shalt  }
tec
execute0_lowered:
.L_overlay_start_1:
0x0: {  	(tag) =	ssettag $0x1  }
0x1: {  	s0 =	rddreg [dreg:$0x0]  }
0x2: {  	s3 =	rddreg [dreg:$0x1]  }
0x3: {  	s1 =	rddreg [dreg:$0x2]  }
0x4: {  	s10 =	rddreg [dreg:$0x3]  }
0x5: {  	s2 =	simm.s32 $0x0;
	s6 =	srdreg.scid;
	s11 =	stileid.u32  }
0x6: {  	s14 =	simm.s32 $0x80;
	s24 =	simm.s32 $0x180;
	s25 =	simm.s32 $0x10580  }
0x7: {  	s26 =	simm.s32 $0x380;
	s28 =	simm.s32 $0x10780;
	s29 =	simm.s32 $0x400  }
0x8: {  	s30 =	simm.s32 $0x1;
	s31 =	simm.s32 $0x10880;
	[smem:$0x7FF] =	sst s2  }
0x9: {  	vm0 =	vmmov $0x1;
	vm1 =	vcmask $0x308;
	vm2 =	vcmask $0x70C;
	s4 =	sadd.s32 $0x3D400, s1;
	s5 =	sadd.s32 $0xF7F800, s1;
	s7 =	sand.u32 $0x1, s6  }
0xa: {  	vm3 =	vcmask $0xB10;
	vm4 =	vcmask $0xF14;
	vm5 =	vcmask $0x1318;
	s6 =	sadd.s32 $0x1EA00, s1;
	s11 =	sshll.u32 s11, $0x7;
	_ =	strace $0x80000047  }
0xb: {  	vm6 =	vcmask $0x171C;
	vm7 =	vcmask $0x1B20;
	vm8 =	vcmask $0x1F24;
	s8 =	ssub.s32 $0x2, s7;
	s12 =	sshll.u32 s7, $0x6;
	s7 =	sadd.s32 $0x1EC1C00, s1  }
0xc: {  	vm9 =	vcmask $0x2328;
	vm10 =	vcmask $0x272C;
	vm11 =	vcmask $0x2B30;
	s9 =	sshrl.u32 s8, $0x1;
	s11 =	sor.u32 s12, s11;
	s12 =	simm.s32 $0x2  }
0xd: {  	vm12 =	vcmask $0x2F34;
	vm13 =	vcmask $0x3338;
	v0 =	vlaneseq.u32;
	s13 =	ssub.s32 s8, s9;
	s8 =	sadd.s32 s0, s11;
	s9 =	sadd.s32 s3, s11  }
0xe: {  	vm14 =	vcmask $0x373C;
	vm15 =	vmmov $0x7fff;
	v0 =	vmul.u32 $0x80, v0;
	s10 =	sadd.s32 s10, s11;
	s0 =	simm.s32 $0x0;
	s11 =	smax.u32 s13, $0x1  }
.LBB2_1:
0xf: {  	[tilespmem:s2], [sflag:$0x2] =	stream.linear.gather [hbm4b:s8+s2], $0x200, $0x38;
	[tilespmem:$0x10A80] =	vst v63  }
0x10: {  	_ =	swait.ge [sflag:s12], $0x200  }
0x11: {  	[sflag:s12] =	ssyncset.done $0x0  }
0x12: {  	s3 =	simm.s32 $0x200;
	[sflag:s12] =	ssyncadd.s32 $0xFFFFFE00  }
0x13: {  	[tilespmem:s3], [sflag:$0x2] =	stream.linear.gather [hbm4b:s9+s2], $0x200, $0x38;
	[tilespmem:$0x10A80] =	vst v63  }
0x14: {  	_ =	swait.ge [sflag:s12], $0x200  }
0x15: {  	[sflag:s12] =	ssyncset.done $0x0  }
0x16: {  	s13 =	simm.s32 $0x10800;
	[sflag:s12] =	ssyncadd.s32 $0xFFFFFE00  }
0x17: {  	[tilespmem:s13], [sflag:$0x2] =	stream.linear.gather [hbm4b:s7+s2], $0x80, $0x38;
	[tilespmem:$0x10A80] =	vst v63  }
0x18: {  	_ =	swait.ge [sflag:s12], $0x80  }
0x19: {  	[sflag:s12] =	ssyncset.done $0x0  }
0x1a: {  	s20 =	simm.s32 $0x10400;
	[sflag:s12] =	ssyncadd.s32 $0xFFFFFF80  }
0x1b: {  	[tilespmem:s20], [sflag:$0x1] =	stream.indirect.gather [hbm4b:s1+s14], $0x1, s2, s14, $0xb8;
	[tilespmem:$0x10A80] =	vst v63  }
0x1c: {  	s21 =	simm.s32 $0x10600  }
0x1d: {  	[tilespmem:s21], [sflag:$0x1] =	stream.indirect.gather [hbm4b:s6+s14], $0x1, s3, s14, $0xb8;
	[tilespmem:$0x10A80] =	vst v63  }
0x1e: {  	s22 =	simm.s32 $0x10480  }
0x1f: {  	[tilespmem:s22], [sflag:$0x1] =	stream.indirect.gather [hbm4b:s1+s14], $0x1, s14, s14, $0xb8;
	[tilespmem:$0x10A80] =	vst v63  }
0x20: {  	s23 =	simm.s32 $0x280;
	s15 =	simm.s32 $0x10680  }
0x21: {  	[tilespmem:s15], [sflag:$0x1] =	stream.indirect.gather [hbm4b:s6+s14], $0x1, s23, s14, $0xb8;
	[tilespmem:$0x10A80] =	vst v63  }
0x22: {  	s16 =	simm.s32 $0x10500;
	s15 =	simm.s32 $0x100  }
0x23: {  	[tilespmem:s16], [sflag:$0x1] =	stream.indirect.gather [hbm4b:s1+s14], $0x1, s15, s14, $0xb8;
	[tilespmem:$0x10A80] =	vst v63  }
0x24: {  	s17 =	simm.s32 $0x300;
	s18 =	simm.s32 $0x10700  }
0x25: {  	[tilespmem:s18], [sflag:$0x1] =	stream.indirect.gather [hbm4b:s6+s14], $0x1, s17, s14, $0xb8;
	[tilespmem:$0x10A80] =	vst v63  }
0x26: {  	_ = 	snop  }
0x27: {  	[tilespmem:s25], [sflag:$0x1] =	stream.indirect.gather [hbm4b:s1+s14], $0x1, s24, s14, $0xb8;
	[tilespmem:$0x10A80] =	vst v63  }
0x28: {  	_ = 	snop  }
0x29: {  	[tilespmem:s28], [sflag:$0x1] =	stream.indirect.gather [hbm4b:s6+s14], $0x1, s26, s14, $0xb8;
	[tilespmem:$0x10A80] =	vst v63  }
0x2a: {  	v2 =	vld [tilespmem:s2+$0x0];
	_ =	sdelay $0x1  }
0x2b: {  	v1 =	vld [tilespmem:s3+$0x0];
	_ =	sdelay $0x2  }
0x2c: {  	v3 =	vnsel vm0, $0x0, v2  }
0x2d: {  	v4 =	vsel vm1, $0x0, v2;
	v3 =	vxor.u32 $0x80000000, v3  }
0x2e: {  	v5 =	vnsel vm0, $0x0, v1;
	v4 =	vxor.u32 $0x80000000, v4;
	(xrf0) =	vmax.scan.msk.u32 $0xffff, v3  }
0x2f: {  	v3 =	vxor.u32 $0x80000000, v5;
	(xrf0) =	vmax.scan.msk.u32 $0xffff, v4  }
0x30: {  	(xrf0) =	vmax.scan.msk.u32 $0xffff, v3;
	_ =	sdelay $0x3  }
0x31: {  	v3, _, _ =	vpop (xrf0)  }
0x32: {  	v38 =	vsel vm1, $0x0, v1;
	(v2sf) =	vpush v3, $0xF;
	v3, _, _ =	vpop (xrf0)  }
0x33: {  	v4 =	vxor.u32 $0x80000000, v38;
	v39, _, _ =	vpop (xrf0);
	(v2sf) =	vpush v3, $0xF  }
0x34: {  	(xrf0) =	vmax.scan.msk.u32 $0xffff, v4;
	(v2sf) =	vpush v39, $0xF;
	_ =	sdelay $0x1  }
0x35: {  	v3 =	vsel vm2, $0x0, v2  }
0x36: {  	v3 =	vxor.u32 $0x80000000, v3  }
0x37: {  	(xrf0) =	vmax.scan.msk.u32 $0xffff, v3;
	_ =	sdelay $0x1  }
0x38: {  	v3 =	vsel vm2, $0x0, v1;
	v4, _, _ =	vpop (xrf0)  }
0x39: {  	v3 =	vxor.u32 $0x80000000, v3;
	(v2sf) =	vpush v4, $0xF  }
0x3a: {  	(xrf0) =	vmax.scan.msk.u32 $0xffff, v3;
	_ =	sdelay $0x1  }
0x3b: {  	v3 =	vsel vm3, $0x0, v2;
	v40, _, _ =	vpop (xrf0)  }
0x3c: {  	v3 =	vxor.u32 $0x80000000, v3;
	(v2sf) =	vpush v40, $0xF  }
0x3d: {  	(xrf0) =	vmax.scan.msk.u32 $0xffff, v3  }
0x3e: {  	s19 =	spop (v2sf)  }
0x3f: {  	v3 =	vsel vm3, $0x0, v1;
	v41, _, _ =	vpop (xrf0);
	s13 =	sshll.u32 s19, $0x4;
	s20 =	spop (v2sf)  }
0x40: {  	v3 =	vxor.u32 $0x80000000, v3;
	(v2sf) =	vpush v41, $0xF;
	s13 =	sand.u32 $0x1FFFFFF0, s13;
	s16 =	spop (v2sf)  }
0x41: {  	s17 =	simm.s32 $0x400;
	(xrf0) =	vmax.scan.msk.u32 $0xffff, v3;
	s13 =	sadd.s32 s4, s13;
	s16 =	sshll.u32 s16, $0x4  }
0x42: {  	[tilespmem:s17], [sflag:$0x1] =	stream.strided.gather [hbm4b:s13+s14], $0x0, s29, s14, $0x38;
	[tilespmem:$0x10A80] =	vst v63  }
0x43: {  	v3 =	vsel vm4, $0x0, v2;
	v42, _, _ =	vpop (xrf0);
	s16 =	sand.u32 $0x1FFFFFF0, s16  }
0x44: {  	v3 =	vxor.u32 $0x80000000, v3;
	(v2sf) =	vpush v42, $0xF;
	[tilespmem:s17], [sflag:$0x1] =	stream.linear.gather [hbm4b:s13+s2], $0x40, $0x38;
	[tilespmem:$0x10A80] =	vst v63  }
0x45: {  	s22 =	simm.s32 $0x440;
	(xrf0) =	vmax.scan.msk.u32 $0xffff, v3;
	s21 =	sshll.u32 s20, $0x4;
	s16 =	sadd.s32 s5, s16  }
0x46: {  	[tilespmem:s22], [sflag:$0x1] =	stream.strided.gather [hbm4b:s16+s14], $0x0, s29, s14, $0x38;
	[tilespmem:$0x10A80] =	vst v63  }
0x47: {  	v3 =	vsel vm4, $0x0, v1;
	v43, _, _ =	vpop (xrf0);
	s13 =	sand.u32 $0x1FFFFFF0, s21;
	s23 =	spop (v2sf)  }
0x48: {  	v3 =	vxor.u32 $0x80000000, v3;
	(v2sf) =	vpush v43, $0xF;
	[tilespmem:s22], [sflag:$0x1] =	stream.linear.gather [hbm4b:s16+s2], $0x40, $0x38;
	[tilespmem:$0x10A80] =	vst v63  }
0x49: {  	s19 =	simm.s32 $0x480;
	(xrf0) =	vmax.scan.msk.u32 $0xffff, v3;
	s18 =	sshll.u32 s23, $0x4;
	s13 =	sadd.s32 s4, s13  }
0x4a: {  	[tilespmem:s19], [sflag:$0x1] =	stream.strided.gather [hbm4b:s13+s14], $0x0, s29, s14, $0x38;
	[tilespmem:$0x10A80] =	vst v63  }
0x4b: {  	v3 =	vsel vm5, $0x0, v2;
	v44, _, _ =	vpop (xrf0);
	s15 =	sand.u32 $0x1FFFFFF0, s18;
	s20 =	spop (v2sf)  }
0x4c: {  	v3 =	vxor.u32 $0x80000000, v3;
	(v2sf) =	vpush v44, $0xF;
	[tilespmem:s19], [sflag:$0x1] =	stream.linear.gather [hbm4b:s13+s2], $0x40, $0x38;
	[tilespmem:$0x10A80] =	vst v63  }
0x4d: {  	(xrf0) =	vmax.scan.msk.u32 $0xffff, v3;
	s15 =	sadd.s32 s5, s15;
	s22 =	simm.s32 $0x4C0;
	s21 =	sshll.u32 s20, $0x4  }
0x4e: {  	[tilespmem:s22], [sflag:$0x1] =	stream.strided.gather [hbm4b:s15+s14], $0x0, s29, s14, $0x38;
	[tilespmem:$0x10A80] =	vst v63  }
0x4f: {  	v3 =	vsel vm5, $0x0, v1;
	v45, _, _ =	vpop (xrf0);
	s13 =	sand.u32 $0x1FFFFFF0, s21;
	s23 =	spop (v2sf)  }
0x50: {  	v3 =	vxor.u32 $0x80000000, v3;
	(v2sf) =	vpush v45, $0xF;
	[tilespmem:s22], [sflag:$0x1] =	stream.linear.gather [hbm4b:s15+s2], $0x40, $0x38;
	[tilespmem:$0x10A80] =	vst v63  }
0x51: {  	(xrf0) =	vmax.scan.msk.u32 $0xffff, v3;
	s19 =	simm.s32 $0x500;
	s13 =	sadd.s32 s4, s13;
	s18 =	sshll.u32 s23, $0x4  }
0x52: {  	[tilespmem:s19], [sflag:$0x1] =	stream.strided.gather [hbm4b:s13+s14], $0x0, s29, s14, $0x38;
	[tilespmem:$0x10A80] =	vst v63  }
0x53: {  	v3 =	vsel vm6, $0x0, v2;
	v46, _, _ =	vpop (xrf0);
	s20 =	spop (v2sf);
	s15 =	sand.u32 $0x1FFFFFF0, s18  }
0x54: {  	v3 =	vxor.u32 $0x80000000, v3;
	(v2sf) =	vpush v46, $0xF;
	[tilespmem:s19], [sflag:$0x1] =	stream.linear.gather [hbm4b:s13+s2], $0x40, $0x38;
	[tilespmem:$0x10A80] =	vst v63  }
0x55: {  	(xrf0) =	vmax.scan.msk.u32 $0xffff, v3;
	s21 =	sshll.u32 s20, $0x4;
	s22 =	simm.s32 $0x540;
	s15 =	sadd.s32 s5, s15  }
0x56: {  	[tilespmem:s22], [sflag:$0x1] =	stream.strided.gather [hbm4b:s15+s14], $0x0, s29, s14, $0x38;
	[tilespmem:$0x10A80] =	vst v63  }
0x57: {  	v3 =	vsel vm6, $0x0, v1;
	v47, _, _ =	vpop (xrf0);
	s23 =	spop (v2sf);
	s13 =	sand.u32 $0x1FFFFFF0, s21  }
0x58: {  	v3 =	vxor.u32 $0x80000000, v3;
	(v2sf) =	vpush v47, $0xF;
	[tilespmem:s22], [sflag:$0x1] =	stream.linear.gather [hbm4b:s15+s2], $0x40, $0x38;
	[tilespmem:$0x10A80] =	vst v63  }
0x59: {  	(xrf0) =	vmax.scan.msk.u32 $0xffff, v3;
	s18 =	sshll.u32 s23, $0x4;
	s19 =	simm.s32 $0x580;
	s13 =	sadd.s32 s4, s13  }
0x5a: {  	[tilespmem:s19], [sflag:$0x1] =	stream.strided.gather [hbm4b:s13+s14], $0x0, s29, s14, $0x38;
	[tilespmem:$0x10A80] =	vst v63  }
0x5b: {  	v3 =	vsel vm7, $0x0, v2;
	v48, _, _ =	vpop (xrf0);
	s20 =	spop (v2sf);
	s15 =	sand.u32 $0x1FFFFFF0, s18  }
0x5c: {  	v3 =	vxor.u32 $0x80000000, v3;
	(v2sf) =	vpush v48, $0xF;
	[tilespmem:s19], [sflag:$0x1] =	stream.linear.gather [hbm4b:s13+s2], $0x40, $0x38;
	[tilespmem:$0x10A80] =	vst v63  }
0x5d: {  	(xrf0) =	vmax.scan.msk.u32 $0xffff, v3;
	s21 =	sshll.u32 s20, $0x4;
	s22 =	simm.s32 $0x5C0;
	s15 =	sadd.s32 s5, s15  }
0x5e: {  	[tilespmem:s22], [sflag:$0x1] =	stream.strided.gather [hbm4b:s15+s14], $0x0, s29, s14, $0x38;
	[tilespmem:$0x10A80] =	vst v63  }
0x5f: {  	v3 =	vsel vm7, $0x0, v1;
	v49, _, _ =	vpop (xrf0);
	s23 =	spop (v2sf);
	s13 =	sand.u32 $0x1FFFFFF0, s21  }
0x60: {  	v3 =	vxor.u32 $0x80000000, v3;
	(v2sf) =	vpush v49, $0xF;
	[tilespmem:s22], [sflag:$0x1] =	stream.linear.gather [hbm4b:s15+s2], $0x40, $0x38;
	[tilespmem:$0x10A80] =	vst v63  }
0x61: {  	(xrf0) =	vmax.scan.msk.u32 $0xffff, v3;
	s19 =	simm.s32 $0x600;
	s18 =	sshll.u32 s23, $0x4;
	s13 =	sadd.s32 s4, s13  }
0x62: {  	[tilespmem:s19], [sflag:$0x1] =	stream.strided.gather [hbm4b:s13+s14], $0x0, s29, s14, $0x38;
	[tilespmem:$0x10A80] =	vst v63  }
0x63: {  	v3 =	vsel vm8, $0x0, v2;
	v50, _, _ =	vpop (xrf0);
	s20 =	spop (v2sf);
	s15 =	sand.u32 $0x1FFFFFF0, s18  }
0x64: {  	v3 =	vxor.u32 $0x80000000, v3;
	(v2sf) =	vpush v50, $0xF;
	[tilespmem:s19], [sflag:$0x1] =	stream.linear.gather [hbm4b:s13+s2], $0x40, $0x38;
	[tilespmem:$0x10A80] =	vst v63  }
0x65: {  	(xrf0) =	vmax.scan.msk.u32 $0xffff, v3;
	s21 =	sshll.u32 s20, $0x4;
	s22 =	simm.s32 $0x640;
	s15 =	sadd.s32 s5, s15  }
0x66: {  	[tilespmem:s22], [sflag:$0x1] =	stream.strided.gather [hbm4b:s15+s14], $0x0, s29, s14, $0x38;
	[tilespmem:$0x10A80] =	vst v63  }
0x67: {  	v3 =	vsel vm8, $0x0, v1;
	v51, _, _ =	vpop (xrf0);
	s23 =	spop (v2sf);
	s13 =	sand.u32 $0x1FFFFFF0, s21  }
0x68: {  	v3 =	vxor.u32 $0x80000000, v3;
	(v2sf) =	vpush v51, $0xF;
	[tilespmem:s22], [sflag:$0x1] =	stream.linear.gather [hbm4b:s15+s2], $0x40, $0x38;
	[tilespmem:$0x10A80] =	vst v63  }
0x69: {  	(xrf0) =	vmax.scan.msk.u32 $0xffff, v3;
	s18 =	sshll.u32 s23, $0x4;
	s19 =	simm.s32 $0x680;
	s13 =	sadd.s32 s4, s13  }
0x6a: {  	[tilespmem:s19], [sflag:$0x1] =	stream.strided.gather [hbm4b:s13+s14], $0x0, s29, s14, $0x38;
	[tilespmem:$0x10A80] =	vst v63  }
0x6b: {  	v3 =	vsel vm9, $0x0, v2;
	v52, _, _ =	vpop (xrf0);
	s20 =	spop (v2sf);
	s15 =	sand.u32 $0x1FFFFFF0, s18  }
0x6c: {  	v3 =	vxor.u32 $0x80000000, v3;
	(v2sf) =	vpush v52, $0xF;
	[tilespmem:s19], [sflag:$0x1] =	stream.linear.gather [hbm4b:s13+s2], $0x40, $0x38;
	[tilespmem:$0x10A80] =	vst v63  }
0x6d: {  	(xrf0) =	vmax.scan.msk.u32 $0xffff, v3;
	s21 =	sshll.u32 s20, $0x4;
	s22 =	simm.s32 $0x6C0;
	s15 =	sadd.s32 s5, s15  }
0x6e: {  	[tilespmem:s22], [sflag:$0x1] =	stream.strided.gather [hbm4b:s15+s14], $0x0, s29, s14, $0x38;
	[tilespmem:$0x10A80] =	vst v63  }
0x6f: {  	v3 =	vsel vm9, $0x0, v1;
	v53, _, _ =	vpop (xrf0);
	s23 =	spop (v2sf);
	s13 =	sand.u32 $0x1FFFFFF0, s21  }
0x70: {  	v3 =	vxor.u32 $0x80000000, v3;
	(v2sf) =	vpush v53, $0xF;
	[tilespmem:s22], [sflag:$0x1] =	stream.linear.gather [hbm4b:s15+s2], $0x40, $0x38;
	[tilespmem:$0x10A80] =	vst v63  }
0x71: {  	(xrf0) =	vmax.scan.msk.u32 $0xffff, v3;
	s18 =	sshll.u32 s23, $0x4;
	s19 =	simm.s32 $0x700;
	s13 =	sadd.s32 s4, s13  }
0x72: {  	[tilespmem:s19], [sflag:$0x1] =	stream.strided.gather [hbm4b:s13+s14], $0x0, s29, s14, $0x38;
	[tilespmem:$0x10A80] =	vst v63  }
0x73: {  	v3 =	vsel vm10, $0x0, v2;
	v54, _, _ =	vpop (xrf0);
	s20 =	spop (v2sf);
	s15 =	sand.u32 $0x1FFFFFF0, s18  }
0x74: {  	v3 =	vxor.u32 $0x80000000, v3;
	(v2sf) =	vpush v54, $0xF;
	[tilespmem:s19], [sflag:$0x1] =	stream.linear.gather [hbm4b:s13+s2], $0x40, $0x38;
	[tilespmem:$0x10A80] =	vst v63  }
0x75: {  	(xrf0) =	vmax.scan.msk.u32 $0xffff, v3;
	s21 =	sshll.u32 s20, $0x4;
	s22 =	simm.s32 $0x740;
	s15 =	sadd.s32 s5, s15  }
0x76: {  	[tilespmem:s22], [sflag:$0x1] =	stream.strided.gather [hbm4b:s15+s14], $0x0, s29, s14, $0x38;
	[tilespmem:$0x10A80] =	vst v63  }
0x77: {  	v3 =	vsel vm10, $0x0, v1;
	v55, _, _ =	vpop (xrf0);
	s23 =	spop (v2sf);
	s13 =	sand.u32 $0x1FFFFFF0, s21  }
0x78: {  	v3 =	vxor.u32 $0x80000000, v3;
	(v2sf) =	vpush v55, $0xF;
	[tilespmem:s22], [sflag:$0x1] =	stream.linear.gather [hbm4b:s15+s2], $0x40, $0x38;
	[tilespmem:$0x10A80] =	vst v63  }
0x79: {  	(xrf0) =	vmax.scan.msk.u32 $0xffff, v3;
	s18 =	sshll.u32 s23, $0x4;
	s19 =	simm.s32 $0x780;
	s13 =	sadd.s32 s4, s13  }
0x7a: {  	[tilespmem:s19], [sflag:$0x1] =	stream.strided.gather [hbm4b:s13+s14], $0x0, s29, s14, $0x38;
	[tilespmem:$0x10A80] =	vst v63  }
0x7b: {  	v3 =	vsel vm11, $0x0, v2;
	v56, _, _ =	vpop (xrf0);
	s20 =	spop (v2sf);
	s15 =	sand.u32 $0x1FFFFFF0, s18  }
0x7c: {  	v3 =	vxor.u32 $0x80000000, v3;
	(v2sf) =	vpush v56, $0xF;
	[tilespmem:s19], [sflag:$0x1] =	stream.linear.gather [hbm4b:s13+s2], $0x40, $0x38;
	[tilespmem:$0x10A80] =	vst v63  }
0x7d: {  	(xrf0) =	vmax.scan.msk.u32 $0xffff, v3;
	s21 =	sshll.u32 s20, $0x4;
	s22 =	simm.s32 $0x7C0;
	s15 =	sadd.s32 s5, s15  }
0x7e: {  	[tilespmem:s22], [sflag:$0x1] =	stream.strided.gather [hbm4b:s15+s14], $0x0, s29, s14, $0x38;
	[tilespmem:$0x10A80] =	vst v63  }
0x7f: {  	v3 =	vsel vm11, $0x0, v1;
	v57, _, _ =	vpop (xrf0);
	s23 =	spop (v2sf);
	s13 =	sand.u32 $0x1FFFFFF0, s21  }
0x80: {  	v3 =	vxor.u32 $0x80000000, v3;
	(v2sf) =	vpush v57, $0xF;
	[tilespmem:s22], [sflag:$0x1] =	stream.linear.gather [hbm4b:s15+s2], $0x40, $0x38;
	[tilespmem:$0x10A80] =	vst v63  }
0x81: {  	(xrf0) =	vmax.scan.msk.u32 $0xffff, v3;
	s18 =	sshll.u32 s23, $0x4;
	s19 =	simm.s32 $0x800;
	s13 =	sadd.s32 s4, s13  }
0x82: {  	[tilespmem:s19], [sflag:$0x1] =	stream.strided.gather [hbm4b:s13+s14], $0x0, s29, s14, $0x38;
	[tilespmem:$0x10A80] =	vst v63  }
0x83: {  	v3 =	vsel vm12, $0x0, v2;
	v58, _, _ =	vpop (xrf0);
	s20 =	spop (v2sf);
	s15 =	sand.u32 $0x1FFFFFF0, s18  }
0x84: {  	v3 =	vxor.u32 $0x80000000, v3;
	(v2sf) =	vpush v58, $0xF;
	[tilespmem:s19], [sflag:$0x1] =	stream.linear.gather [hbm4b:s13+s2], $0x40, $0x38;
	[tilespmem:$0x10A80] =	vst v63  }
0x85: {  	(xrf0) =	vmax.scan.msk.u32 $0xffff, v3;
	s21 =	sshll.u32 s20, $0x4;
	s22 =	simm.s32 $0x840;
	s15 =	sadd.s32 s5, s15  }
0x86: {  	[tilespmem:s22], [sflag:$0x1] =	stream.strided.gather [hbm4b:s15+s14], $0x0, s29, s14, $0x38;
	[tilespmem:$0x10A80] =	vst v63  }
0x87: {  	v3 =	vsel vm12, $0x0, v1;
	v59, _, _ =	vpop (xrf0);
	s23 =	spop (v2sf);
	s13 =	sand.u32 $0x1FFFFFF0, s21  }
0x88: {  	v3 =	vxor.u32 $0x80000000, v3;
	(v2sf) =	vpush v59, $0xF;
	[tilespmem:s22], [sflag:$0x1] =	stream.linear.gather [hbm4b:s15+s2], $0x40, $0x38;
	[tilespmem:$0x10A80] =	vst v63  }
0x89: {  	(xrf0) =	vmax.scan.msk.u32 $0xffff, v3;
	s18 =	sshll.u32 s23, $0x4;
	s19 =	simm.s32 $0x880;
	s13 =	sadd.s32 s4, s13  }
0x8a: {  	[tilespmem:s19], [sflag:$0x1] =	stream.strided.gather [hbm4b:s13+s14], $0x0, s29, s14, $0x38;
	[tilespmem:$0x10A80] =	vst v63  }
0x8b: {  	v3 =	vsel vm13, $0x0, v2;
	v60, _, _ =	vpop (xrf0);
	s20 =	spop (v2sf);
	s15 =	sand.u32 $0x1FFFFFF0, s18  }
0x8c: {  	v3 =	vxor.u32 $0x80000000, v3;
	(v2sf) =	vpush v60, $0xF;
	[tilespmem:s19], [sflag:$0x1] =	stream.linear.gather [hbm4b:s13+s2], $0x40, $0x38;
	[tilespmem:$0x10A80] =	vst v63  }
0x8d: {  	(xrf0) =	vmax.scan.msk.u32 $0xffff, v3;
	s21 =	sshll.u32 s20, $0x4;
	s22 =	simm.s32 $0x8C0;
	s15 =	sadd.s32 s5, s15  }
0x8e: {  	[tilespmem:s22], [sflag:$0x1] =	stream.strided.gather [hbm4b:s15+s14], $0x0, s29, s14, $0x38;
	[tilespmem:$0x10A80] =	vst v63  }
0x8f: {  	v3 =	vsel vm13, $0x0, v1;
	v61, _, _ =	vpop (xrf0);
	s23 =	spop (v2sf);
	s13 =	sand.u32 $0x1FFFFFF0, s21  }
0x90: {  	v3 =	vxor.u32 $0x80000000, v3;
	(v2sf) =	vpush v61, $0xF;
	[tilespmem:s22], [sflag:$0x1] =	stream.linear.gather [hbm4b:s15+s2], $0x40, $0x38;
	[tilespmem:$0x10A80] =	vst v63  }
0x91: {  	(xrf0) =	vmax.scan.msk.u32 $0xffff, v3;
	s18 =	sshll.u32 s23, $0x4;
	s19 =	simm.s32 $0x900;
	s13 =	sadd.s32 s4, s13  }
0x92: {  	[tilespmem:s19], [sflag:$0x1] =	stream.strided.gather [hbm4b:s13+s14], $0x0, s29, s14, $0x38;
	[tilespmem:$0x10A80] =	vst v63  }
0x93: {  	v3 =	vsel vm14, $0x0, v2;
	v62, _, _ =	vpop (xrf0);
	s20 =	spop (v2sf);
	s15 =	sand.u32 $0x1FFFFFF0, s18  }
0x94: {  	v3 =	vxor.u32 $0x80000000, v3;
	(v2sf) =	vpush v62, $0xF;
	[tilespmem:s19], [sflag:$0x1] =	stream.linear.gather [hbm4b:s13+s2], $0x40, $0x38;
	[tilespmem:$0x10A80] =	vst v63  }
0x95: {  	(xrf0) =	vmax.scan.msk.u32 $0xffff, v3;
	s21 =	sshll.u32 s20, $0x4;
	s22 =	simm.s32 $0x940;
	s15 =	sadd.s32 s5, s15  }
0x96: {  	[tilespmem:s22], [sflag:$0x1] =	stream.strided.gather [hbm4b:s15+s14], $0x0, s29, s14, $0x38;
	[tilespmem:$0x10A80] =	vst v63  }
0x97: {  	v3 =	vsel vm14, $0x0, v1;
	v63, _, _ =	vpop (xrf0);
	s23 =	spop (v2sf);
	s13 =	sand.u32 $0x1FFFFFF0, s21  }
0x98: {  	v3 =	vxor.u32 $0x80000000, v3;
	(v2sf) =	vpush v63, $0xF;
	[tilespmem:s22], [sflag:$0x1] =	stream.linear.gather [hbm4b:s15+s2], $0x40, $0x38;
	[tilespmem:$0x10A80] =	vst v63  }
0x99: {  	(xrf0) =	vmax.scan.msk.u32 $0xffff, v3;
	s18 =	sshll.u32 s23, $0x4;
	s19 =	simm.s32 $0x980;
	s13 =	sadd.s32 s4, s13  }
0x9a: {  	[tilespmem:s19], [sflag:$0x1] =	stream.strided.gather [hbm4b:s13+s14], $0x0, s29, s14, $0x38;
	[tilespmem:$0x10A80] =	vst v63  }
0x9b: {  	v2 =	vsel vm15, $0x0, v2;
	v3, _, _ =	vpop (xrf0);
	s20 =	spop (v2sf);
	s15 =	sand.u32 $0x1FFFFFF0, s18  }
0x9c: {  	v2 =	vxor.u32 $0x80000000, v2;
	(v2sf) =	vpush v3, $0xF;
	[tilespmem:s19], [sflag:$0x1] =	stream.linear.gather [hbm4b:s13+s2], $0x40, $0x38;
	[tilespmem:$0x10A80] =	vst v63  }
0x9d: {  	(xrf0) =	vmax.scan.msk.u32 $0xffff, v2;
	s21 =	sshll.u32 s20, $0x4;
	s22 =	simm.s32 $0x9C0;
	s15 =	sadd.s32 s5, s15  }
0x9e: {  	[tilespmem:s22], [sflag:$0x1] =	stream.strided.gather [hbm4b:s15+s14], $0x0, s29, s14, $0x38;
	[tilespmem:$0x10A80] =	vst v63  }
0x9f: {  	v1 =	vsel vm15, $0x0, v1;
	v2, _, _ =	vpop (xrf0);
	s23 =	spop (v2sf);
	s13 =	sand.u32 $0x1FFFFFF0, s21  }
0xa0: {  	v1 =	vxor.u32 $0x80000000, v1;
	(v2sf) =	vpush v2, $0xF;
	[tilespmem:s22], [sflag:$0x1] =	stream.linear.gather [hbm4b:s15+s2], $0x40, $0x38;
	[tilespmem:$0x10A80] =	vst v63  }
0xa1: {  	(xrf0) =	vmax.scan.msk.u32 $0xffff, v1;
	s18 =	sshll.u32 s23, $0x4;
	s19 =	simm.s32 $0xA00;
	s13 =	sadd.s32 s4, s13  }
0xa2: {  	[tilespmem:s19], [sflag:$0x1] =	stream.strided.gather [hbm4b:s13+s14], $0x0, s29, s14, $0x38;
	[tilespmem:$0x10A80] =	vst v63  }
0xa3: {  	v1, _, _ =	vpop (xrf0);
	s20 =	spop (v2sf);
	s15 =	sand.u32 $0x1FFFFFF0, s18  }
0xa4: {  	(v2sf) =	vpush v1, $0xF;
	[tilespmem:s19], [sflag:$0x1] =	stream.linear.gather [hbm4b:s13+s2], $0x40, $0x38;
	[tilespmem:$0x10A80] =	vst v63  }
0xa5: {  	s21 =	sshll.u32 s20, $0x4;
	s22 =	simm.s32 $0xA40;
	s15 =	sadd.s32 s5, s15  }
0xa6: {  	[tilespmem:s22], [sflag:$0x1] =	stream.strided.gather [hbm4b:s15+s14], $0x0, s29, s14, $0x38;
	[tilespmem:$0x10A80] =	vst v63  }
0xa7: {  	v1, _, _ =	vpop (xrf0);
	s23 =	spop (v2sf);
	s13 =	sand.u32 $0x1FFFFFF0, s21  }
0xa8: {  	(v2sf) =	vpush v1, $0xF;
	[tilespmem:s22], [sflag:$0x1] =	stream.linear.gather [hbm4b:s15+s2], $0x40, $0x38;
	[tilespmem:$0x10A80] =	vst v63  }
0xa9: {  	s18 =	sshll.u32 s23, $0x4;
	s19 =	simm.s32 $0xA80;
	s13 =	sadd.s32 s4, s13  }
0xaa: {  	[tilespmem:s19], [sflag:$0x1] =	stream.strided.gather [hbm4b:s13+s14], $0x0, s29, s14, $0x38;
	[tilespmem:$0x10A80] =	vst v63  }
0xab: {  	s20 =	spop (v2sf);
	s15 =	sand.u32 $0x1FFFFFF0, s18  }
0xac: {  	[tilespmem:s19], [sflag:$0x1] =	stream.linear.gather [hbm4b:s13+s2], $0x40, $0x38;
	[tilespmem:$0x10A80] =	vst v63  }
0xad: {  	s21 =	sshll.u32 s20, $0x4;
	s22 =	simm.s32 $0xAC0;
	s15 =	sadd.s32 s5, s15  }
0xae: {  	[tilespmem:s22], [sflag:$0x1] =	stream.strided.gather [hbm4b:s15+s14], $0x0, s29, s14, $0x38;
	[tilespmem:$0x10A80] =	vst v63  }
0xaf: {  	s23 =	spop (v2sf);
	s13 =	sand.u32 $0x1FFFFFF0, s21  }
0xb0: {  	[tilespmem:s22], [sflag:$0x1] =	stream.linear.gather [hbm4b:s15+s2], $0x40, $0x38;
	[tilespmem:$0x10A80] =	vst v63  }
0xb1: {  	s17 =	sshll.u32 s23, $0x4;
	s18 =	simm.s32 $0xB00;
	s13 =	sadd.s32 s4, s13  }
0xb2: {  	[tilespmem:s18], [sflag:$0x1] =	stream.strided.gather [hbm4b:s13+s14], $0x0, s29, s14, $0x38;
	[tilespmem:$0x10A80] =	vst v63  }
0xb3: {  	s19 =	spop (v2sf);
	s15 =	sand.u32 $0x1FFFFFF0, s17  }
0xb4: {  	[tilespmem:s18], [sflag:$0x1] =	stream.linear.gather [hbm4b:s13+s2], $0x40, $0x38;
	[tilespmem:$0x10A80] =	vst v63  }
0xb5: {  	s21 =	simm.s32 $0xB40;
	s20 =	sshll.u32 s19, $0x4;
	s15 =	sadd.s32 s5, s15  }
0xb6: {  	[tilespmem:s21], [sflag:$0x1] =	stream.strided.gather [hbm4b:s15+s14], $0x0, s29, s14, $0x38;
	[tilespmem:$0x10A80] =	vst v63  }
0xb7: {  	s22 =	spop (v2sf);
	s13 =	sand.u32 $0x1FFFFFF0, s20  }
0xb8: {  	[tilespmem:s21], [sflag:$0x1] =	stream.linear.gather [hbm4b:s15+s2], $0x40, $0x38;
	[tilespmem:$0x10A80] =	vst v63  }
0xb9: {  	s23 =	simm.s32 $0xB80;
	s13 =	sadd.s32 s4, s13;
	s15 =	sshll.u32 s22, $0x4  }
0xba: {  	[tilespmem:s23], [sflag:$0x1] =	stream.strided.gather [hbm4b:s13+s14], $0x0, s29, s14, $0x38;
	[tilespmem:$0x10A80] =	vst v63  }
0xbb: {  	s17 =	simm.s32 $0xBC0;
	s15 =	sand.u32 $0x1FFFFFF0, s15  }
0xbc: {  	[tilespmem:s23], [sflag:$0x1] =	stream.linear.gather [hbm4b:s13+s2], $0x40, $0x38;
	[tilespmem:$0x10A80] =	vst v63  }
0xbd: {  	s18 =	sadd.s32 s5, s15;
	s15 =	simm.s32 $0x0;
	s13 =	simm.s32 $0x2000  }
.LBB2_2:
0xbe: {  	p0 =	sne.s32 s13, $0x3E000;
	s15 =	sadd.s32 $0x10, s15;
	s3 =	sadd.s32 $0x10, s3  }
0xbf: {  	[tilespmem:s17], [sflag:$0x1] =	stream.strided.gather [hbm4b:s18+s14], $0x0, s29, s14, $0x38;
	[tilespmem:$0x10A80] =	vst v63  }
0xc0: {  	s16 =	smov.u32 s13;
	s13 =	sadd.s32 $0x2000, s13  }
0xc1: {  	[tilespmem:s17], [sflag:$0x1] =	stream.linear.gather [hbm4b:s18+s2], $0x40, $0x38;
	[tilespmem:$0x10A80] =	vst v63  }
0xc2: {  	v1 =	vld [tilespmem:s15+$0x0];
	_ =	sdelay $0x1  }
0xc3: {  	v2 =	vld [tilespmem:s3+$0x0];
	_ =	sdelay $0x2  }
0xc4: {  	v3 =	vnsel vm0, $0x0, v1;
	v4 =	vsel vm1, $0x0, v1;
	v5 =	vsel vm2, $0x0, v1  }
0xc5: {  	v3 =	vxor.u32 $0x80000000, v3;
	v4 =	vxor.u32 $0x80000000, v4;
	v5 =	vxor.u32 $0x80000000, v5  }
0xc6: {  	v6 =	vnsel vm0, $0x0, v2;
	v7 =	vsel vm1, $0x0, v2;
	v8 =	vsel vm2, $0x0, v2;
	(xrf0) =	vmax.scan.msk.u32 $0xffff, v3  }
0xc7: {  	v3 =	vxor.u32 $0x80000000, v6;
	v6 =	vxor.u32 $0x80000000, v7;
	v7 =	vxor.u32 $0x80000000, v8;
	(xrf0) =	vmax.scan.msk.u32 $0xffff, v4  }
0xc8: {  	v9 =	vsel vm4, $0x0, v1;
	v4 =	vsel vm3, $0x0, v1;
	v8 =	vsel vm3, $0x0, v2;
	(xrf0) =	vmax.scan.msk.u32 $0xffff, v3  }
0xc9: {  	v3 =	vxor.u32 $0x80000000, v4;
	v4 =	vxor.u32 $0x80000000, v8;
	v8 =	vxor.u32 $0x80000000, v9;
	(xrf0) =	vmax.scan.msk.u32 $0xffff, v6  }
0xca: {  	v10 =	vsel vm5, $0x0, v2;
	v9 =	vsel vm5, $0x0, v1;
	v6 =	vsel vm4, $0x0, v2;
	(xrf0) =	vmax.scan.msk.u32 $0xffff, v5  }
0xcb: {  	v5 =	vxor.u32 $0x80000000, v6;
	v6 =	vxor.u32 $0x80000000, v9;
	v9 =	vxor.u32 $0x80000000, v10;
	(xrf0) =	vmax.scan.msk.u32 $0xffff, v7  }
0xcc: {  	v11 =	vsel vm7, $0x0, v1;
	v13 =	vsel vm6, $0x0, v2;
	v7 =	vsel vm6, $0x0, v1;
	v12, _, _ =	vpop (xrf0);
	(xrf0) =	vmax.scan.msk.u32 $0xffff, v3  }
0xcd: {  	v3 =	vxor.u32 $0x80000000, v7;
	v7 =	vxor.u32 $0x80000000, v13;
	(v2sf) =	vpush v12, $0xF;
	v10, _, _ =	vpop (xrf0);
	(xrf0) =	vmax.scan.msk.u32 $0xffff, v4  }
0xce: {  	v14 =	vsel vm7, $0x0, v2;
	v4 =	vxor.u32 $0x80000000, v11;
	v12, _, _ =	vpop (xrf0);
	(v2sf) =	vpush v10, $0xF;
	(xrf0) =	vmax.scan.msk.u32 $0xffff, v8  }
0xcf: {  	v8 =	vxor.u32 $0x80000000, v14;
	v10 =	vsel vm8, $0x0, v1;
	(v2sf) =	vpush v12, $0xF;
	v11, _, _ =	vpop (xrf0);
	(xrf0) =	vmax.scan.msk.u32 $0xffff, v5  }
0xd0: {  	v5 =	vxor.u32 $0x80000000, v10;
	v10 =	vsel vm8, $0x0, v2;
	v12 =	vsel vm9, $0x0, v1;
	v13, _, _ =	vpop (xrf0);
	(xrf0) =	vmax.scan.msk.u32 $0xffff, v6  }
0xd1: {  	v6 =	vxor.u32 $0x80000000, v10;
	v10 =	vxor.u32 $0x80000000, v12;
	(v2sf) =	vpush v11, $0xF;
	v11, _, _ =	vpop (xrf0);
	(xrf0) =	vmax.scan.msk.u32 $0xffff, v9  }
0xd2: {  	v16 =	vsel vm10, $0x0, v1;
	v14 =	vsel vm10, $0x0, v2;
	v9 =	vsel vm9, $0x0, v2;
	v15, _, _ =	vpop (xrf0);
	(xrf0) =	vmax.scan.msk.u32 $0xffff, v3  }
0xd3: {  	v3 =	vxor.u32 $0x80000000, v9;
	v9 =	vxor.u32 $0x80000000, v16;
	(v2sf) =	vpush v13, $0xF;
	v12, _, _ =	vpop (xrf0);
	(xrf0) =	vmax.scan.msk.u32 $0xffff, v7  }
0xd4: {  	v7 =	vxor.u32 $0x80000000, v14;
	v13 =	vsel vm11, $0x0, v1;
	v14 =	vsel vm11, $0x0, v2;
	v19, _, _ =	vpop (xrf0);
	(xrf0) =	vmax.scan.msk.u32 $0xffff, v4  }
0xd5: {  	v4 =	vxor.u32 $0x80000000, v13;
	v13 =	vxor.u32 $0x80000000, v14;
	v14 =	vsel vm12, $0x0, v1;
	v20, _, _ =	vpop (xrf0);
	(xrf0) =	vmax.scan.msk.u32 $0xffff, v8  }
0xd6: {  	v16 =	vsel vm13, $0x0, v1;
	v8 =	vxor.u32 $0x80000000, v14;
	v14 =	vsel vm12, $0x0, v2;
	v21, _, _ =	vpop (xrf0);
	(xrf0) =	vmax.scan.msk.u32 $0xffff, v5  }
0xd7: {  	v22 =	vxor.u32 $0x80000000, v16;
	v5 =	vxor.u32 $0x80000000, v14;
	(v2sf) =	vpush v11, $0xF;
	v23, _, _ =	vpop (xrf0);
	(xrf0) =	vmax.scan.msk.u32 $0xffff, v6  }
0xd8: {  	v14 =	vsel vm14, $0x0, v2;
	v6 =	vsel vm13, $0x0, v2;
	v11 =	vsel vm14, $0x0, v1;
	v24, _, _ =	vpop (xrf0);
	(xrf0) =	vmax.scan.msk.u32 $0xffff, v10  }
0xd9: {  	v26 =	vxor.u32 $0x80000000, v14;
	v6 =	vxor.u32 $0x80000000, v6;
	v25 =	vxor.u32 $0x80000000, v11;
	v27, _, _ =	vpop (xrf0);
	(xrf0) =	vmax.scan.msk.u32 $0xffff, v3  }
0xda: {  	v1 =	vsel vm15, $0x0, v1;
	v2 =	vsel vm15, $0x0, v2;
	v18, _, _ =	vpop (xrf0);
	(xrf0) =	vmax.scan.msk.u32 $0xffff, v9  }
0xdb: {  	v1 =	vxor.u32 $0x80000000, v1;
	v2 =	vxor.u32 $0x80000000, v2;
	(v2sf) =	vpush v15, $0xF;
	v17, _, _ =	vpop (xrf0);
	(xrf0) =	vmax.scan.msk.u32 $0xffff, v7  }
0xdc: {  	s17 =	spop (v2sf);
	v16, _, _ =	vpop (xrf0);
	(xrf0) =	vmax.scan.msk.u32 $0xffff, v4  }
0xdd: {  	s16 =	sshra.s32 s16, $0x2;
	s17 =	sshll.u32 s17, $0x4;
	s18 =	spop (v2sf);
	v15, _, _ =	vpop (xrf0);
	(xrf0) =	vmax.scan.msk.u32 $0xffff, v13  }
0xde: {  	s17 =	sand.u32 $0x1FFFFFF0, s17;
	s18 =	sshll.u32 s18, $0x4;
	s19 =	spop (v2sf);
	v14, _, _ =	vpop (xrf0);
	(xrf0) =	vmax.scan.msk.u32 $0xffff, v8  }
0xdf: {  	s20 =	sadd.s32 s4, s17;
	s17 =	sshll.u32 s19, $0x4;
	s18 =	sand.u32 $0x1FFFFFF0, s18;
	(v2sf) =	vpush v12, $0xF;
	v13, _, _ =	vpop (xrf0);
	(xrf0) =	vmax.scan.msk.u32 $0xffff, v5  }
0xe0: {  	s19 =	sadd.s32 $0x400, s16;
	s21 =	sand.u32 $0x1FFFFFF0, s17;
	s17 =	spop (v2sf);
	v12, _, _ =	vpop (xrf0);
	(xrf0) =	vmax.scan.msk.u32 $0xffff, v22  }
0xe1: {  	[tilespmem:s19], [sflag:$0x1] =	stream.strided.gather [hbm4b:s20+s14], $0x0, s29, s14, $0x38;
	[tilespmem:$0x10A80] =	vst v63  }
0xe2: {  	v11, _, _ =	vpop (xrf0);
	(xrf0) =	vmax.scan.msk.u32 $0xffff, v6  }
0xe3: {  	s22 =	sshll.u32 s17, $0x4;
	s17 =	sadd.s32 $0xBC0, s16;
	s23 =	spop (v2sf);
	v10, _, _ =	vpop (xrf0);
	(xrf0) =	vmax.scan.msk.u32 $0xffff, v25  }
0xe4: {  	[tilespmem:s19], [sflag:$0x1] =	stream.linear.gather [hbm4b:s20+s2], $0x40, $0x38;
	[tilespmem:$0x10A80] =	vst v63  }
0xe5: {  	(v2sf) =	vpush v19, $0xF;
	v9, _, _ =	vpop (xrf0);
	(xrf0) =	vmax.scan.msk.u32 $0xffff, v26  }
0xe6: {  	s19 =	sadd.s32 $0x440, s16;
	s20 =	sadd.s32 s5, s21;
	s21 =	sand.u32 $0x1FFFFFF0, s22;
	v8, _, _ =	vpop (xrf0);
	(xrf0) =	vmax.scan.msk.u32 $0xffff, v1  }
0xe7: {  	[tilespmem:s19], [sflag:$0x1] =	stream.strided.gather [hbm4b:s20+s14], $0x0, s29, s14, $0x38;
	[tilespmem:$0x10A80] =	vst v63  }
0xe8: {  	v7, _, _ =	vpop (xrf0);
	(xrf0) =	vmax.scan.msk.u32 $0xffff, v2  }
0xe9: {  	s22 =	sshll.u32 s23, $0x4;
	s23 =	spop (v2sf);
	v6, _, _ =	vpop (xrf0)  }
0xea: {  	[tilespmem:s19], [sflag:$0x1] =	stream.linear.gather [hbm4b:s20+s2], $0x40, $0x38;
	(v2sf) =	vpush v20, $0xF;
	v5, _, _ =	vpop (xrf0);
	[tilespmem:$0x10A80] =	vst v63  }
0xeb: {  	s18 =	sadd.s32 s4, s18;
	s19 =	sadd.s32 $0x480, s16;
	s20 =	sand.u32 $0x1FFFFFF0, s22;
	v4, _, _ =	vpop (xrf0)  }
0xec: {  	[tilespmem:s19], [sflag:$0x1] =	stream.strided.gather [hbm4b:s18+s14], $0x0, s29, s14, $0x38;
	v3, _, _ =	vpop (xrf0);
	[tilespmem:$0x10A80] =	vst v63  }
0xed: {  	s22 =	sshll.u32 s23, $0x4;
	s23 =	spop (v2sf);
	v2, _, _ =	vpop (xrf0)  }
0xee: {  	[tilespmem:s19], [sflag:$0x1] =	stream.linear.gather [hbm4b:s18+s2], $0x40, $0x38;
	(v2sf) =	vpush v21, $0xF;
	v1, _, _ =	vpop (xrf0);
	[tilespmem:$0x10A80] =	vst v63  }
0xef: {  	s18 =	sadd.s32 $0x4C0, s16;
	s19 =	sadd.s32 s5, s21;
	s21 =	sand.u32 $0x1FFFFFF0, s22  }
0xf0: {  	[tilespmem:s18], [sflag:$0x1] =	stream.strided.gather [hbm4b:s19+s14], $0x0, s29, s14, $0x38;
	[tilespmem:$0x10A80] =	vst v63  }
0xf1: {  	s22 =	sshll.u32 s23, $0x4;
	s23 =	spop (v2sf)  }
0xf2: {  	[tilespmem:s18], [sflag:$0x1] =	stream.linear.gather [hbm4b:s19+s2], $0x40, $0x38;
	(v2sf) =	vpush v23, $0xF;
	[tilespmem:$0x10A80] =	vst v63  }
0xf3: {  	s18 =	sadd.s32 $0x500, s16;
	s19 =	sadd.s32 s4, s20;
	s20 =	sand.u32 $0x1FFFFFF0, s22  }
0xf4: {  	[tilespmem:s18], [sflag:$0x1] =	stream.strided.gather [hbm4b:s19+s14], $0x0, s29, s14, $0x38;
	[tilespmem:$0x10A80] =	vst v63  }
0xf5: {  	s22 =	sshll.u32 s23, $0x4;
	s23 =	spop (v2sf)  }
0xf6: {  	[tilespmem:s18], [sflag:$0x1] =	stream.linear.gather [hbm4b:s19+s2], $0x40, $0x38;
	(v2sf) =	vpush v24, $0xF;
	[tilespmem:$0x10A80] =	vst v63  }
0xf7: {  	s18 =	sadd.s32 $0x540, s16;
	s19 =	sadd.s32 s5, s21;
	s21 =	sand.u32 $0x1FFFFFF0, s22  }
0xf8: {  	[tilespmem:s18], [sflag:$0x1] =	stream.strided.gather [hbm4b:s19+s14], $0x0, s29, s14, $0x38;
	[tilespmem:$0x10A80] =	vst v63  }
0xf9: {  	s22 =	sshll.u32 s23, $0x4;
	s23 =	spop (v2sf)  }
0xfa: {  	[tilespmem:s18], [sflag:$0x1] =	stream.linear.gather [hbm4b:s19+s2], $0x40, $0x38;
	(v2sf) =	vpush v27, $0xF;
	[tilespmem:$0x10A80] =	vst v63  }
0xfb: {  	s18 =	sadd.s32 $0x580, s16;
	s19 =	sadd.s32 s4, s20;
	s20 =	sand.u32 $0x1FFFFFF0, s22  }
0xfc: {  	[tilespmem:s18], [sflag:$0x1] =	stream.strided.gather [hbm4b:s19+s14], $0x0, s29, s14, $0x38;
	[tilespmem:$0x10A80] =	vst v63  }
0xfd: {  	s22 =	sshll.u32 s23, $0x4;
	s23 =	spop (v2sf)  }
0xfe: {  	[tilespmem:s18], [sflag:$0x1] =	stream.linear.gather [hbm4b:s19+s2], $0x40, $0x38;
	(v2sf) =	vpush v18, $0xF;
	[tilespmem:$0x10A80] =	vst v63  }
0xff: {  	s18 =	sadd.s32 $0x5C0, s16;
	s19 =	sadd.s32 s5, s21;
	s21 =	sand.u32 $0x1FFFFFF0, s22  }
0x100: {  	[tilespmem:s18], [sflag:$0x1] =	stream.strided.gather [hbm4b:s19+s14], $0x0, s29, s14, $0x38;
	[tilespmem:$0x10A80] =	vst v63  }
0x101: {  	s22 =	sshll.u32 s23, $0x4;
	s23 =	spop (v2sf)  }
0x102: {  	[tilespmem:s18], [sflag:$0x1] =	stream.linear.gather [hbm4b:s19+s2], $0x40, $0x38;
	(v2sf) =	vpush v17, $0xF;
	[tilespmem:$0x10A80] =	vst v63  }
0x103: {  	s18 =	sadd.s32 $0x600, s16;
	s19 =	sadd.s32 s4, s20;
	s20 =	sand.u32 $0x1FFFFFF0, s22  }
0x104: {  	[tilespmem:s18], [sflag:$0x1] =	stream.strided.gather [hbm4b:s19+s14], $0x0, s29, s14, $0x38;
	[tilespmem:$0x10A80] =	vst v63  }
0x105: {  	s22 =	sshll.u32 s23, $0x4;
	s23 =	spop (v2sf)  }
0x106: {  	[tilespmem:s18], [sflag:$0x1] =	stream.linear.gather [hbm4b:s19+s2], $0x40, $0x38;
	(v2sf) =	vpush v16, $0xF;
	[tilespmem:$0x10A80] =	vst v63  }
0x107: {  	s18 =	sadd.s32 $0x640, s16;
	s19 =	sadd.s32 s5, s21;
	s21 =	sand.u32 $0x1FFFFFF0, s22  }
0x108: {  	[tilespmem:s18], [sflag:$0x1] =	stream.strided.gather [hbm4b:s19+s14], $0x0, s29, s14, $0x38;
	[tilespmem:$0x10A80] =	vst v63  }
0x109: {  	s22 =	sshll.u32 s23, $0x4;
	s23 =	spop (v2sf)  }
0x10a: {  	[tilespmem:s18], [sflag:$0x1] =	stream.linear.gather [hbm4b:s19+s2], $0x40, $0x38;
	(v2sf) =	vpush v15, $0xF;
	[tilespmem:$0x10A80] =	vst v63  }
0x10b: {  	s18 =	sadd.s32 $0x680, s16;
	s19 =	sadd.s32 s4, s20;
	s20 =	sand.u32 $0x1FFFFFF0, s22  }
0x10c: {  	[tilespmem:s18], [sflag:$0x1] =	stream.strided.gather [hbm4b:s19+s14], $0x0, s29, s14, $0x38;
	[tilespmem:$0x10A80] =	vst v63  }
0x10d: {  	s22 =	sshll.u32 s23, $0x4;
	s23 =	spop (v2sf)  }
0x10e: {  	[tilespmem:s18], [sflag:$0x1] =	stream.linear.gather [hbm4b:s19+s2], $0x40, $0x38;
	(v2sf) =	vpush v14, $0xF;
	[tilespmem:$0x10A80] =	vst v63  }
0x10f: {  	s18 =	sadd.s32 $0x6C0, s16;
	s19 =	sadd.s32 s5, s21;
	s21 =	sand.u32 $0x1FFFFFF0, s22  }
0x110: {  	[tilespmem:s18], [sflag:$0x1] =	stream.strided.gather [hbm4b:s19+s14], $0x0, s29, s14, $0x38;
	[tilespmem:$0x10A80] =	vst v63  }
0x111: {  	s22 =	sshll.u32 s23, $0x4;
	s23 =	spop (v2sf)  }
0x112: {  	[tilespmem:s18], [sflag:$0x1] =	stream.linear.gather [hbm4b:s19+s2], $0x40, $0x38;
	(v2sf) =	vpush v13, $0xF;
	[tilespmem:$0x10A80] =	vst v63  }
0x113: {  	s18 =	sadd.s32 $0x700, s16;
	s19 =	sadd.s32 s4, s20;
	s20 =	sand.u32 $0x1FFFFFF0, s22  }
0x114: {  	[tilespmem:s18], [sflag:$0x1] =	stream.strided.gather [hbm4b:s19+s14], $0x0, s29, s14, $0x38;
	[tilespmem:$0x10A80] =	vst v63  }
0x115: {  	s22 =	sshll.u32 s23, $0x4;
	s23 =	spop (v2sf)  }
0x116: {  	[tilespmem:s18], [sflag:$0x1] =	stream.linear.gather [hbm4b:s19+s2], $0x40, $0x38;
	(v2sf) =	vpush v12, $0xF;
	[tilespmem:$0x10A80] =	vst v63  }
0x117: {  	s18 =	sadd.s32 $0x740, s16;
	s19 =	sadd.s32 s5, s21;
	s21 =	sand.u32 $0x1FFFFFF0, s22  }
0x118: {  	[tilespmem:s18], [sflag:$0x1] =	stream.strided.gather [hbm4b:s19+s14], $0x0, s29, s14, $0x38;
	[tilespmem:$0x10A80] =	vst v63  }
0x119: {  	s22 =	sshll.u32 s23, $0x4;
	s23 =	spop (v2sf)  }
0x11a: {  	[tilespmem:s18], [sflag:$0x1] =	stream.linear.gather [hbm4b:s19+s2], $0x40, $0x38;
	(v2sf) =	vpush v11, $0xF;
	[tilespmem:$0x10A80] =	vst v63  }
0x11b: {  	s18 =	sadd.s32 $0x780, s16;
	s19 =	sadd.s32 s4, s20;
	s20 =	sand.u32 $0x1FFFFFF0, s22  }
0x11c: {  	[tilespmem:s18], [sflag:$0x1] =	stream.strided.gather [hbm4b:s19+s14], $0x0, s29, s14, $0x38;
	[tilespmem:$0x10A80] =	vst v63  }
0x11d: {  	s22 =	sshll.u32 s23, $0x4;
	s23 =	spop (v2sf)  }
0x11e: {  	[tilespmem:s18], [sflag:$0x1] =	stream.linear.gather [hbm4b:s19+s2], $0x40, $0x38;
	(v2sf) =	vpush v10, $0xF;
	[tilespmem:$0x10A80] =	vst v63  }
0x11f: {  	s18 =	sadd.s32 $0x7C0, s16;
	s19 =	sadd.s32 s5, s21;
	s21 =	sand.u32 $0x1FFFFFF0, s22  }
0x120: {  	[tilespmem:s18], [sflag:$0x1] =	stream.strided.gather [hbm4b:s19+s14], $0x0, s29, s14, $0x38;
	[tilespmem:$0x10A80] =	vst v63  }
0x121: {  	s22 =	sshll.u32 s23, $0x4;
	s23 =	spop (v2sf)  }
0x122: {  	[tilespmem:s18], [sflag:$0x1] =	stream.linear.gather [hbm4b:s19+s2], $0x40, $0x38;
	(v2sf) =	vpush v9, $0xF;
	[tilespmem:$0x10A80] =	vst v63  }
0x123: {  	s18 =	sadd.s32 $0x800, s16;
	s19 =	sadd.s32 s4, s20;
	s20 =	sand.u32 $0x1FFFFFF0, s22  }
0x124: {  	[tilespmem:s18], [sflag:$0x1] =	stream.strided.gather [hbm4b:s19+s14], $0x0, s29, s14, $0x38;
	[tilespmem:$0x10A80] =	vst v63  }
0x125: {  	s22 =	sshll.u32 s23, $0x4;
	s23 =	spop (v2sf)  }
0x126: {  	[tilespmem:s18], [sflag:$0x1] =	stream.linear.gather [hbm4b:s19+s2], $0x40, $0x38;
	(v2sf) =	vpush v8, $0xF;
	[tilespmem:$0x10A80] =	vst v63  }
0x127: {  	s18 =	sadd.s32 $0x840, s16;
	s19 =	sadd.s32 s5, s21;
	s21 =	sand.u32 $0x1FFFFFF0, s22  }
0x128: {  	[tilespmem:s18], [sflag:$0x1] =	stream.strided.gather [hbm4b:s19+s14], $0x0, s29, s14, $0x38;
	[tilespmem:$0x10A80] =	vst v63  }
0x129: {  	s22 =	sshll.u32 s23, $0x4;
	s23 =	spop (v2sf)  }
0x12a: {  	[tilespmem:s18], [sflag:$0x1] =	stream.linear.gather [hbm4b:s19+s2], $0x40, $0x38;
	(v2sf) =	vpush v7, $0xF;
	[tilespmem:$0x10A80] =	vst v63  }
0x12b: {  	s18 =	sadd.s32 $0x880, s16;
	s19 =	sadd.s32 s4, s20;
	s20 =	sand.u32 $0x1FFFFFF0, s22  }
0x12c: {  	[tilespmem:s18], [sflag:$0x1] =	stream.strided.gather [hbm4b:s19+s14], $0x0, s29, s14, $0x38;
	[tilespmem:$0x10A80] =	vst v63  }
0x12d: {  	s22 =	sshll.u32 s23, $0x4;
	s23 =	spop (v2sf)  }
0x12e: {  	[tilespmem:s18], [sflag:$0x1] =	stream.linear.gather [hbm4b:s19+s2], $0x40, $0x38;
	(v2sf) =	vpush v6, $0xF;
	[tilespmem:$0x10A80] =	vst v63  }
0x12f: {  	s18 =	sadd.s32 $0x8C0, s16;
	s19 =	sadd.s32 s5, s21;
	s21 =	sand.u32 $0x1FFFFFF0, s22  }
0x130: {  	[tilespmem:s18], [sflag:$0x1] =	stream.strided.gather [hbm4b:s19+s14], $0x0, s29, s14, $0x38;
	[tilespmem:$0x10A80] =	vst v63  }
0x131: {  	s22 =	sshll.u32 s23, $0x4;
	s23 =	spop (v2sf)  }
0x132: {  	[tilespmem:s18], [sflag:$0x1] =	stream.linear.gather [hbm4b:s19+s2], $0x40, $0x38;
	(v2sf) =	vpush v5, $0xF;
	[tilespmem:$0x10A80] =	vst v63  }
0x133: {  	s18 =	sadd.s32 $0x900, s16;
	s19 =	sadd.s32 s4, s20;
	s20 =	sand.u32 $0x1FFFFFF0, s22  }
0x134: {  	[tilespmem:s18], [sflag:$0x1] =	stream.strided.gather [hbm4b:s19+s14], $0x0, s29, s14, $0x38;
	[tilespmem:$0x10A80] =	vst v63  }
0x135: {  	s22 =	sshll.u32 s23, $0x4;
	s23 =	spop (v2sf)  }
0x136: {  	[tilespmem:s18], [sflag:$0x1] =	stream.linear.gather [hbm4b:s19+s2], $0x40, $0x38;
	(v2sf) =	vpush v4, $0xF;
	[tilespmem:$0x10A80] =	vst v63  }
0x137: {  	s18 =	sadd.s32 $0x940, s16;
	s19 =	sadd.s32 s5, s21;
	s21 =	sand.u32 $0x1FFFFFF0, s22  }
0x138: {  	[tilespmem:s18], [sflag:$0x1] =	stream.strided.gather [hbm4b:s19+s14], $0x0, s29, s14, $0x38;
	[tilespmem:$0x10A80] =	vst v63  }
0x139: {  	s22 =	sshll.u32 s23, $0x4;
	s23 =	spop (v2sf)  }
0x13a: {  	[tilespmem:s18], [sflag:$0x1] =	stream.linear.gather [hbm4b:s19+s2], $0x40, $0x38;
	(v2sf) =	vpush v3, $0xF;
	[tilespmem:$0x10A80] =	vst v63  }
0x13b: {  	s18 =	sadd.s32 $0x980, s16;
	s19 =	sadd.s32 s4, s20;
	s20 =	sand.u32 $0x1FFFFFF0, s22  }
0x13c: {  	[tilespmem:s18], [sflag:$0x1] =	stream.strided.gather [hbm4b:s19+s14], $0x0, s29, s14, $0x38;
	[tilespmem:$0x10A80] =	vst v63  }
0x13d: {  	s22 =	sshll.u32 s23, $0x4;
	s23 =	spop (v2sf)  }
0x13e: {  	[tilespmem:s18], [sflag:$0x1] =	stream.linear.gather [hbm4b:s19+s2], $0x40, $0x38;
	(v2sf) =	vpush v2, $0xF;
	[tilespmem:$0x10A80] =	vst v63  }
0x13f: {  	s18 =	sadd.s32 $0x9C0, s16;
	s19 =	sadd.s32 s5, s21;
	s21 =	sand.u32 $0x1FFFFFF0, s22  }
0x140: {  	[tilespmem:s18], [sflag:$0x1] =	stream.strided.gather [hbm4b:s19+s14], $0x0, s29, s14, $0x38;
	[tilespmem:$0x10A80] =	vst v63  }
0x141: {  	s22 =	sshll.u32 s23, $0x4;
	s23 =	spop (v2sf)  }
0x142: {  	[tilespmem:s18], [sflag:$0x1] =	stream.linear.gather [hbm4b:s19+s2], $0x40, $0x38;
	(v2sf) =	vpush v1, $0xF;
	[tilespmem:$0x10A80] =	vst v63  }
0x143: {  	s18 =	sadd.s32 $0xA00, s16;
	s19 =	sadd.s32 s4, s20;
	s20 =	sand.u32 $0x1FFFFFF0, s22  }
0x144: {  	[tilespmem:s18], [sflag:$0x1] =	stream.strided.gather [hbm4b:s19+s14], $0x0, s29, s14, $0x38;
	[tilespmem:$0x10A80] =	vst v63  }
0x145: {  	s22 =	sshll.u32 s23, $0x4;
	s23 =	spop (v2sf)  }
0x146: {  	[tilespmem:s18], [sflag:$0x1] =	stream.linear.gather [hbm4b:s19+s2], $0x40, $0x38;
	[tilespmem:$0x10A80] =	vst v63  }
0x147: {  	s18 =	sadd.s32 $0xA40, s16;
	s19 =	sadd.s32 s5, s21;
	s21 =	sand.u32 $0x1FFFFFF0, s22  }
0x148: {  	[tilespmem:s18], [sflag:$0x1] =	stream.strided.gather [hbm4b:s19+s14], $0x0, s29, s14, $0x38;
	[tilespmem:$0x10A80] =	vst v63  }
0x149: {  	s22 =	sshll.u32 s23, $0x4;
	s23 =	spop (v2sf)  }
0x14a: {  	[tilespmem:s18], [sflag:$0x1] =	stream.linear.gather [hbm4b:s19+s2], $0x40, $0x38;
	[tilespmem:$0x10A80] =	vst v63  }
0x14b: {  	s18 =	sadd.s32 $0xA80, s16;
	s19 =	sadd.s32 s4, s20;
	s20 =	sand.u32 $0x1FFFFFF0, s22  }
0x14c: {  	[tilespmem:s18], [sflag:$0x1] =	stream.strided.gather [hbm4b:s19+s14], $0x0, s29, s14, $0x38;
	[tilespmem:$0x10A80] =	vst v63  }
0x14d: {  	s22 =	sshll.u32 s23, $0x4;
	s23 =	spop (v2sf)  }
0x14e: {  	[tilespmem:s18], [sflag:$0x1] =	stream.linear.gather [hbm4b:s19+s2], $0x40, $0x38;
	[tilespmem:$0x10A80] =	vst v63  }
0x14f: {  	s18 =	sadd.s32 $0xAC0, s16;
	s19 =	sadd.s32 s5, s21;
	s21 =	sand.u32 $0x1FFFFFF0, s22  }
0x150: {  	[tilespmem:s18], [sflag:$0x1] =	stream.strided.gather [hbm4b:s19+s14], $0x0, s29, s14, $0x38;
	[tilespmem:$0x10A80] =	vst v63  }
0x151: {  	s22 =	sshll.u32 s23, $0x4;
	s23 =	spop (v2sf)  }
0x152: {  	[tilespmem:s18], [sflag:$0x1] =	stream.linear.gather [hbm4b:s19+s2], $0x40, $0x38;
	[tilespmem:$0x10A80] =	vst v63  }
0x153: {  	s18 =	sadd.s32 $0xB00, s16;
	s19 =	sadd.s32 s4, s20;
	s20 =	sand.u32 $0x1FFFFFF0, s22  }
0x154: {  	[tilespmem:s18], [sflag:$0x1] =	stream.strided.gather [hbm4b:s19+s14], $0x0, s29, s14, $0x38;
	[tilespmem:$0x10A80] =	vst v63  }
0x155: {  	s22 =	sshll.u32 s23, $0x4  }
0x156: {  	[tilespmem:s18], [sflag:$0x1] =	stream.linear.gather [hbm4b:s19+s2], $0x40, $0x38;
	[tilespmem:$0x10A80] =	vst v63  }
0x157: {  	s21 =	sadd.s32 s5, s21;
	s19 =	sadd.s32 $0xB40, s16;
	s18 =	sand.u32 $0x1FFFFFF0, s22  }
0x158: {  	[tilespmem:s19], [sflag:$0x1] =	stream.strided.gather [hbm4b:s21+s14], $0x0, s29, s14, $0x38;
	[tilespmem:$0x10A80] =	vst v63  }
0x159: {  	s18 =	sadd.s32 s5, s18  }
0x15a: {  	[tilespmem:s19], [sflag:$0x1] =	stream.linear.gather [hbm4b:s21+s2], $0x40, $0x38;
	[tilespmem:$0x10A80] =	vst v63  }
.Ltmp0:
0x15b: {  	_ = 	snop;
	(pc) =	sbr.rel @p0 .LBB2_2-.Ltmp0, $4  }
0x15c: {  	s16 =	sadd.s32 $0xB80, s16;
	s19 =	sadd.s32 s4, s20  }
0x15d: {  	[tilespmem:s16], [sflag:$0x1] =	stream.strided.gather [hbm4b:s19+s14], $0x0, s29, s14, $0x38;
	[tilespmem:$0x10A80] =	vst v63  }
0x15e: {  	_ = 	snop  }
0x15f: {  	[tilespmem:s16], [sflag:$0x1] =	stream.linear.gather [hbm4b:s19+s2], $0x40, $0x38;
	[tilespmem:$0x10A80] =	vst v63  }
0x160: {  	[tilespmem:s17], [sflag:$0x1] =	stream.strided.gather [hbm4b:s18+s14], $0x0, s29, s14, $0x38;
	[tilespmem:$0x10A80] =	vst v63  }
0x161: {  	_ = 	snop  }
0x162: {  	[tilespmem:s17], [sflag:$0x1] =	stream.linear.gather [hbm4b:s18+s2], $0x40, $0x38;
	[tilespmem:$0x10A80] =	vst v63  }
0x163: {  	_ =	swait.ge [sflag:s30], $0x10000  }
0x164: {  	[sflag:s30] =	ssyncset.done $0x0  }
0x165: {  	[sflag:s30] =	ssyncadd.s32 $0xFFFF0000  }
0x166: {  	_ =	swait.ge [sflag:s30], $0x80  }
0x167: {  	[sflag:s30] =	ssyncset.done $0x0  }
0x168: {  	[sflag:s30] =	ssyncadd.s32 $0xFFFFFF80  }
0x169: {  	_ =	swait.ge [sflag:s30], $0x80  }
0x16a: {  	[sflag:s30] =	ssyncset.done $0x0  }
0x16b: {  	[sflag:s30] =	ssyncadd.s32 $0xFFFFFF80  }
0x16c: {  	_ =	swait.ge [sflag:s30], $0x80  }
0x16d: {  	[sflag:s30] =	ssyncset.done $0x0  }
0x16e: {  	[sflag:s30] =	ssyncadd.s32 $0xFFFFFF80  }
0x16f: {  	_ =	swait.ge [sflag:s30], $0x80  }
0x170: {  	[sflag:s30] =	ssyncset.done $0x0  }
0x171: {  	[sflag:s30] =	ssyncadd.s32 $0xFFFFFF80  }
0x172: {  	_ =	swait.ge [sflag:s30], $0x80  }
0x173: {  	[sflag:s30] =	ssyncset.done $0x0  }
0x174: {  	[sflag:s30] =	ssyncadd.s32 $0xFFFFFF80  }
0x175: {  	_ =	swait.ge [sflag:s30], $0x80  }
0x176: {  	[sflag:s30] =	ssyncset.done $0x0  }
0x177: {  	[sflag:s30] =	ssyncadd.s32 $0xFFFFFF80  }
0x178: {  	_ =	swait.ge [sflag:s30], $0x80  }
0x179: {  	s3 =	simm.s32 $0x0;
	[sflag:s30] =	ssyncset.done $0x0  }
0x17a: {  	v1 =	vmov s3;
	[sflag:s30] =	ssyncadd.s32 $0xFFFFFF80  }
0x17b: {  	v1 =	vshll.u32 v1, $0x7;
	_ =	swait.ge [sflag:s30], $0x80  }
0x17c: {  	v2 =	vor.u32 v0, v1;
	[sflag:s30] =	ssyncset.done $0x0  }
0x17d: {  	v3 =	vor.u32 $0x40, v2;
	[sflag:s30] =	ssyncadd.s32 $0xFFFFFF80  }
0x17e: {  	s22 =	simm.s32 $0x10600;
	v4 =	vor.u32 $0x1, v2;
	v1 =	vld [tilespmem:$0x10800]  }
0x17f: {  	s13 =	simm.s32 $0x10400;
	v5 =	vor.u32 $0x41, v2;
	v6 =	vld [tilespmem:s22+$0x0]  }
0x180: {  	v7 =	vor.u32 $0x2, v2;
	v8 =	vld [tilespmem:s13+$0x0]  }
0x181: {  	v10 =	vor.u32 $0x42, v2;
	v9 =	vld.idx.msk [tilespmem:v2+s29+$0x0], $0xffff  }
0x182: {  	v11 =	vor.u32 $0x3, v2;
	v3 =	vld.idx.msk [tilespmem:v3+s29+$0x0], $0xffff  }
0x183: {  	v12 =	vor.u32 $0x43, v2;
	v4 =	vld.idx.msk [tilespmem:v4+s29+$0x0], $0xffff  }
0x184: {  	v13 =	vor.u32 $0x4, v2;
	v5 =	vld.idx.msk [tilespmem:v5+s29+$0x0], $0xffff  }
0x185: {  	v14 =	vor.u32 $0x44, v2;
	v7 =	vld.idx.msk [tilespmem:v7+s29+$0x0], $0xffff;
	v6 =	vadd.f32 v6, v8  }
0x186: {  	v24 =	vor.u32 $0x5, v2;
	v23 =	vld.idx.msk [tilespmem:v10+s29+$0x0], $0xffff  }
0x187: {  	v15 =	vor.u32 $0x45, v2;
	v11 =	vld.idx.msk [tilespmem:v11+s29+$0x0], $0xffff;
	v3 =	vmul.f32 v3, v9;
	v6 =	vadd.f32 v6, v1  }
0x188: {  	v26 =	vor.u32 $0x6, v2;
	v25 =	vld.idx.msk [tilespmem:v12+s29+$0x0], $0xffff  }
0x189: {  	v16 =	vor.u32 $0x46, v2;
	v13 =	vld.idx.msk [tilespmem:v13+s29+$0x0], $0xffff;
	v4 =	vmul.f32 v5, v4;
	v3 =	vadd.f32 v3, v6  }
0x18a: {  	v5 =	vld.idx.msk [tilespmem:v14+s29+$0x0], $0xffff;
	v6 =	vor.u32 $0x7, v2  }
0x18b: {  	v27 =	vor.u32 $0x47, v2;
	v10 =	vld.idx.msk [tilespmem:v24+s29+$0x0], $0xffff;
	v3 =	vadd.f32 v4, v3;
	v4 =	vmul.f32 v23, v7  }
0x18c: {  	v28 =	vor.u32 $0x8, v2;
	v7 =	vld.idx.msk [tilespmem:v15+s29+$0x0], $0xffff  }
0x18d: {  	v29 =	vor.u32 $0x48, v2;
	v12 =	vld.idx.msk [tilespmem:v26+s29+$0x0], $0xffff;
	v3 =	vadd.f32 v4, v3;
	v4 =	vmul.f32 v25, v11  }
0x18e: {  	v32 =	vor.u32 $0x49, v2;
	v30 =	vld.idx.msk [tilespmem:v16+s29+$0x0], $0xffff  }
0x18f: {  	v31 =	vor.u32 $0x9, v2;
	v6 =	vld.idx.msk [tilespmem:v6+s29+$0x0], $0xffff;
	v3 =	vadd.f32 v4, v3;
	v4 =	vmul.f32 v5, v13  }
0x190: {  	v33 =	vor.u32 $0xA, v2;
	v5 =	vld.idx.msk [tilespmem:v27+s29+$0x0], $0xffff  }
0x191: {  	v34 =	vor.u32 $0x4A, v2;
	v8 =	vld.idx.msk [tilespmem:v28+s29+$0x0], $0xffff;
	v3 =	vadd.f32 v4, v3;
	v4 =	vmul.f32 v7, v10  }
0x192: {  	v35 =	vor.u32 $0xB, v2;
	v7 =	vld.idx.msk [tilespmem:v29+s29+$0x0], $0xffff  }
0x193: {  	v36 =	vor.u32 $0x4B, v2;
	v37 =	vld.idx.msk [tilespmem:v32+s29+$0x0], $0xffff;
	v3 =	vadd.f32 v4, v3;
	v4 =	vmul.f32 v30, v12  }
0x194: {  	v39 =	vor.u32 $0x4C, v2;
	v11 =	vld.idx.msk [tilespmem:v31+s29+$0x0], $0xffff  }
0x195: {  	v38 =	vor.u32 $0xC, v2;
	v13 =	vld.idx.msk [tilespmem:v33+s29+$0x0], $0xffff;
	v3 =	vadd.f32 v4, v3;
	v4 =	vmul.f32 v5, v6  }
0x196: {  	v5 =	vld.idx.msk [tilespmem:v34+s29+$0x0], $0xffff;
	v6 =	vor.u32 $0xD, v2  }
0x197: {  	v40 =	vor.u32 $0x4D, v2;
	v10 =	vld.idx.msk [tilespmem:v35+s29+$0x0], $0xffff;
	v3 =	vadd.f32 v4, v3;
	v4 =	vmul.f32 v7, v8  }
0x198: {  	v41 =	vor.u32 $0xE, v2;
	v7 =	vld.idx.msk [tilespmem:v36+s29+$0x0], $0xffff  }
0x199: {  	v42 =	vor.u32 $0x4E, v2;
	v43 =	vld.idx.msk [tilespmem:v39+s29+$0x0], $0xffff;
	v3 =	vadd.f32 v4, v3;
	v4 =	vmul.f32 v37, v11  }
0x19a: {  	v45 =	vor.u32 $0x4F, v2;
	v12 =	vld.idx.msk [tilespmem:v38+s29+$0x0], $0xffff  }
0x19b: {  	v44 =	vor.u32 $0xF, v2;
	v6 =	vld.idx.msk [tilespmem:v6+s29+$0x0], $0xffff;
	v3 =	vadd.f32 v4, v3;
	v4 =	vmul.f32 v5, v13  }
0x19c: {  	v46 =	vor.u32 $0x10, v2;
	v5 =	vld.idx.msk [tilespmem:v40+s29+$0x0], $0xffff  }
0x19d: {  	v47 =	vor.u32 $0x50, v2;
	v8 =	vld.idx.msk [tilespmem:v41+s29+$0x0], $0xffff;
	v3 =	vadd.f32 v4, v3;
	v4 =	vmul.f32 v7, v10  }
0x19e: {  	v48 =	vor.u32 $0x11, v2;
	v7 =	vld.idx.msk [tilespmem:v42+s29+$0x0], $0xffff  }
0x19f: {  	v49 =	vor.u32 $0x51, v2;
	v50 =	vld.idx.msk [tilespmem:v45+s29+$0x0], $0xffff;
	v3 =	vadd.f32 v4, v3;
	v4 =	vmul.f32 v43, v12  }
0x1a0: {  	v52 =	vor.u32 $0x52, v2;
	v11 =	vld.idx.msk [tilespmem:v44+s29+$0x0], $0xffff  }
0x1a1: {  	v51 =	vor.u32 $0x12, v2;
	v13 =	vld.idx.msk [tilespmem:v46+s29+$0x0], $0xffff;
	v3 =	vadd.f32 v4, v3;
	v4 =	vmul.f32 v5, v6  }
0x1a2: {  	v5 =	vld.idx.msk [tilespmem:v47+s29+$0x0], $0xffff;
	v6 =	vor.u32 $0x13, v2  }
0x1a3: {  	v53 =	vor.u32 $0x53, v2;
	v10 =	vld.idx.msk [tilespmem:v48+s29+$0x0], $0xffff;
	v3 =	vadd.f32 v4, v3;
	v4 =	vmul.f32 v7, v8  }
0x1a4: {  	v54 =	vor.u32 $0x14, v2;
	v7 =	vld.idx.msk [tilespmem:v49+s29+$0x0], $0xffff  }
0x1a5: {  	v55 =	vor.u32 $0x54, v2;
	v56 =	vld.idx.msk [tilespmem:v52+s29+$0x0], $0xffff;
	v3 =	vadd.f32 v4, v3;
	v4 =	vmul.f32 v50, v11  }
0x1a6: {  	v58 =	vor.u32 $0x55, v2;
	v12 =	vld.idx.msk [tilespmem:v51+s29+$0x0], $0xffff  }
0x1a7: {  	v57 =	vor.u32 $0x15, v2;
	v6 =	vld.idx.msk [tilespmem:v6+s29+$0x0], $0xffff;
	v3 =	vadd.f32 v4, v3;
	v4 =	vmul.f32 v5, v13  }
0x1a8: {  	v59 =	vor.u32 $0x16, v2;
	v5 =	vld.idx.msk [tilespmem:v53+s29+$0x0], $0xffff  }
0x1a9: {  	v60 =	vor.u32 $0x56, v2;
	v8 =	vld.idx.msk [tilespmem:v54+s29+$0x0], $0xffff;
	v3 =	vadd.f32 v4, v3;
	v4 =	vmul.f32 v7, v10  }
0x1aa: {  	v61 =	vor.u32 $0x17, v2;
	v7 =	vld.idx.msk [tilespmem:v55+s29+$0x0], $0xffff  }
0x1ab: {  	v62 =	vor.u32 $0x57, v2;
	v63 =	vld.idx.msk [tilespmem:v58+s29+$0x0], $0xffff;
	v3 =	vadd.f32 v4, v3;
	v4 =	vmul.f32 v56, v12  }
0x1ac: {  	v21 =	vor.u32 $0x58, v2;
	v11 =	vld.idx.msk [tilespmem:v57+s29+$0x0], $0xffff  }
0x1ad: {  	v20 =	vor.u32 $0x18, v2;
	v13 =	vld.idx.msk [tilespmem:v59+s29+$0x0], $0xffff;
	v3 =	vadd.f32 v4, v3;
	v4 =	vmul.f32 v5, v6  }
0x1ae: {  	v5 =	vld.idx.msk [tilespmem:v60+s29+$0x0], $0xffff;
	v6 =	vor.u32 $0x19, v2  }
0x1af: {  	v22 =	vor.u32 $0x59, v2;
	v10 =	vld.idx.msk [tilespmem:v61+s29+$0x0], $0xffff;
	v3 =	vadd.f32 v4, v3;
	v4 =	vmul.f32 v7, v8  }
0x1b0: {  	v23 =	vor.u32 $0x1A, v2;
	v7 =	vld.idx.msk [tilespmem:v62+s29+$0x0], $0xffff  }
0x1b1: {  	v24 =	vor.u32 $0x5A, v2;
	v25 =	vld.idx.msk [tilespmem:v21+s29+$0x0], $0xffff;
	v3 =	vadd.f32 v4, v3;
	v4 =	vmul.f32 v63, v11  }
0x1b2: {  	v27 =	vor.u32 $0x5B, v2;
	v12 =	vld.idx.msk [tilespmem:v20+s29+$0x0], $0xffff  }
0x1b3: {  	v26 =	vor.u32 $0x1B, v2;
	v6 =	vld.idx.msk [tilespmem:v6+s29+$0x0], $0xffff;
	v3 =	vadd.f32 v4, v3;
	v4 =	vmul.f32 v5, v13  }
0x1b4: {  	v28 =	vor.u32 $0x1C, v2;
	v5 =	vld.idx.msk [tilespmem:v22+s29+$0x0], $0xffff  }
0x1b5: {  	v29 =	vor.u32 $0x5C, v2;
	v8 =	vld.idx.msk [tilespmem:v23+s29+$0x0], $0xffff;
	v3 =	vadd.f32 v4, v3;
	v4 =	vmul.f32 v7, v10  }
0x1b6: {  	v30 =	vor.u32 $0x1D, v2;
	v7 =	vld.idx.msk [tilespmem:v24+s29+$0x0], $0xffff  }
0x1b7: {  	v31 =	vor.u32 $0x5D, v2;
	v32 =	vld.idx.msk [tilespmem:v27+s29+$0x0], $0xffff;
	v3 =	vadd.f32 v4, v3;
	v4 =	vmul.f32 v25, v12  }
0x1b8: {  	v34 =	vor.u32 $0x5E, v2;
	v11 =	vld.idx.msk [tilespmem:v26+s29+$0x0], $0xffff  }
0x1b9: {  	v33 =	vor.u32 $0x1E, v2;
	v13 =	vld.idx.msk [tilespmem:v28+s29+$0x0], $0xffff;
	v3 =	vadd.f32 v4, v3;
	v4 =	vmul.f32 v5, v6  }
0x1ba: {  	v5 =	vld.idx.msk [tilespmem:v29+s29+$0x0], $0xffff;
	v6 =	vor.u32 $0x1F, v2  }
0x1bb: {  	v35 =	vor.u32 $0x5F, v2;
	v10 =	vld.idx.msk [tilespmem:v30+s29+$0x0], $0xffff;
	v3 =	vadd.f32 v4, v3;
	v4 =	vmul.f32 v7, v8  }
0x1bc: {  	v36 =	vor.u32 $0x20, v2;
	v7 =	vld.idx.msk [tilespmem:v31+s29+$0x0], $0xffff  }
0x1bd: {  	v37 =	vor.u32 $0x60, v2;
	v38 =	vld.idx.msk [tilespmem:v34+s29+$0x0], $0xffff;
	v3 =	vadd.f32 v4, v3;
	v4 =	vmul.f32 v32, v11  }
0x1be: {  	v40 =	vor.u32 $0x61, v2;
	v12 =	vld.idx.msk [tilespmem:v33+s29+$0x0], $0xffff  }
0x1bf: {  	v39 =	vor.u32 $0x21, v2;
	v6 =	vld.idx.msk [tilespmem:v6+s29+$0x0], $0xffff;
	v3 =	vadd.f32 v4, v3;
	v4 =	vmul.f32 v5, v13  }
0x1c0: {  	v41 =	vor.u32 $0x22, v2;
	v5 =	vld.idx.msk [tilespmem:v35+s29+$0x0], $0xffff  }
0x1c1: {  	v42 =	vor.u32 $0x62, v2;
	v8 =	vld.idx.msk [tilespmem:v36+s29+$0x0], $0xffff;
	v3 =	vadd.f32 v4, v3;
	v4 =	vmul.f32 v7, v10  }
0x1c2: {  	v43 =	vor.u32 $0x23, v2;
	v7 =	vld.idx.msk [tilespmem:v37+s29+$0x0], $0xffff  }
0x1c3: {  	v44 =	vor.u32 $0x63, v2;
	v45 =	vld.idx.msk [tilespmem:v40+s29+$0x0], $0xffff;
	v3 =	vadd.f32 v4, v3;
	v4 =	vmul.f32 v38, v12  }
0x1c4: {  	v47 =	vor.u32 $0x64, v2;
	v11 =	vld.idx.msk [tilespmem:v39+s29+$0x0], $0xffff  }
0x1c5: {  	v46 =	vor.u32 $0x24, v2;
	v13 =	vld.idx.msk [tilespmem:v41+s29+$0x0], $0xffff;
	v3 =	vadd.f32 v4, v3;
	v4 =	vmul.f32 v5, v6  }
0x1c6: {  	v5 =	vld.idx.msk [tilespmem:v42+s29+$0x0], $0xffff;
	v6 =	vor.u32 $0x25, v2  }
0x1c7: {  	v48 =	vor.u32 $0x65, v2;
	v10 =	vld.idx.msk [tilespmem:v43+s29+$0x0], $0xffff;
	v3 =	vadd.f32 v4, v3;
	v4 =	vmul.f32 v7, v8  }
0x1c8: {  	v49 =	vor.u32 $0x26, v2;
	v7 =	vld.idx.msk [tilespmem:v44+s29+$0x0], $0xffff  }
0x1c9: {  	v50 =	vor.u32 $0x66, v2;
	v51 =	vld.idx.msk [tilespmem:v47+s29+$0x0], $0xffff;
	v3 =	vadd.f32 v4, v3;
	v4 =	vmul.f32 v45, v11  }
0x1ca: {  	v53 =	vor.u32 $0x67, v2;
	v12 =	vld.idx.msk [tilespmem:v46+s29+$0x0], $0xffff  }
0x1cb: {  	v52 =	vor.u32 $0x27, v2;
	v6 =	vld.idx.msk [tilespmem:v6+s29+$0x0], $0xffff;
	v3 =	vadd.f32 v4, v3;
	v4 =	vmul.f32 v5, v13  }
0x1cc: {  	v54 =	vor.u32 $0x28, v2;
	v5 =	vld.idx.msk [tilespmem:v48+s29+$0x0], $0xffff  }
0x1cd: {  	v55 =	vor.u32 $0x68, v2;
	v8 =	vld.idx.msk [tilespmem:v49+s29+$0x0], $0xffff;
	v3 =	vadd.f32 v4, v3;
	v4 =	vmul.f32 v7, v10  }
0x1ce: {  	v56 =	vor.u32 $0x29, v2;
	v7 =	vld.idx.msk [tilespmem:v50+s29+$0x0], $0xffff  }
0x1cf: {  	v57 =	vor.u32 $0x69, v2;
	v58 =	vld.idx.msk [tilespmem:v53+s29+$0x0], $0xffff;
	v3 =	vadd.f32 v4, v3;
	v4 =	vmul.f32 v51, v12  }
0x1d0: {  	v60 =	vor.u32 $0x6A, v2;
	v11 =	vld.idx.msk [tilespmem:v52+s29+$0x0], $0xffff  }
0x1d1: {  	v59 =	vor.u32 $0x2A, v2;
	v13 =	vld.idx.msk [tilespmem:v54+s29+$0x0], $0xffff;
	v3 =	vadd.f32 v4, v3;
	v4 =	vmul.f32 v5, v6  }
0x1d2: {  	v5 =	vld.idx.msk [tilespmem:v55+s29+$0x0], $0xffff;
	v6 =	vor.u32 $0x2B, v2  }
0x1d3: {  	v61 =	vor.u32 $0x6B, v2;
	v10 =	vld.idx.msk [tilespmem:v56+s29+$0x0], $0xffff;
	v3 =	vadd.f32 v4, v3;
	v4 =	vmul.f32 v7, v8  }
0x1d4: {  	v62 =	vor.u32 $0x2C, v2;
	v7 =	vld.idx.msk [tilespmem:v57+s29+$0x0], $0xffff  }
0x1d5: {  	v63 =	vor.u32 $0x6C, v2;
	v20 =	vld.idx.msk [tilespmem:v60+s29+$0x0], $0xffff;
	v3 =	vadd.f32 v4, v3;
	v4 =	vmul.f32 v58, v11  }
0x1d6: {  	v22 =	vor.u32 $0x6D, v2;
	v12 =	vld.idx.msk [tilespmem:v59+s29+$0x0], $0xffff  }
0x1d7: {  	v21 =	vor.u32 $0x2D, v2;
	v6 =	vld.idx.msk [tilespmem:v6+s29+$0x0], $0xffff;
	v3 =	vadd.f32 v4, v3;
	v4 =	vmul.f32 v5, v13  }
0x1d8: {  	v23 =	vor.u32 $0x2E, v2;
	v5 =	vld.idx.msk [tilespmem:v61+s29+$0x0], $0xffff  }
0x1d9: {  	v24 =	vor.u32 $0x6E, v2;
	v8 =	vld.idx.msk [tilespmem:v62+s29+$0x0], $0xffff;
	v3 =	vadd.f32 v4, v3;
	v4 =	vmul.f32 v7, v10  }
0x1da: {  	v25 =	vor.u32 $0x2F, v2;
	v7 =	vld.idx.msk [tilespmem:v63+s29+$0x0], $0xffff  }
0x1db: {  	v26 =	vor.u32 $0x6F, v2;
	v27 =	vld.idx.msk [tilespmem:v22+s29+$0x0], $0xffff;
	v3 =	vadd.f32 v4, v3;
	v4 =	vmul.f32 v20, v12  }
0x1dc: {  	v29 =	vor.u32 $0x70, v2;
	v11 =	vld.idx.msk [tilespmem:v21+s29+$0x0], $0xffff  }
0x1dd: {  	v28 =	vor.u32 $0x30, v2;
	v13 =	vld.idx.msk [tilespmem:v23+s29+$0x0], $0xffff;
	v3 =	vadd.f32 v4, v3;
	v4 =	vmul.f32 v5, v6  }
0x1de: {  	v5 =	vld.idx.msk [tilespmem:v24+s29+$0x0], $0xffff;
	v6 =	vor.u32 $0x31, v2  }
0x1df: {  	v30 =	vor.u32 $0x71, v2;
	v10 =	vld.idx.msk [tilespmem:v25+s29+$0x0], $0xffff;
	v3 =	vadd.f32 v4, v3;
	v4 =	vmul.f32 v7, v8  }
0x1e0: {  	v31 =	vor.u32 $0x32, v2;
	v7 =	vld.idx.msk [tilespmem:v26+s29+$0x0], $0xffff  }
0x1e1: {  	v32 =	vor.u32 $0x72, v2;
	v33 =	vld.idx.msk [tilespmem:v29+s29+$0x0], $0xffff;
	v3 =	vadd.f32 v4, v3;
	v4 =	vmul.f32 v27, v11  }
0x1e2: {  	v35 =	vor.u32 $0x73, v2;
	v12 =	vld.idx.msk [tilespmem:v28+s29+$0x0], $0xffff  }
0x1e3: {  	v34 =	vor.u32 $0x33, v2;
	v6 =	vld.idx.msk [tilespmem:v6+s29+$0x0], $0xffff;
	v3 =	vadd.f32 v4, v3;
	v4 =	vmul.f32 v5, v13  }
0x1e4: {  	v36 =	vor.u32 $0x34, v2;
	v5 =	vld.idx.msk [tilespmem:v30+s29+$0x0], $0xffff  }
0x1e5: {  	v37 =	vor.u32 $0x74, v2;
	v8 =	vld.idx.msk [tilespmem:v31+s29+$0x0], $0xffff;
	v3 =	vadd.f32 v4, v3;
	v4 =	vmul.f32 v7, v10  }
0x1e6: {  	v38 =	vor.u32 $0x35, v2;
	v7 =	vld.idx.msk [tilespmem:v32+s29+$0x0], $0xffff  }
0x1e7: {  	v39 =	vor.u32 $0x75, v2;
	v40 =	vld.idx.msk [tilespmem:v35+s29+$0x0], $0xffff;
	v3 =	vadd.f32 v4, v3;
	v4 =	vmul.f32 v33, v12  }
0x1e8: {  	v42 =	vor.u32 $0x76, v2;
	v11 =	vld.idx.msk [tilespmem:v34+s29+$0x0], $0xffff  }
0x1e9: {  	v41 =	vor.u32 $0x36, v2;
	v13 =	vld.idx.msk [tilespmem:v36+s29+$0x0], $0xffff;
	v3 =	vadd.f32 v4, v3;
	v4 =	vmul.f32 v5, v6  }
0x1ea: {  	v5 =	vld.idx.msk [tilespmem:v37+s29+$0x0], $0xffff;
	v6 =	vor.u32 $0x37, v2  }
0x1eb: {  	v43 =	vor.u32 $0x77, v2;
	v10 =	vld.idx.msk [tilespmem:v38+s29+$0x0], $0xffff;
	v3 =	vadd.f32 v4, v3;
	v4 =	vmul.f32 v7, v8  }
0x1ec: {  	v44 =	vor.u32 $0x38, v2;
	v7 =	vld.idx.msk [tilespmem:v39+s29+$0x0], $0xffff  }
0x1ed: {  	v45 =	vor.u32 $0x78, v2;
	v46 =	vld.idx.msk [tilespmem:v42+s29+$0x0], $0xffff;
	v3 =	vadd.f32 v4, v3;
	v4 =	vmul.f32 v40, v11  }
0x1ee: {  	v48 =	vor.u32 $0x79, v2;
	v12 =	vld.idx.msk [tilespmem:v41+s29+$0x0], $0xffff  }
0x1ef: {  	v47 =	vor.u32 $0x39, v2;
	v6 =	vld.idx.msk [tilespmem:v6+s29+$0x0], $0xffff;
	v3 =	vadd.f32 v4, v3;
	v4 =	vmul.f32 v5, v13  }
0x1f0: {  	v49 =	vor.u32 $0x3A, v2;
	v5 =	vld.idx.msk [tilespmem:v43+s29+$0x0], $0xffff  }
0x1f1: {  	v50 =	vor.u32 $0x7A, v2;
	v8 =	vld.idx.msk [tilespmem:v44+s29+$0x0], $0xffff;
	v3 =	vadd.f32 v4, v3;
	v4 =	vmul.f32 v7, v10  }
0x1f2: {  	v51 =	vor.u32 $0x3B, v2;
	v7 =	vld.idx.msk [tilespmem:v45+s29+$0x0], $0xffff  }
0x1f3: {  	v52 =	vor.u32 $0x7B, v2;
	v53 =	vld.idx.msk [tilespmem:v48+s29+$0x0], $0xffff;
	v3 =	vadd.f32 v4, v3;
	v4 =	vmul.f32 v46, v12  }
0x1f4: {  	v55 =	vor.u32 $0x7C, v2;
	v11 =	vld.idx.msk [tilespmem:v47+s29+$0x0], $0xffff  }
0x1f5: {  	v54 =	vor.u32 $0x3C, v2;
	v13 =	vld.idx.msk [tilespmem:v49+s29+$0x0], $0xffff;
	v3 =	vadd.f32 v4, v3;
	v4 =	vmul.f32 v5, v6  }
0x1f6: {  	v5 =	vld.idx.msk [tilespmem:v50+s29+$0x0], $0xffff;
	v6 =	vor.u32 $0x3D, v2  }
0x1f7: {  	v56 =	vor.u32 $0x7D, v2;
	v10 =	vld.idx.msk [tilespmem:v51+s29+$0x0], $0xffff;
	v3 =	vadd.f32 v4, v3;
	v4 =	vmul.f32 v7, v8  }
0x1f8: {  	v57 =	vor.u32 $0x3E, v2;
	v7 =	vld.idx.msk [tilespmem:v52+s29+$0x0], $0xffff  }
0x1f9: {  	v58 =	vor.u32 $0x7E, v2;
	v59 =	vld.idx.msk [tilespmem:v55+s29+$0x0], $0xffff;
	v3 =	vadd.f32 v4, v3;
	v4 =	vmul.f32 v53, v11  }
0x1fa: {  	v60 =	vor.u32 $0x3F, v2;
	v12 =	vld.idx.msk [tilespmem:v54+s29+$0x0], $0xffff  }
0x1fb: {  	v2 =	vor.u32 $0x7F, v2;
	v6 =	vld.idx.msk [tilespmem:v6+s29+$0x0], $0xffff;
	v3 =	vadd.f32 v4, v3;
	v4 =	vmul.f32 v5, v13  }
0x1fc: {  	v5 =	vld.idx.msk [tilespmem:v56+s29+$0x0], $0xffff  }
0x1fd: {  	v8 =	vld.idx.msk [tilespmem:v57+s29+$0x0], $0xffff;
	v3 =	vadd.f32 v4, v3;
	v4 =	vmul.f32 v7, v10  }
0x1fe: {  	v7 =	vld.idx.msk [tilespmem:v58+s29+$0x0], $0xffff  }
0x1ff: {  	v61 =	vld.idx.msk [tilespmem:v60+s29+$0x0], $0xffff;
	v3 =	vadd.f32 v4, v3;
	v4 =	vmul.f32 v59, v12  }
0x200: {  	v2 =	vld.idx.msk [tilespmem:v2+s29+$0x0], $0xffff  }
0x201: {  	v3 =	vadd.f32 v4, v3;
	v4 =	vmul.f32 v5, v6;
	_ =	sdelay $0x1  }
0x202: {  	v3 =	vadd.f32 v4, v3;
	v4 =	vmul.f32 v7, v8  }
0x203: {  	s23 =	simm.s32 $0x10  }
0x204: {  	v5 =	vmov s23;
	v3 =	vadd.f32 v4, v3;
	v4 =	vmul.f32 v2, v61  }
0x205: {  	v2 =	vshll.u32 v5, $0x7  }
0x206: {  	v2 =	vor.u32 v0, v2;
	v3 =	vadd.f32 v4, v3  }
0x207: {  	s3 =	simm.s32 $0x10880;
	v4 =	vor.u32 $0x40, v2  }
0x208: {  	s13 =	simm.s32 $0x10610;
	v5 =	vor.u32 $0x1, v2;
	[tilespmem:s3+$0x0] =	vst v3  }
0x209: {  	s15 =	simm.s32 $0x10410;
	v3 =	vor.u32 $0x41, v2;
	v6 =	vld [tilespmem:s13+$0x0]  }
0x20a: {  	v7 =	vor.u32 $0x2, v2;
	v62 =	vld [tilespmem:s15+$0x0]  }
0x20b: {  	v17 =	vor.u32 $0x42, v2;
	v63 =	vld.idx.msk [tilespmem:v2+s29+$0x0], $0xffff  }
0x20c: {  	v18 =	vor.u32 $0x3, v2;
	v4 =	vld.idx.msk [tilespmem:v4+s29+$0x0], $0xffff  }
0x20d: {  	v19 =	vor.u32 $0x43, v2;
	v5 =	vld.idx.msk [tilespmem:v5+s29+$0x0], $0xffff  }
0x20e: {  	v20 =	vor.u32 $0x4, v2;
	v3 =	vld.idx.msk [tilespmem:v3+s29+$0x0], $0xffff  }
0x20f: {  	v21 =	vor.u32 $0x44, v2;
	v7 =	vld.idx.msk [tilespmem:v7+s29+$0x0], $0xffff;
	v6 =	vadd.f32 v6, v62  }
0x210: {  	v23 =	vor.u32 $0x5, v2;
	v22 =	vld.idx.msk [tilespmem:v17+s29+$0x0], $0xffff  }
0x211: {  	v24 =	vor.u32 $0x45, v2;
	v11 =	vld.idx.msk [tilespmem:v18+s29+$0x0], $0xffff;
	v6 =	vadd.f32 v6, v1;
	v4 =	vmul.f32 v4, v63  }
0x212: {  	v26 =	vor.u32 $0x6, v2;
	v25 =	vld.idx.msk [tilespmem:v19+s29+$0x0], $0xffff  }
0x213: {  	v27 =	vor.u32 $0x46, v2;
	v13 =	vld.idx.msk [tilespmem:v20+s29+$0x0], $0xffff;
	v4 =	vadd.f32 v4, v6;
	v3 =	vmul.f32 v3, v5  }
0x214: {  	v5 =	vld.idx.msk [tilespmem:v21+s29+$0x0], $0xffff;
	v6 =	vor.u32 $0x7, v2  }
0x215: {  	v28 =	vor.u32 $0x47, v2;
	v10 =	vld.idx.msk [tilespmem:v23+s29+$0x0], $0xffff;
	v3 =	vadd.f32 v3, v4;
	v4 =	vmul.f32 v22, v7  }
0x216: {  	v29 =	vor.u32 $0x8, v2;
	v7 =	vld.idx.msk [tilespmem:v24+s29+$0x0], $0xffff  }
0x217: {  	v30 =	vor.u32 $0x48, v2;
	v12 =	vld.idx.msk [tilespmem:v26+s29+$0x0], $0xffff;
	v3 =	vadd.f32 v4, v3;
	v4 =	vmul.f32 v25, v11  }
0x218: {  	v33 =	vor.u32 $0x49, v2;
	v31 =	vld.idx.msk [tilespmem:v27+s29+$0x0], $0xffff  }
0x219: {  	v32 =	vor.u32 $0x9, v2;
	v6 =	vld.idx.msk [tilespmem:v6+s29+$0x0], $0xffff;
	v3 =	vadd.f32 v4, v3;
	v4 =	vmul.f32 v5, v13  }
0x21a: {  	v34 =	vor.u32 $0xA, v2;
	v5 =	vld.idx.msk [tilespmem:v28+s29+$0x0], $0xffff  }
0x21b: {  	v35 =	vor.u32 $0x4A, v2;
	v8 =	vld.idx.msk [tilespmem:v29+s29+$0x0], $0xffff;
	v3 =	vadd.f32 v4, v3;
	v4 =	vmul.f32 v7, v10  }
0x21c: {  	v36 =	vor.u32 $0xB, v2;
	v7 =	vld.idx.msk [tilespmem:v30+s29+$0x0], $0xffff  }
0x21d: {  	v37 =	vor.u32 $0x4B, v2;
	v38 =	vld.idx.msk [tilespmem:v33+s29+$0x0], $0xffff;
	v3 =	vadd.f32 v4, v3;
	v4 =	vmul.f32 v31, v12  }
0x21e: {  	v40 =	vor.u32 $0x4C, v2;
	v11 =	vld.idx.msk [tilespmem:v32+s29+$0x0], $0xffff  }
0x21f: {  	v39 =	vor.u32 $0xC, v2;
	v13 =	vld.idx.msk [tilespmem:v34+s29+$0x0], $0xffff;
	v3 =	vadd.f32 v4, v3;
	v4 =	vmul.f32 v5, v6  }
0x220: {  	v5 =	vld.idx.msk [tilespmem:v35+s29+$0x0], $0xffff;
	v6 =	vor.u32 $0xD, v2  }
0x221: {  	v41 =	vor.u32 $0x4D, v2;
	v10 =	vld.idx.msk [tilespmem:v36+s29+$0x0], $0xffff;
	v3 =	vadd.f32 v4, v3;
	v4 =	vmul.f32 v7, v8  }
0x222: {  	v42 =	vor.u32 $0xE, v2;
	v7 =	vld.idx.msk [tilespmem:v37+s29+$0x0], $0xffff  }
0x223: {  	v43 =	vor.u32 $0x4E, v2;
	v44 =	vld.idx.msk [tilespmem:v40+s29+$0x0], $0xffff;
	v3 =	vadd.f32 v4, v3;
	v4 =	vmul.f32 v38, v11  }
0x224: {  	v46 =	vor.u32 $0x4F, v2;
	v12 =	vld.idx.msk [tilespmem:v39+s29+$0x0], $0xffff  }
0x225: {  	v45 =	vor.u32 $0xF, v2;
	v6 =	vld.idx.msk [tilespmem:v6+s29+$0x0], $0xffff;
	v3 =	vadd.f32 v4, v3;
	v4 =	vmul.f32 v5, v13  }
0x226: {  	v47 =	vor.u32 $0x10, v2;
	v5 =	vld.idx.msk [tilespmem:v41+s29+$0x0], $0xffff  }
0x227: {  	v48 =	vor.u32 $0x50, v2;
	v8 =	vld.idx.msk [tilespmem:v42+s29+$0x0], $0xffff;
	v3 =	vadd.f32 v4, v3;
	v4 =	vmul.f32 v7, v10  }
0x228: {  	v49 =	vor.u32 $0x11, v2;
	v7 =	vld.idx.msk [tilespmem:v43+s29+$0x0], $0xffff  }
0x229: {  	v50 =	vor.u32 $0x51, v2;
	v51 =	vld.idx.msk [tilespmem:v46+s29+$0x0], $0xffff;
	v3 =	vadd.f32 v4, v3;
	v4 =	vmul.f32 v44, v12  }
0x22a: {  	v53 =	vor.u32 $0x52, v2;
	v11 =	vld.idx.msk [tilespmem:v45+s29+$0x0], $0xffff  }
0x22b: {  	v52 =	vor.u32 $0x12, v2;
	v13 =	vld.idx.msk [tilespmem:v47+s29+$0x0], $0xffff;
	v3 =	vadd.f32 v4, v3;
	v4 =	vmul.f32 v5, v6  }
0x22c: {  	v5 =	vld.idx.msk [tilespmem:v48+s29+$0x0], $0xffff;
	v6 =	vor.u32 $0x13, v2  }
0x22d: {  	v54 =	vor.u32 $0x53, v2;
	v10 =	vld.idx.msk [tilespmem:v49+s29+$0x0], $0xffff;
	v3 =	vadd.f32 v4, v3;
	v4 =	vmul.f32 v7, v8  }
0x22e: {  	v55 =	vor.u32 $0x14, v2;
	v7 =	vld.idx.msk [tilespmem:v50+s29+$0x0], $0xffff  }
0x22f: {  	v56 =	vor.u32 $0x54, v2;
	v57 =	vld.idx.msk [tilespmem:v53+s29+$0x0], $0xffff;
	v3 =	vadd.f32 v4, v3;
	v4 =	vmul.f32 v51, v11  }
0x230: {  	v59 =	vor.u32 $0x55, v2;
	v12 =	vld.idx.msk [tilespmem:v52+s29+$0x0], $0xffff  }
0x231: {  	v58 =	vor.u32 $0x15, v2;
	v6 =	vld.idx.msk [tilespmem:v6+s29+$0x0], $0xffff;
	v3 =	vadd.f32 v4, v3;
	v4 =	vmul.f32 v5, v13  }
0x232: {  	v60 =	vor.u32 $0x16, v2;
	v5 =	vld.idx.msk [tilespmem:v54+s29+$0x0], $0xffff  }
0x233: {  	v61 =	vor.u32 $0x56, v2;
	v8 =	vld.idx.msk [tilespmem:v55+s29+$0x0], $0xffff;
	v3 =	vadd.f32 v4, v3;
	v4 =	vmul.f32 v7, v10  }
0x234: {  	v62 =	vor.u32 $0x17, v2;
	v7 =	vld.idx.msk [tilespmem:v56+s29+$0x0], $0xffff  }
0x235: {  	v20 =	vld.idx.msk [tilespmem:v59+s29+$0x0], $0xffff;
	v63 =	vor.u32 $0x57, v2;
	v3 =	vadd.f32 v4, v3;
	v4 =	vmul.f32 v57, v12  }
0x236: {  	v22 =	vor.u32 $0x58, v2;
	v11 =	vld.idx.msk [tilespmem:v58+s29+$0x0], $0xffff  }
0x237: {  	v21 =	vor.u32 $0x18, v2;
	v13 =	vld.idx.msk [tilespmem:v60+s29+$0x0], $0xffff;
	v3 =	vadd.f32 v4, v3;
	v4 =	vmul.f32 v5, v6  }
0x238: {  	v5 =	vld.idx.msk [tilespmem:v61+s29+$0x0], $0xffff;
	v6 =	vor.u32 $0x19, v2  }
0x239: {  	v23 =	vor.u32 $0x59, v2;
	v10 =	vld.idx.msk [tilespmem:v62+s29+$0x0], $0xffff;
	v3 =	vadd.f32 v4, v3;
	v4 =	vmul.f32 v7, v8  }
0x23a: {  	v24 =	vor.u32 $0x1A, v2;
	v7 =	vld.idx.msk [tilespmem:v63+s29+$0x0], $0xffff  }
0x23b: {  	v25 =	vor.u32 $0x5A, v2;
	v26 =	vld.idx.msk [tilespmem:v22+s29+$0x0], $0xffff;
	v3 =	vadd.f32 v4, v3;
	v4 =	vmul.f32 v20, v11  }
0x23c: {  	v28 =	vor.u32 $0x5B, v2;
	v12 =	vld.idx.msk [tilespmem:v21+s29+$0x0], $0xffff  }
0x23d: {  	v27 =	vor.u32 $0x1B, v2;
	v6 =	vld.idx.msk [tilespmem:v6+s29+$0x0], $0xffff;
	v3 =	vadd.f32 v4, v3;
	v4 =	vmul.f32 v5, v13  }
0x23e: {  	v29 =	vor.u32 $0x1C, v2;
	v5 =	vld.idx.msk [tilespmem:v23+s29+$0x0], $0xffff  }
0x23f: {  	v30 =	vor.u32 $0x5C, v2;
	v8 =	vld.idx.msk [tilespmem:v24+s29+$0x0], $0xffff;
	v3 =	vadd.f32 v4, v3;
	v4 =	vmul.f32 v7, v10  }
0x240: {  	v31 =	vor.u32 $0x1D, v2;
	v7 =	vld.idx.msk [tilespmem:v25+s29+$0x0], $0xffff  }
0x241: {  	v32 =	vor.u32 $0x5D, v2;
	v33 =	vld.idx.msk [tilespmem:v28+s29+$0x0], $0xffff;
	v3 =	vadd.f32 v4, v3;
	v4 =	vmul.f32 v26, v12  }
0x242: {  	v35 =	vor.u32 $0x5E, v2;
	v11 =	vld.idx.msk [tilespmem:v27+s29+$0x0], $0xffff  }
0x243: {  	v34 =	vor.u32 $0x1E, v2;
	v13 =	vld.idx.msk [tilespmem:v29+s29+$0x0], $0xffff;
	v3 =	vadd.f32 v4, v3;
	v4 =	vmul.f32 v5, v6  }
0x244: {  	v5 =	vld.idx.msk [tilespmem:v30+s29+$0x0], $0xffff;
	v6 =	vor.u32 $0x1F, v2  }
0x245: {  	v36 =	vor.u32 $0x5F, v2;
	v10 =	vld.idx.msk [tilespmem:v31+s29+$0x0], $0xffff;
	v3 =	vadd.f32 v4, v3;
	v4 =	vmul.f32 v7, v8  }
0x246: {  	v37 =	vor.u32 $0x20, v2;
	v7 =	vld.idx.msk [tilespmem:v32+s29+$0x0], $0xffff  }
0x247: {  	v38 =	vor.u32 $0x60, v2;
	v39 =	vld.idx.msk [tilespmem:v35+s29+$0x0], $0xffff;
	v3 =	vadd.f32 v4, v3;
	v4 =	vmul.f32 v33, v11  }
0x248: {  	v41 =	vor.u32 $0x61, v2;
	v12 =	vld.idx.msk [tilespmem:v34+s29+$0x0], $0xffff  }
0x249: {  	v40 =	vor.u32 $0x21, v2;
	v6 =	vld.idx.msk [tilespmem:v6+s29+$0x0], $0xffff;
	v3 =	vadd.f32 v4, v3;
	v4 =	vmul.f32 v5, v13  }
0x24a: {  	v42 =	vor.u32 $0x22, v2;
	v5 =	vld.idx.msk [tilespmem:v36+s29+$0x0], $0xffff  }
0x24b: {  	v43 =	vor.u32 $0x62, v2;
	v8 =	vld.idx.msk [tilespmem:v37+s29+$0x0], $0xffff;
	v3 =	vadd.f32 v4, v3;
	v4 =	vmul.f32 v7, v10  }
0x24c: {  	v44 =	vor.u32 $0x23, v2;
	v7 =	vld.idx.msk [tilespmem:v38+s29+$0x0], $0xffff  }
0x24d: {  	v45 =	vor.u32 $0x63, v2;
	v46 =	vld.idx.msk [tilespmem:v41+s29+$0x0], $0xffff;
	v3 =	vadd.f32 v4, v3;
	v4 =	vmul.f32 v39, v12  }
0x24e: {  	v48 =	vor.u32 $0x64, v2;
	v11 =	vld.idx.msk [tilespmem:v40+s29+$0x0], $0xffff  }
0x24f: {  	v47 =	vor.u32 $0x24, v2;
	v13 =	vld.idx.msk [tilespmem:v42+s29+$0x0], $0xffff;
	v3 =	vadd.f32 v4, v3;
	v4 =	vmul.f32 v5, v6  }
0x250: {  	v5 =	vld.idx.msk [tilespmem:v43+s29+$0x0], $0xffff;
	v6 =	vor.u32 $0x25, v2  }
0x251: {  	v49 =	vor.u32 $0x65, v2;
	v10 =	vld.idx.msk [tilespmem:v44+s29+$0x0], $0xffff;
	v3 =	vadd.f32 v4, v3;
	v4 =	vmul.f32 v7, v8  }
0x252: {  	v50 =	vor.u32 $0x26, v2;
	v7 =	vld.idx.msk [tilespmem:v45+s29+$0x0], $0xffff  }
0x253: {  	v51 =	vor.u32 $0x66, v2;
	v52 =	vld.idx.msk [tilespmem:v48+s29+$0x0], $0xffff;
	v3 =	vadd.f32 v4, v3;
	v4 =	vmul.f32 v46, v11  }
0x254: {  	v54 =	vor.u32 $0x67, v2;
	v12 =	vld.idx.msk [tilespmem:v47+s29+$0x0], $0xffff  }
0x255: {  	v53 =	vor.u32 $0x27, v2;
	v6 =	vld.idx.msk [tilespmem:v6+s29+$0x0], $0xffff;
	v3 =	vadd.f32 v4, v3;
	v4 =	vmul.f32 v5, v13  }
0x256: {  	v55 =	vor.u32 $0x28, v2;
	v5 =	vld.idx.msk [tilespmem:v49+s29+$0x0], $0xffff  }
0x257: {  	v56 =	vor.u32 $0x68, v2;
	v8 =	vld.idx.msk [tilespmem:v50+s29+$0x0], $0xffff;
	v3 =	vadd.f32 v4, v3;
	v4 =	vmul.f32 v7, v10  }
0x258: {  	v57 =	vor.u32 $0x29, v2;
	v7 =	vld.idx.msk [tilespmem:v51+s29+$0x0], $0xffff  }
0x259: {  	v58 =	vor.u32 $0x69, v2;
	v59 =	vld.idx.msk [tilespmem:v54+s29+$0x0], $0xffff;
	v3 =	vadd.f32 v4, v3;
	v4 =	vmul.f32 v52, v12  }
0x25a: {  	v61 =	vor.u32 $0x6A, v2;
	v11 =	vld.idx.msk [tilespmem:v53+s29+$0x0], $0xffff  }
0x25b: {  	v60 =	vor.u32 $0x2A, v2;
	v13 =	vld.idx.msk [tilespmem:v55+s29+$0x0], $0xffff;
	v3 =	vadd.f32 v4, v3;
	v4 =	vmul.f32 v5, v6  }
0x25c: {  	v5 =	vld.idx.msk [tilespmem:v56+s29+$0x0], $0xffff;
	v6 =	vor.u32 $0x2B, v2  }
0x25d: {  	v62 =	vor.u32 $0x6B, v2;
	v10 =	vld.idx.msk [tilespmem:v57+s29+$0x0], $0xffff;
	v3 =	vadd.f32 v4, v3;
	v4 =	vmul.f32 v7, v8  }
0x25e: {  	v63 =	vor.u32 $0x2C, v2;
	v7 =	vld.idx.msk [tilespmem:v58+s29+$0x0], $0xffff  }
0x25f: {  	v20 =	vor.u32 $0x6C, v2;
	v21 =	vld.idx.msk [tilespmem:v61+s29+$0x0], $0xffff;
	v3 =	vadd.f32 v4, v3;
	v4 =	vmul.f32 v59, v11  }
0x260: {  	v23 =	vor.u32 $0x6D, v2;
	v12 =	vld.idx.msk [tilespmem:v60+s29+$0x0], $0xffff  }
0x261: {  	v22 =	vor.u32 $0x2D, v2;
	v6 =	vld.idx.msk [tilespmem:v6+s29+$0x0], $0xffff;
	v3 =	vadd.f32 v4, v3;
	v4 =	vmul.f32 v5, v13  }
0x262: {  	v24 =	vor.u32 $0x2E, v2;
	v5 =	vld.idx.msk [tilespmem:v62+s29+$0x0], $0xffff  }
0x263: {  	v25 =	vor.u32 $0x6E, v2;
	v8 =	vld.idx.msk [tilespmem:v63+s29+$0x0], $0xffff;
	v3 =	vadd.f32 v4, v3;
	v4 =	vmul.f32 v7, v10  }
0x264: {  	v26 =	vor.u32 $0x2F, v2;
	v7 =	vld.idx.msk [tilespmem:v20+s29+$0x0], $0xffff  }
0x265: {  	v27 =	vor.u32 $0x6F, v2;
	v28 =	vld.idx.msk [tilespmem:v23+s29+$0x0], $0xffff;
	v3 =	vadd.f32 v4, v3;
	v4 =	vmul.f32 v21, v12  }
0x266: {  	v30 =	vor.u32 $0x70, v2;
	v11 =	vld.idx.msk [tilespmem:v22+s29+$0x0], $0xffff  }
0x267: {  	v29 =	vor.u32 $0x30, v2;
	v13 =	vld.idx.msk [tilespmem:v24+s29+$0x0], $0xffff;
	v3 =	vadd.f32 v4, v3;
	v4 =	vmul.f32 v5, v6  }
0x268: {  	v5 =	vld.idx.msk [tilespmem:v25+s29+$0x0], $0xffff;
	v6 =	vor.u32 $0x31, v2  }
0x269: {  	v31 =	vor.u32 $0x71, v2;
	v10 =	vld.idx.msk [tilespmem:v26+s29+$0x0], $0xffff;
	v3 =	vadd.f32 v4, v3;
	v4 =	vmul.f32 v7, v8  }
0x26a: {  	v32 =	vor.u32 $0x32, v2;
	v7 =	vld.idx.msk [tilespmem:v27+s29+$0x0], $0xffff  }
0x26b: {  	v33 =	vor.u32 $0x72, v2;
	v34 =	vld.idx.msk [tilespmem:v30+s29+$0x0], $0xffff;
	v3 =	vadd.f32 v4, v3;
	v4 =	vmul.f32 v28, v11  }
0x26c: {  	v36 =	vor.u32 $0x73, v2;
	v12 =	vld.idx.msk [tilespmem:v29+s29+$0x0], $0xffff  }
0x26d: {  	v35 =	vor.u32 $0x33, v2;
	v6 =	vld.idx.msk [tilespmem:v6+s29+$0x0], $0xffff;
	v3 =	vadd.f32 v4, v3;
	v4 =	vmul.f32 v5, v13  }
0x26e: {  	v37 =	vor.u32 $0x34, v2;
	v5 =	vld.idx.msk [tilespmem:v31+s29+$0x0], $0xffff  }
0x26f: {  	v38 =	vor.u32 $0x74, v2;
	v8 =	vld.idx.msk [tilespmem:v32+s29+$0x0], $0xffff;
	v3 =	vadd.f32 v4, v3;
	v4 =	vmul.f32 v7, v10  }
0x270: {  	v39 =	vor.u32 $0x35, v2;
	v7 =	vld.idx.msk [tilespmem:v33+s29+$0x0], $0xffff  }
0x271: {  	v40 =	vor.u32 $0x75, v2;
	v41 =	vld.idx.msk [tilespmem:v36+s29+$0x0], $0xffff;
	v3 =	vadd.f32 v4, v3;
	v4 =	vmul.f32 v34, v12  }
0x272: {  	v43 =	vor.u32 $0x76, v2;
	v11 =	vld.idx.msk [tilespmem:v35+s29+$0x0], $0xffff  }
0x273: {  	v42 =	vor.u32 $0x36, v2;
	v13 =	vld.idx.msk [tilespmem:v37+s29+$0x0], $0xffff;
	v3 =	vadd.f32 v4, v3;
	v4 =	vmul.f32 v5, v6  }
0x274: {  	v5 =	vld.idx.msk [tilespmem:v38+s29+$0x0], $0xffff;
	v6 =	vor.u32 $0x37, v2  }
0x275: {  	v44 =	vor.u32 $0x77, v2;
	v10 =	vld.idx.msk [tilespmem:v39+s29+$0x0], $0xffff;
	v3 =	vadd.f32 v4, v3;
	v4 =	vmul.f32 v7, v8  }
0x276: {  	v45 =	vor.u32 $0x38, v2;
	v7 =	vld.idx.msk [tilespmem:v40+s29+$0x0], $0xffff  }
0x277: {  	v46 =	vor.u32 $0x78, v2;
	v47 =	vld.idx.msk [tilespmem:v43+s29+$0x0], $0xffff;
	v3 =	vadd.f32 v4, v3;
	v4 =	vmul.f32 v41, v11  }
0x278: {  	v49 =	vor.u32 $0x79, v2;
	v12 =	vld.idx.msk [tilespmem:v42+s29+$0x0], $0xffff  }
0x279: {  	v48 =	vor.u32 $0x39, v2;
	v6 =	vld.idx.msk [tilespmem:v6+s29+$0x0], $0xffff;
	v3 =	vadd.f32 v4, v3;
	v4 =	vmul.f32 v5, v13  }
0x27a: {  	v50 =	vor.u32 $0x3A, v2;
	v5 =	vld.idx.msk [tilespmem:v44+s29+$0x0], $0xffff  }
0x27b: {  	v51 =	vor.u32 $0x7A, v2;
	v8 =	vld.idx.msk [tilespmem:v45+s29+$0x0], $0xffff;
	v3 =	vadd.f32 v4, v3;
	v4 =	vmul.f32 v7, v10  }
0x27c: {  	v52 =	vor.u32 $0x3B, v2;
	v7 =	vld.idx.msk [tilespmem:v46+s29+$0x0], $0xffff  }
0x27d: {  	v53 =	vor.u32 $0x7B, v2;
	v54 =	vld.idx.msk [tilespmem:v49+s29+$0x0], $0xffff;
	v3 =	vadd.f32 v4, v3;
	v4 =	vmul.f32 v47, v12  }
0x27e: {  	v56 =	vor.u32 $0x7C, v2;
	v11 =	vld.idx.msk [tilespmem:v48+s29+$0x0], $0xffff  }
0x27f: {  	v55 =	vor.u32 $0x3C, v2;
	v13 =	vld.idx.msk [tilespmem:v50+s29+$0x0], $0xffff;
	v3 =	vadd.f32 v4, v3;
	v4 =	vmul.f32 v5, v6  }
0x280: {  	v5 =	vld.idx.msk [tilespmem:v51+s29+$0x0], $0xffff;
	v6 =	vor.u32 $0x3D, v2  }
0x281: {  	v57 =	vor.u32 $0x7D, v2;
	v10 =	vld.idx.msk [tilespmem:v52+s29+$0x0], $0xffff;
	v3 =	vadd.f32 v4, v3;
	v4 =	vmul.f32 v7, v8  }
0x282: {  	v58 =	vor.u32 $0x3E, v2;
	v7 =	vld.idx.msk [tilespmem:v53+s29+$0x0], $0xffff  }
0x283: {  	v59 =	vor.u32 $0x7E, v2;
	v60 =	vld.idx.msk [tilespmem:v56+s29+$0x0], $0xffff;
	v3 =	vadd.f32 v4, v3;
	v4 =	vmul.f32 v54, v11  }
0x284: {  	v61 =	vor.u32 $0x3F, v2;
	v12 =	vld.idx.msk [tilespmem:v55+s29+$0x0], $0xffff  }
0x285: {  	v2 =	vor.u32 $0x7F, v2;
	v6 =	vld.idx.msk [tilespmem:v6+s29+$0x0], $0xffff;
	v3 =	vadd.f32 v4, v3;
	v4 =	vmul.f32 v5, v13  }
0x286: {  	v5 =	vld.idx.msk [tilespmem:v57+s29+$0x0], $0xffff  }
0x287: {  	v8 =	vld.idx.msk [tilespmem:v58+s29+$0x0], $0xffff;
	v3 =	vadd.f32 v4, v3;
	v4 =	vmul.f32 v7, v10  }
0x288: {  	v7 =	vld.idx.msk [tilespmem:v59+s29+$0x0], $0xffff  }
0x289: {  	v62 =	vld.idx.msk [tilespmem:v61+s29+$0x0], $0xffff;
	v3 =	vadd.f32 v4, v3;
	v4 =	vmul.f32 v60, v12  }
0x28a: {  	v63 =	vld.idx.msk [tilespmem:v2+s29+$0x0], $0xffff  }
0x28b: {  	v2 =	vadd.f32 v4, v3;
	v3 =	vmul.f32 v5, v6  }
0x28c: {  	s16 =	simm.s32 $0x20  }
0x28d: {  	v4 =	vmov s16;
	v5 =	vmul.f32 v7, v8;
	v3 =	vadd.f32 v3, v2  }
0x28e: {  	v2 =	vshll.u32 v4, $0x7  }
0x28f: {  	s16 =	simm.s32 $0x30;
	v4 =	vmul.f32 v63, v62;
	v2 =	vor.u32 v0, v2;
	v3 =	vadd.f32 v5, v3  }
.LBB2_4:
0x290: {  	p0 =	sne.s32 s16, $0x1F0  }
0x291: {  	v3 =	vadd.f32 v4, v3  }
0x292: {  	s3 =	sadd.s32 $0x10, s3;
	v4 =	vor.u32 $0x40, v2  }
0x293: {  	v5 =	vor.u32 $0x1, v2;
	[tilespmem:s3+$0x0] =	vst v3  }
0x294: {  	v6 =	vor.u32 $0x41, v2;
	s13 =	sadd.s32 $0x10, s13;
	v3 =	vld.idx.msk [tilespmem:v2+s29+$0x0], $0xffff  }
0x295: {  	v8 =	vor.u32 $0x2, v2;
	s15 =	sadd.s32 $0x10, s15;
	v7 =	vld [tilespmem:s13+$0x0]  }
0x296: {  	v10 =	vor.u32 $0x42, v2;
	v9 =	vld [tilespmem:s15+$0x0]  }
0x297: {  	v11 =	vor.u32 $0x3, v2;
	v4 =	vld.idx.msk [tilespmem:v4+s29+$0x0], $0xffff  }
0x298: {  	v12 =	vor.u32 $0x43, v2;
	v5 =	vld.idx.msk [tilespmem:v5+s29+$0x0], $0xffff  }
0x299: {  	v13 =	vor.u32 $0x4, v2;
	v6 =	vld.idx.msk [tilespmem:v6+s29+$0x0], $0xffff  }
0x29a: {  	v14 =	vor.u32 $0x44, v2;
	v8 =	vld.idx.msk [tilespmem:v8+s29+$0x0], $0xffff  }
0x29b: {  	v7 =	vadd.f32 v7, v9;
	v9 =	vld.idx.msk [tilespmem:v10+s29+$0x0], $0xffff;
	v10 =	vor.u32 $0x5, v2  }
0x29c: {  	v15 =	vor.u32 $0x45, v2;
	v11 =	vld.idx.msk [tilespmem:v11+s29+$0x0], $0xffff  }
0x29d: {  	v3 =	vmul.f32 v4, v3;
	v7 =	vadd.f32 v7, v1;
	v4 =	vld.idx.msk [tilespmem:v12+s29+$0x0], $0xffff;
	v12 =	vor.u32 $0x6, v2  }
0x29e: {  	v16 =	vor.u32 $0x46, v2;
	v13 =	vld.idx.msk [tilespmem:v13+s29+$0x0], $0xffff  }
0x29f: {  	v5 =	vmul.f32 v6, v5;
	v3 =	vadd.f32 v3, v7;
	v6 =	vld.idx.msk [tilespmem:v14+s29+$0x0], $0xffff;
	v7 =	vor.u32 $0x7, v2  }
0x2a0: {  	v14 =	vor.u32 $0x47, v2;
	v10 =	vld.idx.msk [tilespmem:v10+s29+$0x0], $0xffff  }
0x2a1: {  	v3 =	vadd.f32 v5, v3;
	v5 =	vmul.f32 v9, v8;
	v8 =	vld.idx.msk [tilespmem:v15+s29+$0x0], $0xffff;
	v9 =	vor.u32 $0x8, v2  }
0x2a2: {  	v15 =	vor.u32 $0x48, v2;
	v12 =	vld.idx.msk [tilespmem:v12+s29+$0x0], $0xffff  }
0x2a3: {  	v4 =	vmul.f32 v4, v11;
	v11 =	vor.u32 $0x9, v2;
	v3 =	vadd.f32 v5, v3;
	v5 =	vld.idx.msk [tilespmem:v16+s29+$0x0], $0xffff  }
0x2a4: {  	v16 =	vor.u32 $0x49, v2;
	v7 =	vld.idx.msk [tilespmem:v7+s29+$0x0], $0xffff  }
0x2a5: {  	v3 =	vadd.f32 v4, v3;
	v4 =	vmul.f32 v6, v13;
	v6 =	vld.idx.msk [tilespmem:v14+s29+$0x0], $0xffff;
	v13 =	vor.u32 $0xA, v2  }
0x2a6: {  	v14 =	vor.u32 $0x4A, v2;
	v9 =	vld.idx.msk [tilespmem:v9+s29+$0x0], $0xffff  }
0x2a7: {  	v3 =	vadd.f32 v4, v3;
	v4 =	vmul.f32 v8, v10;
	v8 =	vld.idx.msk [tilespmem:v15+s29+$0x0], $0xffff;
	v10 =	vor.u32 $0xB, v2  }
0x2a8: {  	v15 =	vor.u32 $0x4B, v2;
	v11 =	vld.idx.msk [tilespmem:v11+s29+$0x0], $0xffff  }
0x2a9: {  	v3 =	vadd.f32 v4, v3;
	v4 =	vmul.f32 v5, v12;
	v5 =	vld.idx.msk [tilespmem:v16+s29+$0x0], $0xffff;
	v12 =	vor.u32 $0xC, v2  }
0x2aa: {  	v16 =	vor.u32 $0x4C, v2;
	v13 =	vld.idx.msk [tilespmem:v13+s29+$0x0], $0xffff  }
0x2ab: {  	v3 =	vadd.f32 v4, v3;
	v4 =	vmul.f32 v6, v7;
	v6 =	vld.idx.msk [tilespmem:v14+s29+$0x0], $0xffff;
	v7 =	vor.u32 $0xD, v2  }
0x2ac: {  	v14 =	vor.u32 $0x4D, v2;
	v10 =	vld.idx.msk [tilespmem:v10+s29+$0x0], $0xffff  }
0x2ad: {  	v3 =	vadd.f32 v4, v3;
	v4 =	vmul.f32 v8, v9;
	v8 =	vld.idx.msk [tilespmem:v15+s29+$0x0], $0xffff;
	v9 =	vor.u32 $0xE, v2  }
0x2ae: {  	v15 =	vor.u32 $0x4E, v2;
	v12 =	vld.idx.msk [tilespmem:v12+s29+$0x0], $0xffff  }
0x2af: {  	v3 =	vadd.f32 v4, v3;
	v4 =	vmul.f32 v5, v11;
	v5 =	vld.idx.msk [tilespmem:v16+s29+$0x0], $0xffff;
	v11 =	vor.u32 $0xF, v2  }
0x2b0: {  	v16 =	vor.u32 $0x4F, v2;
	v7 =	vld.idx.msk [tilespmem:v7+s29+$0x0], $0xffff  }
0x2b1: {  	v3 =	vadd.f32 v4, v3;
	v4 =	vmul.f32 v6, v13;
	v6 =	vld.idx.msk [tilespmem:v14+s29+$0x0], $0xffff;
	v13 =	vor.u32 $0x10, v2  }
0x2b2: {  	v14 =	vor.u32 $0x50, v2;
	v9 =	vld.idx.msk [tilespmem:v9+s29+$0x0], $0xffff  }
0x2b3: {  	v3 =	vadd.f32 v4, v3;
	v4 =	vmul.f32 v8, v10;
	v8 =	vld.idx.msk [tilespmem:v15+s29+$0x0], $0xffff;
	v10 =	vor.u32 $0x11, v2  }
0x2b4: {  	v15 =	vor.u32 $0x51, v2;
	v11 =	vld.idx.msk [tilespmem:v11+s29+$0x0], $0xffff  }
0x2b5: {  	v3 =	vadd.f32 v4, v3;
	v4 =	vmul.f32 v5, v12;
	v5 =	vld.idx.msk [tilespmem:v16+s29+$0x0], $0xffff;
	v12 =	vor.u32 $0x12, v2  }
0x2b6: {  	v16 =	vor.u32 $0x52, v2;
	v13 =	vld.idx.msk [tilespmem:v13+s29+$0x0], $0xffff  }
0x2b7: {  	v3 =	vadd.f32 v4, v3;
	v4 =	vmul.f32 v6, v7;
	v6 =	vld.idx.msk [tilespmem:v14+s29+$0x0], $0xffff;
	v7 =	vor.u32 $0x13, v2  }
0x2b8: {  	v14 =	vor.u32 $0x53, v2;
	v10 =	vld.idx.msk [tilespmem:v10+s29+$0x0], $0xffff  }
0x2b9: {  	v3 =	vadd.f32 v4, v3;
	v4 =	vmul.f32 v8, v9;
	v8 =	vld.idx.msk [tilespmem:v15+s29+$0x0], $0xffff;
	v9 =	vor.u32 $0x14, v2  }
0x2ba: {  	v15 =	vor.u32 $0x54, v2;
	v12 =	vld.idx.msk [tilespmem:v12+s29+$0x0], $0xffff  }
0x2bb: {  	v3 =	vadd.f32 v4, v3;
	v4 =	vmul.f32 v5, v11;
	v5 =	vld.idx.msk [tilespmem:v16+s29+$0x0], $0xffff;
	v11 =	vor.u32 $0x15, v2  }
0x2bc: {  	v16 =	vor.u32 $0x55, v2;
	v7 =	vld.idx.msk [tilespmem:v7+s29+$0x0], $0xffff  }
0x2bd: {  	v3 =	vadd.f32 v4, v3;
	v4 =	vmul.f32 v6, v13;
	v6 =	vld.idx.msk [tilespmem:v14+s29+$0x0], $0xffff;
	v13 =	vor.u32 $0x16, v2  }
0x2be: {  	v14 =	vor.u32 $0x56, v2;
	v9 =	vld.idx.msk [tilespmem:v9+s29+$0x0], $0xffff  }
0x2bf: {  	v3 =	vadd.f32 v4, v3;
	v4 =	vmul.f32 v8, v10;
	v8 =	vld.idx.msk [tilespmem:v15+s29+$0x0], $0xffff;
	v10 =	vor.u32 $0x17, v2  }
0x2c0: {  	v15 =	vor.u32 $0x57, v2;
	v11 =	vld.idx.msk [tilespmem:v11+s29+$0x0], $0xffff  }
0x2c1: {  	v3 =	vadd.f32 v4, v3;
	v4 =	vmul.f32 v5, v12;
	v5 =	vld.idx.msk [tilespmem:v16+s29+$0x0], $0xffff;
	v12 =	vor.u32 $0x18, v2  }
0x2c2: {  	v16 =	vor.u32 $0x58, v2;
	v13 =	vld.idx.msk [tilespmem:v13+s29+$0x0], $0xffff  }
0x2c3: {  	v3 =	vadd.f32 v4, v3;
	v4 =	vmul.f32 v6, v7;
	v6 =	vld.idx.msk [tilespmem:v14+s29+$0x0], $0xffff;
	v7 =	vor.u32 $0x19, v2  }
0x2c4: {  	v14 =	vor.u32 $0x59, v2;
	v10 =	vld.idx.msk [tilespmem:v10+s29+$0x0], $0xffff  }
0x2c5: {  	v3 =	vadd.f32 v4, v3;
	v4 =	vmul.f32 v8, v9;
	v8 =	vld.idx.msk [tilespmem:v15+s29+$0x0], $0xffff;
	v9 =	vor.u32 $0x1A, v2  }
0x2c6: {  	v15 =	vor.u32 $0x5A, v2;
	v12 =	vld.idx.msk [tilespmem:v12+s29+$0x0], $0xffff  }
0x2c7: {  	v3 =	vadd.f32 v4, v3;
	v4 =	vmul.f32 v5, v11;
	v5 =	vld.idx.msk [tilespmem:v16+s29+$0x0], $0xffff;
	v11 =	vor.u32 $0x1B, v2  }
0x2c8: {  	v16 =	vor.u32 $0x5B, v2;
	v7 =	vld.idx.msk [tilespmem:v7+s29+$0x0], $0xffff  }
0x2c9: {  	v3 =	vadd.f32 v4, v3;
	v4 =	vmul.f32 v6, v13;
	v6 =	vld.idx.msk [tilespmem:v14+s29+$0x0], $0xffff;
	v13 =	vor.u32 $0x1C, v2  }
0x2ca: {  	v14 =	vor.u32 $0x5C, v2;
	v9 =	vld.idx.msk [tilespmem:v9+s29+$0x0], $0xffff  }
0x2cb: {  	v3 =	vadd.f32 v4, v3;
	v4 =	vmul.f32 v8, v10;
	v8 =	vld.idx.msk [tilespmem:v15+s29+$0x0], $0xffff;
	v10 =	vor.u32 $0x1D, v2  }
0x2cc: {  	v15 =	vor.u32 $0x5D, v2;
	v11 =	vld.idx.msk [tilespmem:v11+s29+$0x0], $0xffff  }
0x2cd: {  	v3 =	vadd.f32 v4, v3;
	v4 =	vmul.f32 v5, v12;
	v5 =	vld.idx.msk [tilespmem:v16+s29+$0x0], $0xffff;
	v12 =	vor.u32 $0x1E, v2  }
0x2ce: {  	v16 =	vor.u32 $0x5E, v2;
	v13 =	vld.idx.msk [tilespmem:v13+s29+$0x0], $0xffff  }
0x2cf: {  	v3 =	vadd.f32 v4, v3;
	v4 =	vmul.f32 v6, v7;
	v6 =	vld.idx.msk [tilespmem:v14+s29+$0x0], $0xffff;
	v7 =	vor.u32 $0x1F, v2  }
0x2d0: {  	v14 =	vor.u32 $0x5F, v2;
	v10 =	vld.idx.msk [tilespmem:v10+s29+$0x0], $0xffff  }
0x2d1: {  	v3 =	vadd.f32 v4, v3;
	v4 =	vmul.f32 v8, v9;
	v8 =	vld.idx.msk [tilespmem:v15+s29+$0x0], $0xffff;
	v9 =	vor.u32 $0x20, v2  }
0x2d2: {  	v15 =	vor.u32 $0x60, v2;
	v12 =	vld.idx.msk [tilespmem:v12+s29+$0x0], $0xffff  }
0x2d3: {  	v3 =	vadd.f32 v4, v3;
	v4 =	vmul.f32 v5, v11;
	v5 =	vld.idx.msk [tilespmem:v16+s29+$0x0], $0xffff;
	v11 =	vor.u32 $0x21, v2  }
0x2d4: {  	v16 =	vor.u32 $0x61, v2;
	v7 =	vld.idx.msk [tilespmem:v7+s29+$0x0], $0xffff  }
0x2d5: {  	v3 =	vadd.f32 v4, v3;
	v4 =	vmul.f32 v6, v13;
	v6 =	vld.idx.msk [tilespmem:v14+s29+$0x0], $0xffff;
	v13 =	vor.u32 $0x22, v2  }
0x2d6: {  	v14 =	vor.u32 $0x62, v2;
	v9 =	vld.idx.msk [tilespmem:v9+s29+$0x0], $0xffff  }
0x2d7: {  	v3 =	vadd.f32 v4, v3;
	v4 =	vmul.f32 v8, v10;
	v8 =	vld.idx.msk [tilespmem:v15+s29+$0x0], $0xffff;
	v10 =	vor.u32 $0x23, v2  }
0x2d8: {  	v15 =	vor.u32 $0x63, v2;
	v11 =	vld.idx.msk [tilespmem:v11+s29+$0x0], $0xffff  }
0x2d9: {  	v3 =	vadd.f32 v4, v3;
	v4 =	vmul.f32 v5, v12;
	v5 =	vld.idx.msk [tilespmem:v16+s29+$0x0], $0xffff;
	v12 =	vor.u32 $0x24, v2  }
0x2da: {  	v16 =	vor.u32 $0x64, v2;
	v13 =	vld.idx.msk [tilespmem:v13+s29+$0x0], $0xffff  }
0x2db: {  	v3 =	vadd.f32 v4, v3;
	v4 =	vmul.f32 v6, v7;
	v6 =	vld.idx.msk [tilespmem:v14+s29+$0x0], $0xffff;
	v7 =	vor.u32 $0x25, v2  }
0x2dc: {  	v14 =	vor.u32 $0x65, v2;
	v10 =	vld.idx.msk [tilespmem:v10+s29+$0x0], $0xffff  }
0x2dd: {  	v3 =	vadd.f32 v4, v3;
	v4 =	vmul.f32 v8, v9;
	v8 =	vld.idx.msk [tilespmem:v15+s29+$0x0], $0xffff;
	v9 =	vor.u32 $0x26, v2  }
0x2de: {  	v15 =	vor.u32 $0x66, v2;
	v12 =	vld.idx.msk [tilespmem:v12+s29+$0x0], $0xffff  }
0x2df: {  	v3 =	vadd.f32 v4, v3;
	v4 =	vmul.f32 v5, v11;
	v5 =	vld.idx.msk [tilespmem:v16+s29+$0x0], $0xffff;
	v11 =	vor.u32 $0x27, v2  }
0x2e0: {  	v16 =	vor.u32 $0x67, v2;
	v7 =	vld.idx.msk [tilespmem:v7+s29+$0x0], $0xffff  }
0x2e1: {  	v3 =	vadd.f32 v4, v3;
	v4 =	vmul.f32 v6, v13;
	v6 =	vld.idx.msk [tilespmem:v14+s29+$0x0], $0xffff;
	v13 =	vor.u32 $0x28, v2  }
0x2e2: {  	v14 =	vor.u32 $0x68, v2;
	v9 =	vld.idx.msk [tilespmem:v9+s29+$0x0], $0xffff  }
0x2e3: {  	v3 =	vadd.f32 v4, v3;
	v4 =	vmul.f32 v8, v10;
	v8 =	vld.idx.msk [tilespmem:v15+s29+$0x0], $0xffff;
	v10 =	vor.u32 $0x29, v2  }
0x2e4: {  	v15 =	vor.u32 $0x69, v2;
	v11 =	vld.idx.msk [tilespmem:v11+s29+$0x0], $0xffff  }
0x2e5: {  	v3 =	vadd.f32 v4, v3;
	v4 =	vmul.f32 v5, v12;
	v5 =	vld.idx.msk [tilespmem:v16+s29+$0x0], $0xffff;
	v12 =	vor.u32 $0x2A, v2  }
0x2e6: {  	v16 =	vor.u32 $0x6A, v2;
	v13 =	vld.idx.msk [tilespmem:v13+s29+$0x0], $0xffff  }
0x2e7: {  	v3 =	vadd.f32 v4, v3;
	v4 =	vmul.f32 v6, v7;
	v6 =	vld.idx.msk [tilespmem:v14+s29+$0x0], $0xffff;
	v7 =	vor.u32 $0x2B, v2  }
0x2e8: {  	v14 =	vor.u32 $0x6B, v2;
	v10 =	vld.idx.msk [tilespmem:v10+s29+$0x0], $0xffff  }
0x2e9: {  	v3 =	vadd.f32 v4, v3;
	v4 =	vmul.f32 v8, v9;
	v8 =	vld.idx.msk [tilespmem:v15+s29+$0x0], $0xffff;
	v9 =	vor.u32 $0x2C, v2  }
0x2ea: {  	v15 =	vor.u32 $0x6C, v2;
	v12 =	vld.idx.msk [tilespmem:v12+s29+$0x0], $0xffff  }
0x2eb: {  	v3 =	vadd.f32 v4, v3;
	v4 =	vmul.f32 v5, v11;
	v5 =	vld.idx.msk [tilespmem:v16+s29+$0x0], $0xffff;
	v11 =	vor.u32 $0x2D, v2  }
0x2ec: {  	v16 =	vor.u32 $0x6D, v2;
	v7 =	vld.idx.msk [tilespmem:v7+s29+$0x0], $0xffff  }
0x2ed: {  	v3 =	vadd.f32 v4, v3;
	v4 =	vmul.f32 v6, v13;
	v6 =	vld.idx.msk [tilespmem:v14+s29+$0x0], $0xffff;
	v13 =	vor.u32 $0x2E, v2  }
0x2ee: {  	v14 =	vor.u32 $0x6E, v2;
	v9 =	vld.idx.msk [tilespmem:v9+s29+$0x0], $0xffff  }
0x2ef: {  	v3 =	vadd.f32 v4, v3;
	v4 =	vmul.f32 v8, v10;
	v8 =	vld.idx.msk [tilespmem:v15+s29+$0x0], $0xffff;
	v10 =	vor.u32 $0x2F, v2  }
0x2f0: {  	v15 =	vor.u32 $0x6F, v2;
	v11 =	vld.idx.msk [tilespmem:v11+s29+$0x0], $0xffff  }
0x2f1: {  	v3 =	vadd.f32 v4, v3;
	v4 =	vmul.f32 v5, v12;
	v5 =	vld.idx.msk [tilespmem:v16+s29+$0x0], $0xffff;
	v12 =	vor.u32 $0x30, v2  }
0x2f2: {  	v16 =	vor.u32 $0x70, v2;
	v13 =	vld.idx.msk [tilespmem:v13+s29+$0x0], $0xffff  }
0x2f3: {  	v3 =	vadd.f32 v4, v3;
	v4 =	vmul.f32 v6, v7;
	v6 =	vld.idx.msk [tilespmem:v14+s29+$0x0], $0xffff;
	v7 =	vor.u32 $0x31, v2  }
0x2f4: {  	v14 =	vor.u32 $0x71, v2;
	v10 =	vld.idx.msk [tilespmem:v10+s29+$0x0], $0xffff  }
0x2f5: {  	v3 =	vadd.f32 v4, v3;
	v4 =	vmul.f32 v8, v9;
	v8 =	vld.idx.msk [tilespmem:v15+s29+$0x0], $0xffff;
	v9 =	vor.u32 $0x32, v2  }
0x2f6: {  	v15 =	vor.u32 $0x72, v2;
	v12 =	vld.idx.msk [tilespmem:v12+s29+$0x0], $0xffff  }
0x2f7: {  	v3 =	vadd.f32 v4, v3;
	v4 =	vmul.f32 v5, v11;
	v5 =	vld.idx.msk [tilespmem:v16+s29+$0x0], $0xffff;
	v11 =	vor.u32 $0x33, v2  }
0x2f8: {  	v16 =	vor.u32 $0x73, v2;
	v7 =	vld.idx.msk [tilespmem:v7+s29+$0x0], $0xffff  }
0x2f9: {  	v3 =	vadd.f32 v4, v3;
	v4 =	vmul.f32 v6, v13;
	v6 =	vld.idx.msk [tilespmem:v14+s29+$0x0], $0xffff;
	v13 =	vor.u32 $0x34, v2  }
0x2fa: {  	v14 =	vor.u32 $0x74, v2;
	v9 =	vld.idx.msk [tilespmem:v9+s29+$0x0], $0xffff  }
0x2fb: {  	v3 =	vadd.f32 v4, v3;
	v4 =	vmul.f32 v8, v10;
	v8 =	vld.idx.msk [tilespmem:v15+s29+$0x0], $0xffff;
	v10 =	vor.u32 $0x35, v2  }
0x2fc: {  	v15 =	vor.u32 $0x75, v2;
	v11 =	vld.idx.msk [tilespmem:v11+s29+$0x0], $0xffff  }
0x2fd: {  	v3 =	vadd.f32 v4, v3;
	v4 =	vmul.f32 v5, v12;
	v5 =	vld.idx.msk [tilespmem:v16+s29+$0x0], $0xffff;
	v12 =	vor.u32 $0x36, v2  }
0x2fe: {  	v16 =	vor.u32 $0x76, v2;
	v13 =	vld.idx.msk [tilespmem:v13+s29+$0x0], $0xffff  }
0x2ff: {  	v3 =	vadd.f32 v4, v3;
	v4 =	vmul.f32 v6, v7;
	v6 =	vld.idx.msk [tilespmem:v14+s29+$0x0], $0xffff;
	v7 =	vor.u32 $0x37, v2  }
0x300: {  	v14 =	vor.u32 $0x77, v2;
	v10 =	vld.idx.msk [tilespmem:v10+s29+$0x0], $0xffff  }
0x301: {  	v3 =	vadd.f32 v4, v3;
	v4 =	vmul.f32 v8, v9;
	v8 =	vld.idx.msk [tilespmem:v15+s29+$0x0], $0xffff;
	v9 =	vor.u32 $0x38, v2  }
0x302: {  	v15 =	vor.u32 $0x78, v2;
	v12 =	vld.idx.msk [tilespmem:v12+s29+$0x0], $0xffff  }
0x303: {  	v3 =	vadd.f32 v4, v3;
	v4 =	vmul.f32 v5, v11;
	v5 =	vld.idx.msk [tilespmem:v16+s29+$0x0], $0xffff;
	v11 =	vor.u32 $0x39, v2  }
0x304: {  	v16 =	vor.u32 $0x79, v2;
	v7 =	vld.idx.msk [tilespmem:v7+s29+$0x0], $0xffff  }
0x305: {  	v3 =	vadd.f32 v4, v3;
	v4 =	vmul.f32 v6, v13;
	v6 =	vld.idx.msk [tilespmem:v14+s29+$0x0], $0xffff;
	v13 =	vor.u32 $0x3A, v2  }
0x306: {  	v14 =	vor.u32 $0x7A, v2;
	v9 =	vld.idx.msk [tilespmem:v9+s29+$0x0], $0xffff  }
0x307: {  	v3 =	vadd.f32 v4, v3;
	v4 =	vmul.f32 v8, v10;
	v8 =	vld.idx.msk [tilespmem:v15+s29+$0x0], $0xffff;
	v10 =	vor.u32 $0x3B, v2  }
0x308: {  	v15 =	vor.u32 $0x7B, v2;
	v11 =	vld.idx.msk [tilespmem:v11+s29+$0x0], $0xffff  }
0x309: {  	v3 =	vadd.f32 v4, v3;
	v4 =	vmul.f32 v5, v12;
	v5 =	vld.idx.msk [tilespmem:v16+s29+$0x0], $0xffff;
	v12 =	vor.u32 $0x3C, v2  }
0x30a: {  	v16 =	vor.u32 $0x7C, v2;
	v13 =	vld.idx.msk [tilespmem:v13+s29+$0x0], $0xffff  }
0x30b: {  	v3 =	vadd.f32 v4, v3;
	v4 =	vmul.f32 v6, v7;
	v6 =	vld.idx.msk [tilespmem:v14+s29+$0x0], $0xffff;
	v7 =	vor.u32 $0x3D, v2  }
0x30c: {  	v14 =	vor.u32 $0x7D, v2;
	v10 =	vld.idx.msk [tilespmem:v10+s29+$0x0], $0xffff  }
0x30d: {  	v3 =	vadd.f32 v4, v3;
	v4 =	vmul.f32 v8, v9;
	v8 =	vld.idx.msk [tilespmem:v15+s29+$0x0], $0xffff;
	v9 =	vor.u32 $0x3E, v2  }
0x30e: {  	v15 =	vor.u32 $0x7E, v2;
	v12 =	vld.idx.msk [tilespmem:v12+s29+$0x0], $0xffff  }
0x30f: {  	v3 =	vadd.f32 v4, v3;
	v4 =	vmul.f32 v5, v11;
	v5 =	vld.idx.msk [tilespmem:v16+s29+$0x0], $0xffff;
	v11 =	vor.u32 $0x3F, v2  }
0x310: {  	v2 =	vor.u32 $0x7F, v2;
	v7 =	vld.idx.msk [tilespmem:v7+s29+$0x0], $0xffff  }
0x311: {  	v3 =	vadd.f32 v4, v3;
	v4 =	vmul.f32 v6, v13;
	v6 =	vld.idx.msk [tilespmem:v14+s29+$0x0], $0xffff  }
0x312: {  	v9 =	vld.idx.msk [tilespmem:v9+s29+$0x0], $0xffff  }
0x313: {  	v3 =	vadd.f32 v4, v3;
	v4 =	vmul.f32 v8, v10;
	v8 =	vld.idx.msk [tilespmem:v15+s29+$0x0], $0xffff  }
0x314: {  	v10 =	vld.idx.msk [tilespmem:v11+s29+$0x0], $0xffff  }
0x315: {  	v3 =	vadd.f32 v4, v3;
	v4 =	vmul.f32 v5, v12;
	v5 =	vld.idx.msk [tilespmem:v2+s29+$0x0], $0xffff;
	_ =	sdelay $0x1  }
.Ltmp1:
0x316: {  	v2 =	vadd.f32 v4, v3;
	v3 =	vmul.f32 v6, v7;
	(pc) =	sbr.rel @p0 .LBB2_4-.Ltmp1, $4  }
0x317: {  	_ = 	snop  }
0x318: {  	v4 =	vmov s16;
	v6 =	vmul.f32 v8, v9;
	v3 =	vadd.f32 v3, v2  }
0x319: {  	v2 =	vshll.u32 v4, $0x7  }
0x31a: {  	s16 =	sadd.s32 $0x10, s16;
	v2 =	vor.u32 v0, v2;
	v4 =	vmul.f32 v5, v10;
	v3 =	vadd.f32 v6, v3  }
0x31b: {  	_ = 	snop  }
0x31c: {  	v3 =	vadd.f32 v4, v3  }
0x31d: {  	v23 =	vor.u32 $0x40, v2;
	s3 =	sadd.s32 $0x10, s3  }
0x31e: {  	v5 =	vor.u32 $0x1, v2;
	s13 =	sadd.s32 $0x10, s13;
	[tilespmem:s3+$0x0] =	vst v3  }
0x31f: {  	s23 =	sadd.s32 $0x10, s15;
	v3 =	vor.u32 $0x41, v2;
	v6 =	vld [tilespmem:s13+$0x0]  }
0x320: {  	v7 =	vor.u32 $0x2, v2;
	v8 =	vld [tilespmem:s23+$0x0]  }
0x321: {  	v10 =	vor.u32 $0x42, v2;
	v9 =	vld.idx.msk [tilespmem:v2+s29+$0x0], $0xffff  }
0x322: {  	v11 =	vor.u32 $0x3, v2;
	v4 =	vld.idx.msk [tilespmem:v23+s29+$0x0], $0xffff  }
0x323: {  	v12 =	vor.u32 $0x43, v2;
	v5 =	vld.idx.msk [tilespmem:v5+s29+$0x0], $0xffff  }
0x324: {  	v13 =	vor.u32 $0x4, v2;
	v3 =	vld.idx.msk [tilespmem:v3+s29+$0x0], $0xffff  }
0x325: {  	v14 =	vor.u32 $0x44, v2;
	v7 =	vld.idx.msk [tilespmem:v7+s29+$0x0], $0xffff;
	v6 =	vadd.f32 v6, v8  }
0x326: {  	v25 =	vor.u32 $0x5, v2;
	v24 =	vld.idx.msk [tilespmem:v10+s29+$0x0], $0xffff  }
0x327: {  	v15 =	vor.u32 $0x45, v2;
	v11 =	vld.idx.msk [tilespmem:v11+s29+$0x0], $0xffff;
	v4 =	vmul.f32 v4, v9;
	v1 =	vadd.f32 v6, v1  }
0x328: {  	v29 =	vor.u32 $0x46, v2;
	v26 =	vld.idx.msk [tilespmem:v12+s29+$0x0], $0xffff  }
0x329: {  	v27 =	vor.u32 $0x6, v2;
	v28 =	vld.idx.msk [tilespmem:v13+s29+$0x0], $0xffff;
	v1 =	vadd.f32 v4, v1;
	v3 =	vmul.f32 v3, v5  }
0x32a: {  	v32 =	vor.u32 $0x47, v2;
	v30 =	vld.idx.msk [tilespmem:v14+s29+$0x0], $0xffff  }
0x32b: {  	v31 =	vor.u32 $0x7, v2;
	v10 =	vld.idx.msk [tilespmem:v25+s29+$0x0], $0xffff;
	v1 =	vadd.f32 v3, v1;
	v3 =	vmul.f32 v24, v7  }
0x32c: {  	v35 =	vor.u32 $0x48, v2;
	v33 =	vld.idx.msk [tilespmem:v15+s29+$0x0], $0xffff  }
0x32d: {  	v34 =	vor.u32 $0x8, v2;
	v36 =	vld.idx.msk [tilespmem:v29+s29+$0x0], $0xffff;
	v1 =	vadd.f32 v3, v1;
	v3 =	vmul.f32 v26, v11  }
0x32e: {  	v38 =	vor.u32 $0x49, v2;
	v9 =	vld.idx.msk [tilespmem:v27+s29+$0x0], $0xffff  }
0x32f: {  	v37 =	vor.u32 $0x9, v2;
	v39 =	vld.idx.msk [tilespmem:v32+s29+$0x0], $0xffff;
	v1 =	vadd.f32 v3, v1;
	v3 =	vmul.f32 v30, v28  }
0x330: {  	v40 =	vor.u32 $0xA, v2;
	v5 =	vld.idx.msk [tilespmem:v31+s29+$0x0], $0xffff  }
0x331: {  	v41 =	vor.u32 $0x4A, v2;
	v42 =	vld.idx.msk [tilespmem:v35+s29+$0x0], $0xffff;
	v1 =	vadd.f32 v3, v1;
	v3 =	vmul.f32 v33, v10  }
0x332: {  	v44 =	vor.u32 $0x4B, v2;
	v8 =	vld.idx.msk [tilespmem:v34+s29+$0x0], $0xffff  }
0x333: {  	v43 =	vor.u32 $0xB, v2;
	v45 =	vld.idx.msk [tilespmem:v38+s29+$0x0], $0xffff;
	v1 =	vadd.f32 v3, v1;
	v3 =	vmul.f32 v36, v9  }
0x334: {  	v47 =	vor.u32 $0x4C, v2;
	v11 =	vld.idx.msk [tilespmem:v37+s29+$0x0], $0xffff  }
0x335: {  	v46 =	vor.u32 $0xC, v2;
	v12 =	vld.idx.msk [tilespmem:v40+s29+$0x0], $0xffff;
	v1 =	vadd.f32 v3, v1;
	v3 =	vmul.f32 v39, v5  }
0x336: {  	v50 =	vor.u32 $0x4D, v2;
	v48 =	vld.idx.msk [tilespmem:v41+s29+$0x0], $0xffff  }
0x337: {  	v49 =	vor.u32 $0xD, v2;
	v51 =	vld.idx.msk [tilespmem:v44+s29+$0x0], $0xffff;
	v1 =	vadd.f32 v3, v1;
	v3 =	vmul.f32 v42, v8  }
0x338: {  	v53 =	vor.u32 $0x4E, v2;
	v10 =	vld.idx.msk [tilespmem:v43+s29+$0x0], $0xffff  }
0x339: {  	v52 =	vor.u32 $0xE, v2;
	v54 =	vld.idx.msk [tilespmem:v47+s29+$0x0], $0xffff;
	v1 =	vadd.f32 v3, v1;
	v3 =	vmul.f32 v45, v11  }
0x33a: {  	v56 =	vor.u32 $0x4F, v2;
	v9 =	vld.idx.msk [tilespmem:v46+s29+$0x0], $0xffff  }
0x33b: {  	v55 =	vor.u32 $0xF, v2;
	v57 =	vld.idx.msk [tilespmem:v50+s29+$0x0], $0xffff;
	v1 =	vadd.f32 v3, v1;
	v3 =	vmul.f32 v48, v12  }
0x33c: {  	v59 =	vor.u32 $0x50, v2;
	v5 =	vld.idx.msk [tilespmem:v49+s29+$0x0], $0xffff  }
0x33d: {  	v58 =	vor.u32 $0x10, v2;
	v60 =	vld.idx.msk [tilespmem:v53+s29+$0x0], $0xffff;
	v1 =	vadd.f32 v3, v1;
	v3 =	vmul.f32 v51, v10  }
0x33e: {  	v62 =	vor.u32 $0x51, v2;
	v8 =	vld.idx.msk [tilespmem:v52+s29+$0x0], $0xffff  }
0x33f: {  	v61 =	vor.u32 $0x11, v2;
	v63 =	vld.idx.msk [tilespmem:v56+s29+$0x0], $0xffff;
	v1 =	vadd.f32 v3, v1;
	v3 =	vmul.f32 v54, v9  }
0x340: {  	v18 =	vor.u32 $0x52, v2;
	v11 =	vld.idx.msk [tilespmem:v55+s29+$0x0], $0xffff  }
0x341: {  	v17 =	vor.u32 $0x12, v2;
	v19 =	vld.idx.msk [tilespmem:v59+s29+$0x0], $0xffff;
	v1 =	vadd.f32 v3, v1;
	v3 =	vmul.f32 v57, v5  }
0x342: {  	v21 =	vor.u32 $0x53, v2;
	v12 =	vld.idx.msk [tilespmem:v58+s29+$0x0], $0xffff  }
0x343: {  	v20 =	vor.u32 $0x13, v2;
	v22 =	vld.idx.msk [tilespmem:v62+s29+$0x0], $0xffff;
	v1 =	vadd.f32 v3, v1;
	v3 =	vmul.f32 v60, v8  }
0x344: {  	v24 =	vor.u32 $0x54, v2;
	v10 =	vld.idx.msk [tilespmem:v61+s29+$0x0], $0xffff  }
0x345: {  	v23 =	vor.u32 $0x14, v2;
	v25 =	vld.idx.msk [tilespmem:v18+s29+$0x0], $0xffff;
	v1 =	vadd.f32 v3, v1;
	v3 =	vmul.f32 v63, v11  }
0x346: {  	v27 =	vor.u32 $0x55, v2;
	v9 =	vld.idx.msk [tilespmem:v17+s29+$0x0], $0xffff  }
0x347: {  	v26 =	vor.u32 $0x15, v2;
	v28 =	vld.idx.msk [tilespmem:v21+s29+$0x0], $0xffff;
	v1 =	vadd.f32 v3, v1;
	v3 =	vmul.f32 v19, v12  }
0x348: {  	v30 =	vor.u32 $0x56, v2;
	v5 =	vld.idx.msk [tilespmem:v20+s29+$0x0], $0xffff  }
0x349: {  	v29 =	vor.u32 $0x16, v2;
	v31 =	vld.idx.msk [tilespmem:v24+s29+$0x0], $0xffff;
	v1 =	vadd.f32 v3, v1;
	v3 =	vmul.f32 v22, v10  }
0x34a: {  	v33 =	vor.u32 $0x57, v2;
	v8 =	vld.idx.msk [tilespmem:v23+s29+$0x0], $0xffff  }
0x34b: {  	v32 =	vor.u32 $0x17, v2;
	v34 =	vld.idx.msk [tilespmem:v27+s29+$0x0], $0xffff;
	v1 =	vadd.f32 v3, v1;
	v3 =	vmul.f32 v25, v9  }
0x34c: {  	v36 =	vor.u32 $0x58, v2;
	v11 =	vld.idx.msk [tilespmem:v26+s29+$0x0], $0xffff  }
0x34d: {  	v35 =	vor.u32 $0x18, v2;
	v37 =	vld.idx.msk [tilespmem:v30+s29+$0x0], $0xffff;
	v1 =	vadd.f32 v3, v1;
	v3 =	vmul.f32 v28, v5  }
0x34e: {  	v39 =	vor.u32 $0x59, v2;
	v12 =	vld.idx.msk [tilespmem:v29+s29+$0x0], $0xffff  }
0x34f: {  	v38 =	vor.u32 $0x19, v2;
	v40 =	vld.idx.msk [tilespmem:v33+s29+$0x0], $0xffff;
	v1 =	vadd.f32 v3, v1;
	v3 =	vmul.f32 v31, v8  }
0x350: {  	v42 =	vor.u32 $0x5A, v2;
	v10 =	vld.idx.msk [tilespmem:v32+s29+$0x0], $0xffff  }
0x351: {  	v41 =	vor.u32 $0x1A, v2;
	v43 =	vld.idx.msk [tilespmem:v36+s29+$0x0], $0xffff;
	v1 =	vadd.f32 v3, v1;
	v3 =	vmul.f32 v34, v11  }
0x352: {  	v45 =	vor.u32 $0x5B, v2;
	v9 =	vld.idx.msk [tilespmem:v35+s29+$0x0], $0xffff  }
0x353: {  	v44 =	vor.u32 $0x1B, v2;
	v46 =	vld.idx.msk [tilespmem:v39+s29+$0x0], $0xffff;
	v1 =	vadd.f32 v3, v1;
	v3 =	vmul.f32 v37, v12  }
0x354: {  	v48 =	vor.u32 $0x5C, v2;
	v5 =	vld.idx.msk [tilespmem:v38+s29+$0x0], $0xffff  }
0x355: {  	v47 =	vor.u32 $0x1C, v2;
	v49 =	vld.idx.msk [tilespmem:v42+s29+$0x0], $0xffff;
	v1 =	vadd.f32 v3, v1;
	v3 =	vmul.f32 v40, v10  }
0x356: {  	v51 =	vor.u32 $0x5D, v2;
	v8 =	vld.idx.msk [tilespmem:v41+s29+$0x0], $0xffff  }
0x357: {  	v50 =	vor.u32 $0x1D, v2;
	v52 =	vld.idx.msk [tilespmem:v45+s29+$0x0], $0xffff;
	v1 =	vadd.f32 v3, v1;
	v3 =	vmul.f32 v43, v9  }
0x358: {  	v54 =	vor.u32 $0x5E, v2;
	v11 =	vld.idx.msk [tilespmem:v44+s29+$0x0], $0xffff  }
0x359: {  	v53 =	vor.u32 $0x1E, v2;
	v55 =	vld.idx.msk [tilespmem:v48+s29+$0x0], $0xffff;
	v1 =	vadd.f32 v3, v1;
	v3 =	vmul.f32 v46, v5  }
0x35a: {  	v57 =	vor.u32 $0x5F, v2;
	v12 =	vld.idx.msk [tilespmem:v47+s29+$0x0], $0xffff  }
0x35b: {  	v56 =	vor.u32 $0x1F, v2;
	v58 =	vld.idx.msk [tilespmem:v51+s29+$0x0], $0xffff;
	v1 =	vadd.f32 v3, v1;
	v3 =	vmul.f32 v49, v8  }
0x35c: {  	v60 =	vor.u32 $0x60, v2;
	v10 =	vld.idx.msk [tilespmem:v50+s29+$0x0], $0xffff  }
0x35d: {  	v59 =	vor.u32 $0x20, v2;
	v61 =	vld.idx.msk [tilespmem:v54+s29+$0x0], $0xffff;
	v1 =	vadd.f32 v3, v1;
	v3 =	vmul.f32 v52, v11  }
0x35e: {  	v63 =	vor.u32 $0x61, v2;
	v9 =	vld.idx.msk [tilespmem:v53+s29+$0x0], $0xffff  }
0x35f: {  	v62 =	vor.u32 $0x21, v2;
	v18 =	vld.idx.msk [tilespmem:v57+s29+$0x0], $0xffff;
	v1 =	vadd.f32 v3, v1;
	v3 =	vmul.f32 v55, v12  }
0x360: {  	v20 =	vor.u32 $0x62, v2;
	v5 =	vld.idx.msk [tilespmem:v56+s29+$0x0], $0xffff  }
0x361: {  	v19 =	vor.u32 $0x22, v2;
	v21 =	vld.idx.msk [tilespmem:v60+s29+$0x0], $0xffff;
	v1 =	vadd.f32 v3, v1;
	v3 =	vmul.f32 v58, v10  }
0x362: {  	v23 =	vor.u32 $0x63, v2;
	v8 =	vld.idx.msk [tilespmem:v59+s29+$0x0], $0xffff  }
0x363: {  	v22 =	vor.u32 $0x23, v2;
	v24 =	vld.idx.msk [tilespmem:v63+s29+$0x0], $0xffff;
	v1 =	vadd.f32 v3, v1;
	v3 =	vmul.f32 v61, v9  }
0x364: {  	v26 =	vor.u32 $0x64, v2;
	v11 =	vld.idx.msk [tilespmem:v62+s29+$0x0], $0xffff  }
0x365: {  	v27 =	vld.idx.msk [tilespmem:v20+s29+$0x0], $0xffff;
	v25 =	vor.u32 $0x24, v2;
	v1 =	vadd.f32 v3, v1;
	v3 =	vmul.f32 v18, v5  }
0x366: {  	v29 =	vor.u32 $0x65, v2;
	v12 =	vld.idx.msk [tilespmem:v19+s29+$0x0], $0xffff  }
0x367: {  	v30 =	vld.idx.msk [tilespmem:v23+s29+$0x0], $0xffff;
	v28 =	vor.u32 $0x25, v2;
	v1 =	vadd.f32 v3, v1;
	v3 =	vmul.f32 v21, v8  }
0x368: {  	v32 =	vor.u32 $0x66, v2;
	v10 =	vld.idx.msk [tilespmem:v22+s29+$0x0], $0xffff  }
0x369: {  	v33 =	vld.idx.msk [tilespmem:v26+s29+$0x0], $0xffff;
	v31 =	vor.u32 $0x26, v2;
	v1 =	vadd.f32 v3, v1;
	v3 =	vmul.f32 v24, v11  }
0x36a: {  	v35 =	vor.u32 $0x67, v2;
	v9 =	vld.idx.msk [tilespmem:v25+s29+$0x0], $0xffff  }
0x36b: {  	v36 =	vld.idx.msk [tilespmem:v29+s29+$0x0], $0xffff;
	v34 =	vor.u32 $0x27, v2;
	v1 =	vadd.f32 v3, v1;
	v3 =	vmul.f32 v27, v12  }
0x36c: {  	v38 =	vor.u32 $0x68, v2;
	v5 =	vld.idx.msk [tilespmem:v28+s29+$0x0], $0xffff  }
0x36d: {  	v39 =	vld.idx.msk [tilespmem:v32+s29+$0x0], $0xffff;
	v37 =	vor.u32 $0x28, v2;
	v1 =	vadd.f32 v3, v1;
	v3 =	vmul.f32 v30, v10  }
0x36e: {  	v41 =	vor.u32 $0x69, v2;
	v8 =	vld.idx.msk [tilespmem:v31+s29+$0x0], $0xffff  }
0x36f: {  	v42 =	vld.idx.msk [tilespmem:v35+s29+$0x0], $0xffff;
	v40 =	vor.u32 $0x29, v2;
	v1 =	vadd.f32 v3, v1;
	v3 =	vmul.f32 v33, v9  }
0x370: {  	v44 =	vor.u32 $0x6A, v2;
	v11 =	vld.idx.msk [tilespmem:v34+s29+$0x0], $0xffff  }
0x371: {  	v45 =	vld.idx.msk [tilespmem:v38+s29+$0x0], $0xffff;
	v43 =	vor.u32 $0x2A, v2;
	v1 =	vadd.f32 v3, v1;
	v3 =	vmul.f32 v36, v5  }
0x372: {  	v47 =	vor.u32 $0x6B, v2;
	v12 =	vld.idx.msk [tilespmem:v37+s29+$0x0], $0xffff  }
0x373: {  	v48 =	vld.idx.msk [tilespmem:v41+s29+$0x0], $0xffff;
	v46 =	vor.u32 $0x2B, v2;
	v1 =	vadd.f32 v3, v1;
	v3 =	vmul.f32 v39, v8  }
0x374: {  	v50 =	vor.u32 $0x6C, v2;
	v10 =	vld.idx.msk [tilespmem:v40+s29+$0x0], $0xffff  }
0x375: {  	v51 =	vld.idx.msk [tilespmem:v44+s29+$0x0], $0xffff;
	v49 =	vor.u32 $0x2C, v2;
	v1 =	vadd.f32 v3, v1;
	v3 =	vmul.f32 v42, v11  }
0x376: {  	v53 =	vor.u32 $0x6D, v2;
	v9 =	vld.idx.msk [tilespmem:v43+s29+$0x0], $0xffff  }
0x377: {  	v54 =	vld.idx.msk [tilespmem:v47+s29+$0x0], $0xffff;
	v52 =	vor.u32 $0x2D, v2;
	v1 =	vadd.f32 v3, v1;
	v3 =	vmul.f32 v45, v12  }
0x378: {  	v56 =	vor.u32 $0x6E, v2;
	v5 =	vld.idx.msk [tilespmem:v46+s29+$0x0], $0xffff  }
0x379: {  	v57 =	vld.idx.msk [tilespmem:v50+s29+$0x0], $0xffff;
	v55 =	vor.u32 $0x2E, v2;
	v1 =	vadd.f32 v3, v1;
	v3 =	vmul.f32 v48, v10  }
0x37a: {  	v59 =	vor.u32 $0x6F, v2;
	v8 =	vld.idx.msk [tilespmem:v49+s29+$0x0], $0xffff  }
0x37b: {  	v60 =	vld.idx.msk [tilespmem:v53+s29+$0x0], $0xffff;
	v58 =	vor.u32 $0x2F, v2;
	v1 =	vadd.f32 v3, v1;
	v3 =	vmul.f32 v51, v9  }
0x37c: {  	v62 =	vor.u32 $0x70, v2;
	v11 =	vld.idx.msk [tilespmem:v52+s29+$0x0], $0xffff  }
0x37d: {  	v63 =	vld.idx.msk [tilespmem:v56+s29+$0x0], $0xffff;
	v61 =	vor.u32 $0x30, v2;
	v1 =	vadd.f32 v3, v1;
	v3 =	vmul.f32 v54, v5  }
0x37e: {  	v19 =	vor.u32 $0x71, v2;
	v12 =	vld.idx.msk [tilespmem:v55+s29+$0x0], $0xffff  }
0x37f: {  	v20 =	vld.idx.msk [tilespmem:v59+s29+$0x0], $0xffff;
	v18 =	vor.u32 $0x31, v2;
	v1 =	vadd.f32 v3, v1;
	v3 =	vmul.f32 v57, v8  }
0x380: {  	v22 =	vor.u32 $0x72, v2;
	v10 =	vld.idx.msk [tilespmem:v58+s29+$0x0], $0xffff  }
0x381: {  	v23 =	vld.idx.msk [tilespmem:v62+s29+$0x0], $0xffff;
	v21 =	vor.u32 $0x32, v2;
	v1 =	vadd.f32 v3, v1;
	v3 =	vmul.f32 v60, v11  }
0x382: {  	v25 =	vor.u32 $0x73, v2;
	v9 =	vld.idx.msk [tilespmem:v61+s29+$0x0], $0xffff  }
0x383: {  	v26 =	vld.idx.msk [tilespmem:v19+s29+$0x0], $0xffff;
	v24 =	vor.u32 $0x33, v2;
	v1 =	vadd.f32 v3, v1;
	v3 =	vmul.f32 v63, v12  }
0x384: {  	v28 =	vor.u32 $0x74, v2;
	v5 =	vld.idx.msk [tilespmem:v18+s29+$0x0], $0xffff  }
0x385: {  	v29 =	vld.idx.msk [tilespmem:v22+s29+$0x0], $0xffff;
	v27 =	vor.u32 $0x34, v2;
	v1 =	vadd.f32 v3, v1;
	v3 =	vmul.f32 v20, v10  }
0x386: {  	v31 =	vor.u32 $0x75, v2;
	v8 =	vld.idx.msk [tilespmem:v21+s29+$0x0], $0xffff  }
0x387: {  	v32 =	vld.idx.msk [tilespmem:v25+s29+$0x0], $0xffff;
	v30 =	vor.u32 $0x35, v2;
	v1 =	vadd.f32 v3, v1;
	v3 =	vmul.f32 v23, v9  }
0x388: {  	v34 =	vor.u32 $0x76, v2;
	v11 =	vld.idx.msk [tilespmem:v24+s29+$0x0], $0xffff  }
0x389: {  	v35 =	vld.idx.msk [tilespmem:v28+s29+$0x0], $0xffff;
	v33 =	vor.u32 $0x36, v2;
	v1 =	vadd.f32 v3, v1;
	v3 =	vmul.f32 v26, v5  }
0x38a: {  	v37 =	vor.u32 $0x77, v2;
	v12 =	vld.idx.msk [tilespmem:v27+s29+$0x0], $0xffff  }
0x38b: {  	v38 =	vld.idx.msk [tilespmem:v31+s29+$0x0], $0xffff;
	v36 =	vor.u32 $0x37, v2;
	v1 =	vadd.f32 v3, v1;
	v3 =	vmul.f32 v29, v8  }
0x38c: {  	v40 =	vor.u32 $0x78, v2;
	v10 =	vld.idx.msk [tilespmem:v30+s29+$0x0], $0xffff  }
0x38d: {  	v41 =	vld.idx.msk [tilespmem:v34+s29+$0x0], $0xffff;
	v39 =	vor.u32 $0x38, v2;
	v1 =	vadd.f32 v3, v1;
	v3 =	vmul.f32 v32, v11  }
0x38e: {  	v43 =	vor.u32 $0x79, v2;
	v9 =	vld.idx.msk [tilespmem:v33+s29+$0x0], $0xffff  }
0x38f: {  	v44 =	vld.idx.msk [tilespmem:v37+s29+$0x0], $0xffff;
	v42 =	vor.u32 $0x39, v2;
	v1 =	vadd.f32 v3, v1;
	v3 =	vmul.f32 v35, v12  }
0x390: {  	v46 =	vor.u32 $0x7A, v2;
	v5 =	vld.idx.msk [tilespmem:v36+s29+$0x0], $0xffff  }
0x391: {  	v47 =	vld.idx.msk [tilespmem:v40+s29+$0x0], $0xffff;
	v45 =	vor.u32 $0x3A, v2;
	v1 =	vadd.f32 v3, v1;
	v3 =	vmul.f32 v38, v10  }
0x392: {  	v49 =	vor.u32 $0x7B, v2;
	v8 =	vld.idx.msk [tilespmem:v39+s29+$0x0], $0xffff  }
0x393: {  	v50 =	vld.idx.msk [tilespmem:v43+s29+$0x0], $0xffff;
	v48 =	vor.u32 $0x3B, v2;
	v1 =	vadd.f32 v3, v1;
	v3 =	vmul.f32 v41, v9  }
0x394: {  	v52 =	vor.u32 $0x7C, v2;
	v11 =	vld.idx.msk [tilespmem:v42+s29+$0x0], $0xffff  }
0x395: {  	v53 =	vld.idx.msk [tilespmem:v46+s29+$0x0], $0xffff;
	v51 =	vor.u32 $0x3C, v2;
	v1 =	vadd.f32 v3, v1;
	v3 =	vmul.f32 v44, v5  }
0x396: {  	v55 =	vor.u32 $0x7D, v2;
	v12 =	vld.idx.msk [tilespmem:v45+s29+$0x0], $0xffff  }
0x397: {  	v56 =	vld.idx.msk [tilespmem:v49+s29+$0x0], $0xffff;
	v54 =	vor.u32 $0x3D, v2;
	v1 =	vadd.f32 v3, v1;
	v3 =	vmul.f32 v47, v8  }
0x398: {  	v58 =	vor.u32 $0x7E, v2;
	v10 =	vld.idx.msk [tilespmem:v48+s29+$0x0], $0xffff  }
0x399: {  	v59 =	vld.idx.msk [tilespmem:v52+s29+$0x0], $0xffff;
	v57 =	vor.u32 $0x3E, v2;
	v1 =	vadd.f32 v3, v1;
	v3 =	vmul.f32 v50, v11  }
0x39a: {  	v60 =	vor.u32 $0x3F, v2;
	v9 =	vld.idx.msk [tilespmem:v51+s29+$0x0], $0xffff  }
0x39b: {  	v61 =	vld.idx.msk [tilespmem:v55+s29+$0x0], $0xffff;
	v2 =	vor.u32 $0x7F, v2;
	v1 =	vadd.f32 v3, v1;
	v3 =	vmul.f32 v53, v12  }
0x39c: {  	v5 =	vld.idx.msk [tilespmem:v54+s29+$0x0], $0xffff  }
0x39d: {  	v62 =	vld.idx.msk [tilespmem:v58+s29+$0x0], $0xffff;
	v1 =	vadd.f32 v3, v1;
	v3 =	vmul.f32 v56, v10  }
0x39e: {  	v8 =	vld.idx.msk [tilespmem:v57+s29+$0x0], $0xffff  }
0x39f: {  	v63 =	vld.idx.msk [tilespmem:v60+s29+$0x0], $0xffff;
	v1 =	vadd.f32 v3, v1;
	v3 =	vmul.f32 v59, v9  }
0x3a0: {  	v2 =	vld.idx.msk [tilespmem:v2+s29+$0x0], $0xffff  }
0x3a1: {  	v1 =	vadd.f32 v3, v1;
	v3 =	vmul.f32 v61, v5;
	_ =	sdelay $0x1  }
0x3a2: {  	v1 =	vadd.f32 v3, v1;
	v3 =	vmul.f32 v62, v8;
	_ =	sdelay $0x1  }
0x3a3: {  	v2 =	vmul.f32 v2, v63;
	v1 =	vadd.f32 v3, v1;
	_ =	sdelay $0x1  }
0x3a4: {  	s0 =	sadd.s32 $0x1, s0;
	v1 =	vadd.f32 v2, v1  }
0x3a5: {  	p0 =	sne.s32 s0, s11;
	s3 =	sadd.s32 $0x10, s3  }
.Ltmp2:
0x3a6: {  	[tilespmem:s3+$0x0] =	vst v1;
	(pc) =	sbr.rel @p0 .LBB2_1-.Ltmp2, $4  }
0x3a7: {  	[hbm4b:s10+s2] =	stream.linear.scatter [tilespmem:s31], [sflag:$0x2], $0x200, $0x38;
	[tilespmem:$0x10A80] =	vst v63  }
0x3a8: {  	_ =	swait.ge [sflag:s12], $0x200  }
0x3a9: {  	[sflag:s12] =	ssyncset.done $0x0  }
0x3aa: {  	[sflag:s12] =	ssyncadd.s32 $0xFFFFFE00  }
0x3ab: {  	_ =	sfence.sel $0x180000  }
0x3ac: {  	[bflag:$0x0] =	sbarrier.arrive $0xFFFF  }
0x3ad: {  	_ =	strace $0x90000047  }
0x3ae: {  	s0 =	stileid.u32;
	[bflag:$0x2] =	sbarrier.arrive $0xFFFF  }
0x3af: {  	p0 =	sne.s32 s0, $0x0;
	s0 =	rddreg [dreg:$0x4]  }
0x3b0: {  	s0 =	sadd.s32 @!p0 $0x100000, s0  }
0x3b1: {  	[sflag:s0] =	ssyncadd.tile.s32 @!p0 $0x1;
	_ =	shalt  }
.Lfunc_end2:
_tile_overlayer_lowered:
.L_overlay_start_2:
0x3b2: {  	(tag) =	ssettag $0x2  }
0x3b3: {  	s0 =	rddreg [dreg:$0x0];
	s2 =	stileid.u32  }
0x3b4: {  	s1 =	rddreg [dreg:$0x1];
	p0 =	sne.s32 s2, $0x0  }
0x3b5: {  	s3 =	rddreg [dreg:$0x2];
	[bflag:$0x3] =	sbarrier.arrive $0xFFFF;
	s2 =	simm.s32 @!p0 $0x1C02  }
0x3b6: {  	[timem:s3], [sflag:s2] =	dma.local @!p0 [hbm:s0], s1  }
0x3b7: {  	s0 =	simm.s32 @!p0 $0x2  }
0x3b8: {  	_ =	swait.ge @!p0 [sflag:s0], s1  }
0x3b9: {  	s1 =	ssub.s32 @!p0 $0x0, s1;
	[sflag:s0] =	ssyncset.done @!p0 $0x0  }
0x3ba: {  	[sflag:s0] =	ssyncadd.s32 @!p0 s1  }
0x3bb: {  	[bflag:$0x3] =	sbarrier.arrive $0xFFFF  }
0x3bc: {  	_ =	shalt  }

</sc_bundles>
